<compile_context>
chip_gen: v7x
topology: tpu7x:2x2x1
jax: 0.10.2.dev20260603
libtpu: 0.0.44.dev20260713+nightly
codegen_flags: <defaults>
</compile_context>

<pallas_src>
import functools
import itertools

import jax
import jax.numpy as jnp
from jax import lax
from jax.experimental import pallas as pl
from jax.experimental.pallas import tpu as pltpu
from jax.experimental.pallas import tpu_sc as plsc

_E = 320000
_N = 10000
_D_EDGE = 4
_HIDDEN = 64
_NDIM = 3
_COMBOS = [list(c) for dd in range(1, 3)
           for c in itertools.combinations_with_replacement(range(_D_EDGE), dd)]
_NPROD = len(_COMBOS)
_MSG = _NPROD * _NDIM


_BA = 6400


def _edge_mlp_body(ea, w1, b1, w2, b2, w3, b3, pa, pb, pb0, rsum, out):
    x = ea[...]
    def leaky(v):
        return jnp.where(v >= 0, v, 0.01 * v)
    h = leaky(jnp.dot(x, w1[...], preferred_element_type=jnp.float32) + b1[...])
    h = leaky(jnp.dot(h, w2[...], preferred_element_type=jnp.float32) + b2[...])
    h = jnp.dot(h, w3[...], preferred_element_type=jnp.float32) + b3[...]
    hp = jax.lax.Precision.HIGHEST
    p3 = (jnp.dot(x, pa[...], preferred_element_type=jnp.float32, precision=hp)
          * (jnp.dot(x, pb[...], preferred_element_type=jnp.float32,
                     precision=hp) + pb0[...]))
    res8 = jnp.dot(h * p3, rsum[...], preferred_element_type=jnp.float32)
    out[...] = res8.T


def _edge_mlp(edge_attr, mW1, mb1, mW2, mb2, mW3, mb3):
    rsum = jnp.zeros((_MSG, 8), jnp.float32)
    for d in range(_NDIM):
        rsum = rsum.at[d * _NPROD:(d + 1) * _NPROD, d].set(1.0)
        rsum = rsum.at[d * _NPROD:(d + 1) * _NPROD, d + 4].set(-1.0)
    pa = jnp.zeros((_D_EDGE, _MSG), jnp.float32)
    pb = jnp.zeros((_D_EDGE, _MSG), jnp.float32)
    pb0 = jnp.zeros((1, _MSG), jnp.float32)
    for p, c in enumerate(_COMBOS):
        for d in range(_NDIM):
            pa = pa.at[c[0], d * _NPROD + p].set(1.0)
            if len(c) == 2:
                pb = pb.at[c[1], d * _NPROD + p].set(1.0)
            else:
                pb0 = pb0.at[0, d * _NPROD + p].set(1.0)
    grid = _E // _BA
    return pl.pallas_call(
        _edge_mlp_body,
        grid=(grid,),
        in_specs=[
            pl.BlockSpec((_BA, _D_EDGE), lambda i: (i, 0)),
            pl.BlockSpec((_D_EDGE, _HIDDEN), lambda i: (0, 0)),
            pl.BlockSpec((1, _HIDDEN), lambda i: (0, 0)),
            pl.BlockSpec((_HIDDEN, _HIDDEN), lambda i: (0, 0)),
            pl.BlockSpec((1, _HIDDEN), lambda i: (0, 0)),
            pl.BlockSpec((_HIDDEN, _MSG), lambda i: (0, 0)),
            pl.BlockSpec((1, _MSG), lambda i: (0, 0)),
            pl.BlockSpec((_D_EDGE, _MSG), lambda i: (0, 0)),
            pl.BlockSpec((_D_EDGE, _MSG), lambda i: (0, 0)),
            pl.BlockSpec((1, _MSG), lambda i: (0, 0)),
            pl.BlockSpec((_MSG, 8), lambda i: (0, 0)),
        ],
        out_specs=pl.BlockSpec((8, _BA), lambda i: (0, i)),
        out_shape=jax.ShapeDtypeStruct((8, _E), jnp.float32),
    )(edge_attr, mW1, mb1.reshape(1, -1), mW2, mb2.reshape(1, -1),
      mW3, mb3.reshape(1, -1), pa, pb, pb0, rsum)



_NSUB = 32
_CHUNK = _E // _NSUB
_SB = 2000
_STR = 8
_S = _E // _STR
_NQ16 = _SB // 16
_TAB_HI = 65536
_TAB_STEPS = 17


def _sc_kernel(src, dst, ijs, ij, res2f):
    mesh = plsc.VectorSubcoreMesh(core_axis_name="c", subcore_axis_name="s")
    e_i32 = jnp.int32(_E)

    @functools.partial(
        pl.kernel,
        out_type=jax.ShapeDtypeStruct((2 * 3 * _N,), jnp.float32),
        mesh=mesh,
        scratch_types=[
            pltpu.VMEM((_S,), jnp.int32),
            pltpu.VMEM((_SB,), jnp.int32),
            pltpu.VMEM((_SB,), jnp.int32),
            pltpu.VMEM((_SB,), jnp.int32),
            pltpu.VMEM((_SB,), jnp.int32),
            pltpu.VMEM((_SB,), jnp.int32),
            pltpu.VMEM((_SB,), jnp.int32),
            pltpu.VMEM((_SB,), jnp.int32),
            pltpu.VMEM((_SB,), jnp.int32),
            pltpu.VMEM((_SB,), jnp.int32),
            pltpu.VMEM((_SB,), jnp.int32),
            pltpu.VMEM((3 * _SB,), jnp.int32),
            pltpu.VMEM((3 * _SB,), jnp.float32),
            pltpu.VMEM((3 * _SB,), jnp.int32),
            pltpu.VMEM_SHARED((3 * _N,), jnp.float32),
            pltpu.SemaphoreType.DMA,
        ],
        compiler_params=pltpu.CompilerParams(needs_layout_passes=False,
                                             use_tc_tiling_on_sc=False),
    )
    def k(src_hbm, dst_hbm, ijs_hbm, ij_hbm, res2f_hbm, zeros_hbm, out_hbm,
          table_v, srcb, dstb, mb, lob, hib, midb, valb, rankb, ilastb, rhob,
          idx3b, gvb, sidx3b, aggr_sp, sem):
        cid = lax.axis_index("c")
        sid = lax.axis_index("s")
        wid = cid * 16 + sid
        base = wid * _CHUNK

        pltpu.sync_copy(ijs_hbm, table_v)

        @pl.when(sid == 0)
        def _():
            pltpu.sync_copy(zeros_hbm, aggr_sp)
        plsc.subcore_barrier()

        def load16(ref, kk):
            return ref[pl.ds(kk * 16, 16)]

        def q_ij(kk):
            return load16(srcb, kk) * e_i32 + load16(dstb, kk)

        def q_ij1(kk):
            return q_ij(kk) + 1

        def q_ji(kk):
            return load16(dstb, kk) * e_i32 + load16(srcb, kk)

        def wbase(m):
            return _STR * jnp.maximum(m - 1, 0)

        def search(q_of, c_store):
            def l1(kk, _):
                q = q_of(kk)
                lo = jnp.zeros((16,), jnp.int32)
                hi = jnp.full((16,), _TAB_HI, jnp.int32)
                for _i in range(_TAB_STEPS):
                    mid = (lo + hi) >> 1
                    val = plsc.load_gather(table_v, [jnp.minimum(mid, _S - 1)])
                    lt = (val < q) & (mid < _S)
                    lo = jnp.where(lt, mid + 1, lo)
                    hi = jnp.where(lt, hi, mid)
                mb[pl.ds(kk * 16, 16)] = lo
                midb[pl.ds(kk * 16, 16)] = wbase(lo) + 4
                return 0
            lax.fori_loop(0, _NQ16, l1, 0, unroll=False)

            for rnd in range(3):
                pltpu.async_copy(ij_hbm.at[midb], valb, sem).wait()
                def upd(kk, _, rnd=rnd):
                    q = q_of(kk)
                    m = load16(mb, kk)
                    w = wbase(m)
                    if rnd == 0:
                        lo = jnp.full((16,), 1, jnp.int32)
                        hi = jnp.full((16,), 8, jnp.int32)
                    else:
                        lo = load16(lob, kk)
                        hi = load16(hib, kk)
                    mid = (lo + hi) >> 1
                    val = load16(valb, kk)
                    lt = val < q
                    lo = jnp.where(lt, mid + 1, lo)
                    hi = jnp.where(lt, hi, mid)
                    if rnd < 2:
                        lob[pl.ds(kk * 16, 16)] = lo
                        hib[pl.ds(kk * 16, 16)] = hi
                        midb[pl.ds(kk * 16, 16)] = w + ((lo + hi) >> 1)
                    else:
                        c = jnp.where(m == 0, 0, w + lo)
                        c_store(kk, c)
                    return 0
                lax.fori_loop(0, _NQ16, upd, 0, unroll=False)

        def sub_batch(sb, _):
            sb_base = base + sb * _SB
            pltpu.sync_copy(src_hbm.at[pl.ds(sb_base, _SB)], srcb)
            pltpu.sync_copy(dst_hbm.at[pl.ds(sb_base, _SB)], dstb)

            def store_rank(kk, c):
                gidx = sb_base + kk * 16 + lax.iota(jnp.int32, 16)
                rankb[pl.ds(kk * 16, 16)] = gidx - c
            search(q_ij, store_rank)

            def store_ilast(kk, c):
                ilastb[pl.ds(kk * 16, 16)] = c - 1
            search(q_ij1, store_ilast)

            def store_rho(kk, c):
                rank = load16(rankb, kk)
                neg = (load16(srcb, kk) < load16(dstb, kk)) & (rank == 0)
                rho = jnp.where(neg, load16(ilastb, kk), c + rank)
                rho = jnp.clip(rho, 0, _E - 1)
                rhob[pl.ds(kk * 16, 16)] = rho + jnp.where(neg, 4 * e_i32, 0)
            search(q_ji, store_rho)

            def build(kk, _):
                rho = load16(rhob, kk)
                s3 = load16(srcb, kk) * 3
                pos = lax.iota(jnp.int32, 16) * 3 + (48 * kk)
                for c in range(3):
                    plsc.store_scatter(idx3b, [pos + c], rho + c * e_i32)
                    plsc.store_scatter(sidx3b, [pos + c], s3 + c)
                return 0
            lax.fori_loop(0, _NQ16, build, 0, unroll=False)

            pltpu.async_copy(res2f_hbm.at[idx3b], gvb, sem).wait()
            pltpu.sync_copy(gvb, aggr_sp.at[sidx3b], add=True)
            return 0

        lax.fori_loop(0, _CHUNK // _SB, sub_batch, 0, unroll=False)
        plsc.subcore_barrier()

        @pl.when(sid == 0)
        def _():
            pltpu.sync_copy(aggr_sp, out_hbm.at[pl.ds(cid * (3 * _N), 3 * _N)])

    zeros = jnp.zeros((3 * _N,), jnp.float32)
    return k(src, dst, ijs, ij, res2f, zeros)



_BC = 2000


def _update_body(xb, pa, gamma, beta, w1, b1, w2, b2, w3, b3, out):
    a3 = pa[0] + pa[1]
    x = xb[...]
    xv = jnp.concatenate([x, a3], axis=1)
    nf = xv.shape[1]
    mu = jnp.sum(xv, axis=1, keepdims=True) / nf
    var = jnp.sum((xv - mu) ** 2, axis=1, keepdims=True) / nf
    xn = (xv - mu) / jnp.sqrt(var + 1e-5) * gamma[...] + beta[...]
    def leaky(v):
        return jnp.where(v >= 0, v, 0.01 * v)
    y = leaky(jnp.dot(xn, w1[...], preferred_element_type=jnp.float32) + b1[...])
    y = leaky(jnp.dot(y, w2[...], preferred_element_type=jnp.float32) + b2[...])
    out[...] = jnp.dot(y, w3[...], preferred_element_type=jnp.float32) + b3[...]


def _update(x, partials, gamma, beta, uW1, ub1, uW2, ub2, uW3, ub3):
    n, dfeat = x.shape
    nf = dfeat + _NDIM
    d1, d2, dout = uW1.shape[1], uW2.shape[1], uW3.shape[1]
    grid = n // _BC
    return pl.pallas_call(
        _update_body,
        grid=(grid,),
        in_specs=[
            pl.BlockSpec((_BC, dfeat), lambda i: (i, 0)),
            pl.BlockSpec((2, _BC, 3), lambda i: (0, i, 0)),
            pl.BlockSpec((1, nf), lambda i: (0, 0)),
            pl.BlockSpec((1, nf), lambda i: (0, 0)),
            pl.BlockSpec((nf, d1), lambda i: (0, 0)),
            pl.BlockSpec((1, d1), lambda i: (0, 0)),
            pl.BlockSpec((d1, d2), lambda i: (0, 0)),
            pl.BlockSpec((1, d2), lambda i: (0, 0)),
            pl.BlockSpec((d2, dout), lambda i: (0, 0)),
            pl.BlockSpec((1, dout), lambda i: (0, 0)),
        ],
        out_specs=pl.BlockSpec((_BC, dout), lambda i: (i, 0)),
        out_shape=jax.ShapeDtypeStruct((n, dout), jnp.float32),
    )(x, partials, gamma.reshape(1, -1), beta.reshape(1, -1),
      uW1, ub1.reshape(1, -1), uW2, ub2.reshape(1, -1),
      uW3, ub3.reshape(1, -1))



def kernel(x, edge_index, edge_attr, mW1, mb1, mW2, mb2, mW3, mb3,
           gamma, beta, uW1, ub1, uW2, ub2, uW3, ub3):
    src = edge_index[0].astype(jnp.int32)
    dst = edge_index[1].astype(jnp.int32)
    ij = src * jnp.int32(_E) + dst
    ijs = ij[::_STR]

    res2 = _edge_mlp(edge_attr, mW1, mb1, mW2, mb2, mW3, mb3)
    res2f = res2.reshape(8 * _E)

    flat = _sc_kernel(src, dst, ijs, ij, res2f)
    partials = flat.reshape(2, _N, 3)

    return _update(x, partials, gamma, beta, uW1, ub1, uW2, ub2, uW3, ub3)

# --- scband reference (transcript-rebuilt; emitter-appended) ---
"""Pipeline reference for scband-gam-gnn-32873679684152 (READ-ONLY COPY).

The authoritative reference and input builder live on the scoring server;
editing this copy changes nothing except your own understanding.
"""

import jax, jax.numpy as jnp
import numpy as np
import itertools

N_NODES = 10000
N_EDGES = 320000
D_FEAT = 128
D_EDGE = 4
DEGREE = 2
NDIM = 3
HIDDEN = 64
OUT_SHAPE = 128
COMBOS = [list(c) for dd in range(1, DEGREE + 1) for c in itertools.combinations_with_replacement(range(D_EDGE), dd)]
NPROD = len(COMBOS)
MSG_SHAPE = NPROD * NDIM


def compute_products_batch(t):
    cols = [jnp.prod(t[:, jnp.array(c)], axis=1) for c in COMBOS]
    return jnp.stack(cols, axis=1)


def setup_inputs(seed: int = 0) -> dict:
    key = jax.random.key(seed)
    ks = jax.random.split(key, 12)
    half = N_EDGES // 2
    lo = jax.random.randint(ks[0], (half,), 0, N_NODES - 1)
    r2 = jax.random.randint(ks[1], (half,), 0, 1 << 30)
    hi = lo + 1 + r2 % (N_NODES - 1 - lo)
    src = jnp.concatenate([lo, hi])
    dst = jnp.concatenate([hi, lo])
    uid = src * N_EDGES + dst
    order = jnp.argsort(uid)
    edge_index = jnp.stack([src, dst])[:, order].astype(jnp.int64)
    x = jax.random.normal(ks[2], (N_NODES, D_FEAT), dtype=jnp.float32)
    edge_attr = jax.random.normal(ks[3], (N_EDGES, D_EDGE), dtype=jnp.float32)

    def lin(k, fi, fo):
        w = jax.random.normal(k, (fi, fo), dtype=jnp.float32) * np.sqrt(2.0 / fi)
        b = jnp.full((fo,), 0.01, dtype=jnp.float32)
        return w, b

    mW1, mb1 = lin(ks[4], D_EDGE, HIDDEN)
    mW2, mb2 = lin(ks[5], HIDDEN, HIDDEN)
    mW3, mb3 = lin(ks[6], HIDDEN, MSG_SHAPE)
    nfeat = D_FEAT + NDIM
    gamma = jnp.ones((nfeat,), jnp.float32)
    beta = jnp.zeros((nfeat,), jnp.float32)
    delta = (nfeat - OUT_SHAPE) // 3
    d1 = nfeat - delta
    d2 = d1 - delta
    uW1, ub1 = lin(ks[7], nfeat, d1)
    uW2, ub2 = lin(ks[8], d1, d2)
    uW3, ub3 = lin(ks[9], d2, OUT_SHAPE)
    return {"x": x, "edge_index": edge_index, "edge_attr": edge_attr,
            "mW1": mW1, "mb1": mb1, "mW2": mW2, "mb2": mb2, "mW3": mW3, "mb3": mb3,
            "gamma": gamma, "beta": beta,
            "uW1": uW1, "ub1": ub1, "uW2": uW2, "ub2": ub2, "uW3": uW3, "ub3": ub3}


def reference(x, edge_index, edge_attr, mW1, mb1, mW2, mb2, mW3, mb3, gamma, beta, uW1, ub1, uW2, ub2, uW3, ub3):
    E = edge_index.shape[1]
    # unique_ids uses E (number of edges) as the multiplier, as in the original code
    ij = edge_index[0] * E + edge_index[1]
    ji = edge_index[1] * E + edge_index[0]
    ji_pos = jnp.searchsorted(ij, ji)
    mask = edge_index[0] < edge_index[1]
    inds_i = jnp.nonzero(mask, size=E // 2)[0]
    inds_j = ji_pos[inds_i]
    # message: polynomial products of edge features, GAM-style weighting
    prods = compute_products_batch(edge_attr)
    prods_r = jnp.tile(prods, (1, NDIM)).reshape(NDIM * E, NPROD)
    h = jax.nn.leaky_relu(edge_attr @ mW1 + mb1)
    h = jax.nn.leaky_relu(h @ mW2 + mb2)
    h = h @ mW3 + mb3
    weights = h.reshape(NDIM * E, NPROD)
    res = jnp.sum(weights * prods_r, axis=-1).reshape(E, NDIM)
    # enforce antisymmetry: message(j->i) = -message(i->j)
    res = res.at[inds_j].set(-res[inds_i])
    # aggregate (add) onto target nodes
    aggr = jax.ops.segment_sum(res, edge_index[1], num_segments=x.shape[0])
    # update: LayerNorm(concat) -> MLP
    xv = jnp.concatenate([x, aggr], axis=-1)
    mu = jnp.mean(xv, axis=-1, keepdims=True)
    var = jnp.var(xv, axis=-1, keepdims=True)
    xn = (xv - mu) / jnp.sqrt(var + 1e-5) * gamma + beta
    y = jax.nn.leaky_relu(xn @ uW1 + ub1)
    y = jax.nn.leaky_relu(y @ uW2 + ub2)
    y = y @ uW3 + ub3
    return y

if __name__ == "__main__":
    import jax
    _d = setup_inputs()
    print(jax.jit(kernel)(*tuple(_d.values())))

</pallas_src>

<mosaic_0001>
#map = affine_map<(d0, d1) -> (0)>
module attributes {stable_mosaic.version = 14 : i64} {
  func.func @_rewritten_body(%arg0: i32, %arg1: i32, %arg2: memref<320000xi32, #tpu.memory_space<hbm>>, %arg3: memref<320000xi32, #tpu.memory_space<hbm>>, %arg4: memref<40000xi32, #tpu.memory_space<hbm>>, %arg5: memref<320000xi32, #tpu.memory_space<hbm>>, %arg6: memref<2560000xf32, #tpu.memory_space<hbm>>, %arg7: memref<30000xf32, #tpu.memory_space<hbm>>, %arg8: memref<1xi32, #tpu.memory_space<hbm>>, %arg9: memref<60000xf32, #tpu.memory_space<hbm>>, %arg10: memref<40000xi32, #tpu.memory_space<vmem>>, %arg11: memref<2000xi32, #tpu.memory_space<vmem>>, %arg12: memref<2000xi32, #tpu.memory_space<vmem>>, %arg13: memref<2000xi32, #tpu.memory_space<vmem>>, %arg14: memref<2000xi32, #tpu.memory_space<vmem>>, %arg15: memref<2000xi32, #tpu.memory_space<vmem>>, %arg16: memref<2000xi32, #tpu.memory_space<vmem>>, %arg17: memref<2000xi32, #tpu.memory_space<vmem>>, %arg18: memref<2000xi32, #tpu.memory_space<vmem>>, %arg19: memref<2000xi32, #tpu.memory_space<vmem>>, %arg20: memref<2000xi32, #tpu.memory_space<vmem>>, %arg21: memref<6000xi32, #tpu.memory_space<vmem>>, %arg22: memref<6000xf32, #tpu.memory_space<vmem>>, %arg23: memref<6000xi32, #tpu.memory_space<vmem>>, %arg24: memref<30000xf32, #tpu.memory_space<vmem_shared>>, %arg25: memref<!tpu.dma_semaphore, #tpu.memory_space<semaphore_mem>>) attributes {dimension_semantics = [#tpu.dimension_semantics<core_parallel>, #tpu.dimension_semantics<subcore_parallel>], iteration_bounds = array<i64: 2, 16>, scalar_prefetch = 0 : i64, scratch_operands = 16 : i64, tpu.core_type = #tpu.core_type<sc_vector_subcore>, window_params = [{transform_indices = #map}, {transform_indices = #map}, {transform_indices = #map}, {transform_indices = #map}, {transform_indices = #map}, {transform_indices = #map}, {transform_indices = #map}, {transform_indices = #map}]} {
    %empty_ref3A = memref.alloca() : memref<16xi32, #tpu.memory_space<vmem>>
    "tpu.region"() ({
      %run_scoped3A = tpu.sem_alloc : memref<!tpu.dma_semaphore, #tpu.memory_space<semaphore_mem>>
      %dma_start3A = arith.constant 0 : i32
      %dma_start3A_18 = tpu.memref_slice %empty_ref3A[%dma_start3A] : memref<16xi32, #tpu.memory_space<vmem>> -> memref<1xi32, #tpu.memory_space<vmem>>
      %dma_start3A_19 = arith.constant 0 : i32
      %dma_start3A_20 = tpu.memref_slice %empty_ref3A[%dma_start3A_19] : memref<16xi32, #tpu.memory_space<vmem>> -> memref<1xi32, #tpu.memory_space<vmem>>
      tpu.enqueue_dma source(%arg8 : memref<1xi32, #tpu.memory_space<hbm>>) target(%dma_start3A_20 : memref<1xi32, #tpu.memory_space<vmem>>) target_semaphore(%run_scoped3A : memref<!tpu.dma_semaphore, #tpu.memory_space<semaphore_mem>>)
      %dma_wait3A = arith.constant 0 : i32
      %dma_wait3A_21 = tpu.memref_slice %empty_ref3A[%dma_wait3A] : memref<16xi32, #tpu.memory_space<vmem>> -> memref<1xi32, #tpu.memory_space<vmem>>
      %dma_wait3A_22 = arith.constant 0 : i32
      %dma_wait3A_23 = tpu.memref_slice %empty_ref3A[%dma_wait3A_22] : memref<16xi32, #tpu.memory_space<vmem>> -> memref<1xi32, #tpu.memory_space<vmem>>
      tpu.wait_dma2 semaphore(%run_scoped3A : memref<!tpu.dma_semaphore, #tpu.memory_space<semaphore_mem>>) src(%arg8 : memref<1xi32, #tpu.memory_space<hbm>>) dst(%dma_wait3A_23 : memref<1xi32, #tpu.memory_space<vmem>>)
      tpu.yield
    }) : () -> ()
    %get3A = arith.constant 0 : index
    %get3A_0 = tpu.vector_load %empty_ref3A[%get3A] {strides = array<i32>} : memref<16xi32, #tpu.memory_space<vmem>>, vector<16xi32>,
    %slice3A = vector.extract_strided_slice %get3A_0 {offsets = [0], sizes = [1], strides = [1]} : vector<16xi32> to vector<1xi32>
    %squeeze3A = vector.extract %slice3A[0] : i32 from vector<1xi32>
    %mul3A = arith.constant 16 : i32
    %mul3A_1 = arith.muli %arg0, %mul3A : i32
    %add3A = arith.addi %mul3A_1, %arg1 : i32
    %mul3A_2 = arith.constant 10000 : i32
    %mul3A_3 = arith.muli %add3A, %mul3A_2 : i32
    "tpu.region"() ({
      %run_scoped3A = tpu.sem_alloc : memref<!tpu.dma_semaphore, #tpu.memory_space<semaphore_mem>>
      tpu.enqueue_dma source(%arg4 : memref<40000xi32, #tpu.memory_space<hbm>>) target(%arg10 : memref<40000xi32, #tpu.memory_space<vmem>>) target_semaphore(%run_scoped3A : memref<!tpu.dma_semaphore, #tpu.memory_space<semaphore_mem>>)
      tpu.wait_dma2 semaphore(%run_scoped3A : memref<!tpu.dma_semaphore, #tpu.memory_space<semaphore_mem>>) src(%arg4 : memref<40000xi32, #tpu.memory_space<hbm>>) dst(%arg10 : memref<40000xi32, #tpu.memory_space<vmem>>)
      tpu.yield
    }) : () -> ()
    %eq3A = arith.constant 0 : i32
    %eq3A_4 = arith.cmpi eq, %arg1, %eq3A : i32
    %convert_element_type3A = arith.extui %eq3A_4 : i1 to i32
    %cond3A = arith.constant 0 : i32
    %cond3A_5 = arith.cmpi ne, %convert_element_type3A, %cond3A : i32
    scf.if %cond3A_5 {
      "tpu.region"() ({
        %run_scoped3A = tpu.sem_alloc : memref<!tpu.dma_semaphore, #tpu.memory_space<semaphore_mem>>
        tpu.enqueue_dma source(%arg7 : memref<30000xf32, #tpu.memory_space<hbm>>) target(%arg24 : memref<30000xf32, #tpu.memory_space<vmem_shared>>) target_semaphore(%run_scoped3A : memref<!tpu.dma_semaphore, #tpu.memory_space<semaphore_mem>>)
        tpu.wait_dma2 semaphore(%run_scoped3A : memref<!tpu.dma_semaphore, #tpu.memory_space<semaphore_mem>>) src(%arg7 : memref<30000xf32, #tpu.memory_space<hbm>>) dst(%arg24 : memref<30000xf32, #tpu.memory_space<vmem_shared>>)
        tpu.yield
      }) : () -> ()
    } else {
    }
    %barrier3A = arith.constant 0 : index
    tpu.barrier barrier_id(%barrier3A)
    %scan3A = arith.constant 0 : i32
    %scan3A_6 = arith.constant 0 : i32
    %scan3A_7 = arith.constant 5 : i32
    %scan3A_8 = arith.addi %scan3A_6, %scan3A_7 : i32
    %scan3A_9 = arith.constant 1 : i32
    %scan3A_10 = scf.for %scan3A_18 = %scan3A_6 to %scan3A_8 step %scan3A_9 iter_args(%scan3A_19 = %scan3A) -> (i32)  : i32 {
      %mul3A_20 = arith.constant 2000 : i32
      %mul3A_21 = arith.muli %scan3A_18, %mul3A_20 : i32
      %add3A_22 = arith.addi %mul3A_3, %mul3A_21 : i32
      "tpu.region"() ({
        %run_scoped3A = tpu.sem_alloc : memref<!tpu.dma_semaphore, #tpu.memory_space<semaphore_mem>>
        %dma_start3A_153 = tpu.memref_slice %arg2[%add3A_22] : memref<320000xi32, #tpu.memory_space<hbm>> -> memref<2000xi32, #tpu.memory_space<hbm>>
        %dma_start3A_154 = tpu.memref_slice %arg2[%add3A_22] : memref<320000xi32, #tpu.memory_space<hbm>> -> memref<2000xi32, #tpu.memory_space<hbm>>
        tpu.enqueue_dma source(%dma_start3A_154 : memref<2000xi32, #tpu.memory_space<hbm>>) target(%arg11 : memref<2000xi32, #tpu.memory_space<vmem>>) target_semaphore(%run_scoped3A : memref<!tpu.dma_semaphore, #tpu.memory_space<semaphore_mem>>)
        %dma_wait3A_155 = tpu.memref_slice %arg2[%add3A_22] : memref<320000xi32, #tpu.memory_space<hbm>> -> memref<2000xi32, #tpu.memory_space<hbm>>
        %dma_wait3A_156 = tpu.memref_slice %arg2[%add3A_22] : memref<320000xi32, #tpu.memory_space<hbm>> -> memref<2000xi32, #tpu.memory_space<hbm>>
        tpu.wait_dma2 semaphore(%run_scoped3A : memref<!tpu.dma_semaphore, #tpu.memory_space<semaphore_mem>>) src(%dma_wait3A_156 : memref<2000xi32, #tpu.memory_space<hbm>>) dst(%arg11 : memref<2000xi32, #tpu.memory_space<vmem>>)
        tpu.yield
      }) : () -> ()
      "tpu.region"() ({
        %run_scoped3A = tpu.sem_alloc : memref<!tpu.dma_semaphore, #tpu.memory_space<semaphore_mem>>
        %dma_start3A_153 = tpu.memref_slice %arg3[%add3A_22] : memref<320000xi32, #tpu.memory_space<hbm>> -> memref<2000xi32, #tpu.memory_space<hbm>>
        %dma_start3A_154 = tpu.memref_slice %arg3[%add3A_22] : memref<320000xi32, #tpu.memory_space<hbm>> -> memref<2000xi32, #tpu.memory_space<hbm>>
        tpu.enqueue_dma source(%dma_start3A_154 : memref<2000xi32, #tpu.memory_space<hbm>>) target(%arg12 : memref<2000xi32, #tpu.memory_space<vmem>>) target_semaphore(%run_scoped3A : memref<!tpu.dma_semaphore, #tpu.memory_space<semaphore_mem>>)
        %dma_wait3A_155 = tpu.memref_slice %arg3[%add3A_22] : memref<320000xi32, #tpu.memory_space<hbm>> -> memref<2000xi32, #tpu.memory_space<hbm>>
        %dma_wait3A_156 = tpu.memref_slice %arg3[%add3A_22] : memref<320000xi32, #tpu.memory_space<hbm>> -> memref<2000xi32, #tpu.memory_space<hbm>>
        tpu.wait_dma2 semaphore(%run_scoped3A : memref<!tpu.dma_semaphore, #tpu.memory_space<semaphore_mem>>) src(%dma_wait3A_156 : memref<2000xi32, #tpu.memory_space<hbm>>) dst(%arg12 : memref<2000xi32, #tpu.memory_space<vmem>>)
        tpu.yield
      }) : () -> ()
      %scan3A_23 = arith.constant 0 : i32
      %scan3A_24 = arith.constant 0 : i32
      %scan3A_25 = arith.constant 125 : i32
      %scan3A_26 = arith.addi %scan3A_24, %scan3A_25 : i32
      %scan3A_27 = arith.constant 1 : i32
      %scan3A_28 = scf.for %scan3A_153 = %scan3A_24 to %scan3A_26 step %scan3A_27 iter_args(%scan3A_154 = %scan3A_23) -> (i32)  : i32 {
        %mul3A_155 = arith.constant 16 : i32
        %mul3A_156 = arith.muli %scan3A_153, %mul3A_155 : i32
        %get3A_157 = arith.index_cast %mul3A_156 : i32 to index
        %get3A_158 = tpu.vector_load %arg11[%get3A_157] {strides = array<i32>} : memref<2000xi32, #tpu.memory_space<vmem>>, vector<16xi32>,
        %mul3A_159 = vector.broadcast %squeeze3A : i32 to vector<16xi32>
        %mul3A_160 = arith.muli %get3A_158, %mul3A_159 : vector<16xi32>
        %mul3A_161 = arith.constant 16 : i32
        %mul3A_162 = arith.muli %scan3A_153, %mul3A_161 : i32
        %get3A_163 = arith.index_cast %mul3A_162 : i32 to index
        %get3A_164 = tpu.vector_load %arg12[%get3A_163] {strides = array<i32>} : memref<2000xi32, #tpu.memory_space<vmem>>, vector<16xi32>,
        %add3A_165 = arith.addi %mul3A_160, %get3A_164 : vector<16xi32>
        %broadcast_in_dim3A = arith.constant 0 : i32
        %broadcast_in_dim3A_166 = vector.broadcast %broadcast_in_dim3A : i32 to vector<16xi32>
        %broadcast_in_dim3A_167 = arith.constant 65536 : i32
        %broadcast_in_dim3A_168 = vector.broadcast %broadcast_in_dim3A_167 : i32 to vector<16xi32>
        %add3A_169 = arith.addi %broadcast_in_dim3A_166, %broadcast_in_dim3A_168 : vector<16xi32>
        %shift_right_arithmetic3A = arith.constant 1 : i32
        %shift_right_arithmetic3A_170 = vector.broadcast %shift_right_arithmetic3A : i32 to vector<16xi32>
        %shift_right_arithmetic3A_171 = arith.shrsi %add3A_169, %shift_right_arithmetic3A_170 : vector<16xi32>
        %min3A = arith.constant 39999 : i32
        %min3A_172 = vector.broadcast %min3A : i32 to vector<16xi32>
        %min3A_173 = arith.minsi %shift_right_arithmetic3A_171, %min3A_172 : vector<16xi32>
        %gather3A = tpu.vector_load_idx %arg10[%min3A_173] : memref<40000xi32, #tpu.memory_space<vmem>>[vector<16xi32>], vector<16xi32>,
        %lt3A = arith.cmpi slt, %gather3A, %add3A_165 : vector<16xi32>
        %lt3A_174 = arith.constant 40000 : i32
        %lt3A_175 = vector.broadcast %lt3A_174 : i32 to vector<16xi32>
        %lt3A_176 = arith.cmpi slt, %shift_right_arithmetic3A_171, %lt3A_175 : vector<16xi32>
        %and3A = arith.andi %lt3A, %lt3A_176 : vector<16xi1>
        %add3A_177 = arith.constant 1 : i32
        %add3A_178 = vector.broadcast %add3A_177 : i32 to vector<16xi32>
        %add3A_179 = arith.addi %shift_right_arithmetic3A_171, %add3A_178 : vector<16xi32>
        %select_n3A = arith.select %and3A, %add3A_179, %broadcast_in_dim3A_166 : vector<16xi1>, vector<16xi32>
        %select_n3A_180 = arith.select %and3A, %broadcast_in_dim3A_168, %shift_right_arithmetic3A_171 : vector<16xi1>, vector<16xi32>
        %add3A_181 = arith.addi %select_n3A, %select_n3A_180 : vector<16xi32>
        %shift_right_arithmetic3A_182 = arith.constant 1 : i32
        %shift_right_arithmetic3A_183 = vector.broadcast %shift_right_arithmetic3A_182 : i32 to vector<16xi32>
        %shift_right_arithmetic3A_184 = arith.shrsi %add3A_181, %shift_right_arithmetic3A_183 : vector<16xi32>
        %min3A_185 = arith.constant 39999 : i32
        %min3A_186 = vector.broadcast %min3A_185 : i32 to vector<16xi32>
        %min3A_187 = arith.minsi %shift_right_arithmetic3A_184, %min3A_186 : vector<16xi32>
        %gather3A_188 = tpu.vector_load_idx %arg10[%min3A_187] : memref<40000xi32, #tpu.memory_space<vmem>>[vector<16xi32>], vector<16xi32>,
        %lt3A_189 = arith.cmpi slt, %gather3A_188, %add3A_165 : vector<16xi32>
        %lt3A_190 = arith.constant 40000 : i32
        %lt3A_191 = vector.broadcast %lt3A_190 : i32 to vector<16xi32>
        %lt3A_192 = arith.cmpi slt, %shift_right_arithmetic3A_184, %lt3A_191 : vector<16xi32>
        %and3A_193 = arith.andi %lt3A_189, %lt3A_192 : vector<16xi1>
        %add3A_194 = arith.constant 1 : i32
        %add3A_195 = vector.broadcast %add3A_194 : i32 to vector<16xi32>
        %add3A_196 = arith.addi %shift_right_arithmetic3A_184, %add3A_195 : vector<16xi32>
        %select_n3A_197 = arith.select %and3A_193, %add3A_196, %select_n3A : vector<16xi1>, vector<16xi32>
        %select_n3A_198 = arith.select %and3A_193, %select_n3A_180, %shift_right_arithmetic3A_184 : vector<16xi1>, vector<16xi32>
        %add3A_199 = arith.addi %select_n3A_197, %select_n3A_198 : vector<16xi32>
        %shift_right_arithmetic3A_200 = arith.constant 1 : i32
        %shift_right_arithmetic3A_201 = vector.broadcast %shift_right_arithmetic3A_200 : i32 to vector<16xi32>
        %shift_right_arithmetic3A_202 = arith.shrsi %add3A_199, %shift_right_arithmetic3A_201 : vector<16xi32>
        %min3A_203 = arith.constant 39999 : i32
        %min3A_204 = vector.broadcast %min3A_203 : i32 to vector<16xi32>
        %min3A_205 = arith.minsi %shift_right_arithmetic3A_202, %min3A_204 : vector<16xi32>
        %gather3A_206 = tpu.vector_load_idx %arg10[%min3A_205] : memref<40000xi32, #tpu.memory_space<vmem>>[vector<16xi32>], vector<16xi32>,
        %lt3A_207 = arith.cmpi slt, %gather3A_206, %add3A_165 : vector<16xi32>
        %lt3A_208 = arith.constant 40000 : i32
        %lt3A_209 = vector.broadcast %lt3A_208 : i32 to vector<16xi32>
        %lt3A_210 = arith.cmpi slt, %shift_right_arithmetic3A_202, %lt3A_209 : vector<16xi32>
        %and3A_211 = arith.andi %lt3A_207, %lt3A_210 : vector<16xi1>
        %add3A_212 = arith.constant 1 : i32
        %add3A_213 = vector.broadcast %add3A_212 : i32 to vector<16xi32>
        %add3A_214 = arith.addi %shift_right_arithmetic3A_202, %add3A_213 : vector<16xi32>
        %select_n3A_215 = arith.select %and3A_211, %add3A_214, %select_n3A_197 : vector<16xi1>, vector<16xi32>
        %select_n3A_216 = arith.select %and3A_211, %select_n3A_198, %shift_right_arithmetic3A_202 : vector<16xi1>, vector<16xi32>
        %add3A_217 = arith.addi %select_n3A_215, %select_n3A_216 : vector<16xi32>
        %shift_right_arithmetic3A_218 = arith.constant 1 : i32
        %shift_right_arithmetic3A_219 = vector.broadcast %shift_right_arithmetic3A_218 : i32 to vector<16xi32>
        %shift_right_arithmetic3A_220 = arith.shrsi %add3A_217, %shift_right_arithmetic3A_219 : vector<16xi32>
        %min3A_221 = arith.constant 39999 : i32
        %min3A_222 = vector.broadcast %min3A_221 : i32 to vector<16xi32>
        %min3A_223 = arith.minsi %shift_right_arithmetic3A_220, %min3A_222 : vector<16xi32>
        %gather3A_224 = tpu.vector_load_idx %arg10[%min3A_223] : memref<40000xi32, #tpu.memory_space<vmem>>[vector<16xi32>], vector<16xi32>,
        %lt3A_225 = arith.cmpi slt, %gather3A_224, %add3A_165 : vector<16xi32>
        %lt3A_226 = arith.constant 40000 : i32
        %lt3A_227 = vector.broadcast %lt3A_226 : i32 to vector<16xi32>
        %lt3A_228 = arith.cmpi slt, %shift_right_arithmetic3A_220, %lt3A_227 : vector<16xi32>
        %and3A_229 = arith.andi %lt3A_225, %lt3A_228 : vector<16xi1>
        %add3A_230 = arith.constant 1 : i32
        %add3A_231 = vector.broadcast %add3A_230 : i32 to vector<16xi32>
        %add3A_232 = arith.addi %shift_right_arithmetic3A_220, %add3A_231 : vector<16xi32>
        %select_n3A_233 = arith.select %and3A_229, %add3A_232, %select_n3A_215 : vector<16xi1>, vector<16xi32>
        %select_n3A_234 = arith.select %and3A_229, %select_n3A_216, %shift_right_arithmetic3A_220 : vector<16xi1>, vector<16xi32>
        %add3A_235 = arith.addi %select_n3A_233, %select_n3A_234 : vector<16xi32>
        %shift_right_arithmetic3A_236 = arith.constant 1 : i32
        %shift_right_arithmetic3A_237 = vector.broadcast %shift_right_arithmetic3A_236 : i32 to vector<16xi32>
        %shift_right_arithmetic3A_238 = arith.shrsi %add3A_235, %shift_right_arithmetic3A_237 : vector<16xi32>
        %min3A_239 = arith.constant 39999 : i32
        %min3A_240 = vector.broadcast %min3A_239 : i32 to vector<16xi32>
        %min3A_241 = arith.minsi %shift_right_arithmetic3A_238, %min3A_240 : vector<16xi32>
        %gather3A_242 = tpu.vector_load_idx %arg10[%min3A_241] : memref<40000xi32, #tpu.memory_space<vmem>>[vector<16xi32>], vector<16xi32>,
        %lt3A_243 = arith.cmpi slt, %gather3A_242, %add3A_165 : vector<16xi32>
        %lt3A_244 = arith.constant 40000 : i32
        %lt3A_245 = vector.broadcast %lt3A_244 : i32 to vector<16xi32>
        %lt3A_246 = arith.cmpi slt, %shift_right_arithmetic3A_238, %lt3A_245 : vector<16xi32>
        %and3A_247 = arith.andi %lt3A_243, %lt3A_246 : vector<16xi1>
        %add3A_248 = arith.constant 1 : i32
        %add3A_249 = vector.broadcast %add3A_248 : i32 to vector<16xi32>
        %add3A_250 = arith.addi %shift_right_arithmetic3A_238, %add3A_249 : vector<16xi32>
        %select_n3A_251 = arith.select %and3A_247, %add3A_250, %select_n3A_233 : vector<16xi1>, vector<16xi32>
        %select_n3A_252 = arith.select %and3A_247, %select_n3A_234, %shift_right_arithmetic3A_238 : vector<16xi1>, vector<16xi32>
        %add3A_253 = arith.addi %select_n3A_251, %select_n3A_252 : vector<16xi32>
        %shift_right_arithmetic3A_254 = arith.constant 1 : i32
        %shift_right_arithmetic3A_255 = vector.broadcast %shift_right_arithmetic3A_254 : i32 to vector<16xi32>
        %shift_right_arithmetic3A_256 = arith.shrsi %add3A_253, %shift_right_arithmetic3A_255 : vector<16xi32>
        %min3A_257 = arith.constant 39999 : i32
        %min3A_258 = vector.broadcast %min3A_257 : i32 to vector<16xi32>
        %min3A_259 = arith.minsi %shift_right_arithmetic3A_256, %min3A_258 : vector<16xi32>
        %gather3A_260 = tpu.vector_load_idx %arg10[%min3A_259] : memref<40000xi32, #tpu.memory_space<vmem>>[vector<16xi32>], vector<16xi32>,
        %lt3A_261 = arith.cmpi slt, %gather3A_260, %add3A_165 : vector<16xi32>
        %lt3A_262 = arith.constant 40000 : i32
        %lt3A_263 = vector.broadcast %lt3A_262 : i32 to vector<16xi32>
        %lt3A_264 = arith.cmpi slt, %shift_right_arithmetic3A_256, %lt3A_263 : vector<16xi32>
        %and3A_265 = arith.andi %lt3A_261, %lt3A_264 : vector<16xi1>
        %add3A_266 = arith.constant 1 : i32
        %add3A_267 = vector.broadcast %add3A_266 : i32 to vector<16xi32>
        %add3A_268 = arith.addi %shift_right_arithmetic3A_256, %add3A_267 : vector<16xi32>
        %select_n3A_269 = arith.select %and3A_265, %add3A_268, %select_n3A_251 : vector<16xi1>, vector<16xi32>
        %select_n3A_270 = arith.select %and3A_265, %select_n3A_252, %shift_right_arithmetic3A_256 : vector<16xi1>, vector<16xi32>
        %add3A_271 = arith.addi %select_n3A_269, %select_n3A_270 : vector<16xi32>
        %shift_right_arithmetic3A_272 = arith.constant 1 : i32
        %shift_right_arithmetic3A_273 = vector.broadcast %shift_right_arithmetic3A_272 : i32 to vector<16xi32>
        %shift_right_arithmetic3A_274 = arith.shrsi %add3A_271, %shift_right_arithmetic3A_273 : vector<16xi32>
        %min3A_275 = arith.constant 39999 : i32
        %min3A_276 = vector.broadcast %min3A_275 : i32 to vector<16xi32>
        %min3A_277 = arith.minsi %shift_right_arithmetic3A_274, %min3A_276 : vector<16xi32>
        %gather3A_278 = tpu.vector_load_idx %arg10[%min3A_277] : memref<40000xi32, #tpu.memory_space<vmem>>[vector<16xi32>], vector<16xi32>,
        %lt3A_279 = arith.cmpi slt, %gather3A_278, %add3A_165 : vector<16xi32>
        %lt3A_280 = arith.constant 40000 : i32
        %lt3A_281 = vector.broadcast %lt3A_280 : i32 to vector<16xi32>
        %lt3A_282 = arith.cmpi slt, %shift_right_arithmetic3A_274, %lt3A_281 : vector<16xi32>
        %and3A_283 = arith.andi %lt3A_279, %lt3A_282 : vector<16xi1>
        %add3A_284 = arith.constant 1 : i32
        %add3A_285 = vector.broadcast %add3A_284 : i32 to vector<16xi32>
        %add3A_286 = arith.addi %shift_right_arithmetic3A_274, %add3A_285 : vector<16xi32>
        %select_n3A_287 = arith.select %and3A_283, %add3A_286, %select_n3A_269 : vector<16xi1>, vector<16xi32>
        %select_n3A_288 = arith.select %and3A_283, %select_n3A_270, %shift_right_arithmetic3A_274 : vector<16xi1>, vector<16xi32>
        %add3A_289 = arith.addi %select_n3A_287, %select_n3A_288 : vector<16xi32>
        %shift_right_arithmetic3A_290 = arith.constant 1 : i32
        %shift_right_arithmetic3A_291 = vector.broadcast %shift_right_arithmetic3A_290 : i32 to vector<16xi32>
        %shift_right_arithmetic3A_292 = arith.shrsi %add3A_289, %shift_right_arithmetic3A_291 : vector<16xi32>
        %min3A_293 = arith.constant 39999 : i32
        %min3A_294 = vector.broadcast %min3A_293 : i32 to vector<16xi32>
        %min3A_295 = arith.minsi %shift_right_arithmetic3A_292, %min3A_294 : vector<16xi32>
        %gather3A_296 = tpu.vector_load_idx %arg10[%min3A_295] : memref<40000xi32, #tpu.memory_space<vmem>>[vector<16xi32>], vector<16xi32>,
        %lt3A_297 = arith.cmpi slt, %gather3A_296, %add3A_165 : vector<16xi32>
        %lt3A_298 = arith.constant 40000 : i32
        %lt3A_299 = vector.broadcast %lt3A_298 : i32 to vector<16xi32>
        %lt3A_300 = arith.cmpi slt, %shift_right_arithmetic3A_292, %lt3A_299 : vector<16xi32>
        %and3A_301 = arith.andi %lt3A_297, %lt3A_300 : vector<16xi1>
        %add3A_302 = arith.constant 1 : i32
        %add3A_303 = vector.broadcast %add3A_302 : i32 to vector<16xi32>
        %add3A_304 = arith.addi %shift_right_arithmetic3A_292, %add3A_303 : vector<16xi32>
        %select_n3A_305 = arith.select %and3A_301, %add3A_304, %select_n3A_287 : vector<16xi1>, vector<16xi32>
        %select_n3A_306 = arith.select %and3A_301, %select_n3A_288, %shift_right_arithmetic3A_292 : vector<16xi1>, vector<16xi32>
        %add3A_307 = arith.addi %select_n3A_305, %select_n3A_306 : vector<16xi32>
        %shift_right_arithmetic3A_308 = arith.constant 1 : i32
        %shift_right_arithmetic3A_309 = vector.broadcast %shift_right_arithmetic3A_308 : i32 to vector<16xi32>
        %shift_right_arithmetic3A_310 = arith.shrsi %add3A_307, %shift_right_arithmetic3A_309 : vector<16xi32>
        %min3A_311 = arith.constant 39999 : i32
        %min3A_312 = vector.broadcast %min3A_311 : i32 to vector<16xi32>
        %min3A_313 = arith.minsi %shift_right_arithmetic3A_310, %min3A_312 : vector<16xi32>
        %gather3A_314 = tpu.vector_load_idx %arg10[%min3A_313] : memref<40000xi32, #tpu.memory_space<vmem>>[vector<16xi32>], vector<16xi32>,
        %lt3A_315 = arith.cmpi slt, %gather3A_314, %add3A_165 : vector<16xi32>
        %lt3A_316 = arith.constant 40000 : i32
        %lt3A_317 = vector.broadcast %lt3A_316 : i32 to vector<16xi32>
        %lt3A_318 = arith.cmpi slt, %shift_right_arithmetic3A_310, %lt3A_317 : vector<16xi32>
        %and3A_319 = arith.andi %lt3A_315, %lt3A_318 : vector<16xi1>
        %add3A_320 = arith.constant 1 : i32
        %add3A_321 = vector.broadcast %add3A_320 : i32 to vector<16xi32>
        %add3A_322 = arith.addi %shift_right_arithmetic3A_310, %add3A_321 : vector<16xi32>
        %select_n3A_323 = arith.select %and3A_319, %add3A_322, %select_n3A_305 : vector<16xi1>, vector<16xi32>
        %select_n3A_324 = arith.select %and3A_319, %select_n3A_306, %shift_right_arithmetic3A_310 : vector<16xi1>, vector<16xi32>
        %add3A_325 = arith.addi %select_n3A_323, %select_n3A_324 : vector<16xi32>
        %shift_right_arithmetic3A_326 = arith.constant 1 : i32
        %shift_right_arithmetic3A_327 = vector.broadcast %shift_right_arithmetic3A_326 : i32 to vector<16xi32>
        %shift_right_arithmetic3A_328 = arith.shrsi %add3A_325, %shift_right_arithmetic3A_327 : vector<16xi32>
        %min3A_329 = arith.constant 39999 : i32
        %min3A_330 = vector.broadcast %min3A_329 : i32 to vector<16xi32>
        %min3A_331 = arith.minsi %shift_right_arithmetic3A_328, %min3A_330 : vector<16xi32>
        %gather3A_332 = tpu.vector_load_idx %arg10[%min3A_331] : memref<40000xi32, #tpu.memory_space<vmem>>[vector<16xi32>], vector<16xi32>,
        %lt3A_333 = arith.cmpi slt, %gather3A_332, %add3A_165 : vector<16xi32>
        %lt3A_334 = arith.constant 40000 : i32
        %lt3A_335 = vector.broadcast %lt3A_334 : i32 to vector<16xi32>
        %lt3A_336 = arith.cmpi slt, %shift_right_arithmetic3A_328, %lt3A_335 : vector<16xi32>
        %and3A_337 = arith.andi %lt3A_333, %lt3A_336 : vector<16xi1>
        %add3A_338 = arith.constant 1 : i32
        %add3A_339 = vector.broadcast %add3A_338 : i32 to vector<16xi32>
        %add3A_340 = arith.addi %shift_right_arithmetic3A_328, %add3A_339 : vector<16xi32>
        %select_n3A_341 = arith.select %and3A_337, %add3A_340, %select_n3A_323 : vector<16xi1>, vector<16xi32>
        %select_n3A_342 = arith.select %and3A_337, %select_n3A_324, %shift_right_arithmetic3A_328 : vector<16xi1>, vector<16xi32>
        %add3A_343 = arith.addi %select_n3A_341, %select_n3A_342 : vector<16xi32>
        %shift_right_arithmetic3A_344 = arith.constant 1 : i32
        %shift_right_arithmetic3A_345 = vector.broadcast %shift_right_arithmetic3A_344 : i32 to vector<16xi32>
        %shift_right_arithmetic3A_346 = arith.shrsi %add3A_343, %shift_right_arithmetic3A_345 : vector<16xi32>
        %min3A_347 = arith.constant 39999 : i32
        %min3A_348 = vector.broadcast %min3A_347 : i32 to vector<16xi32>
        %min3A_349 = arith.minsi %shift_right_arithmetic3A_346, %min3A_348 : vector<16xi32>
        %gather3A_350 = tpu.vector_load_idx %arg10[%min3A_349] : memref<40000xi32, #tpu.memory_space<vmem>>[vector<16xi32>], vector<16xi32>,
        %lt3A_351 = arith.cmpi slt, %gather3A_350, %add3A_165 : vector<16xi32>
        %lt3A_352 = arith.constant 40000 : i32
        %lt3A_353 = vector.broadcast %lt3A_352 : i32 to vector<16xi32>
        %lt3A_354 = arith.cmpi slt, %shift_right_arithmetic3A_346, %lt3A_353 : vector<16xi32>
        %and3A_355 = arith.andi %lt3A_351, %lt3A_354 : vector<16xi1>
        %add3A_356 = arith.constant 1 : i32
        %add3A_357 = vector.broadcast %add3A_356 : i32 to vector<16xi32>
        %add3A_358 = arith.addi %shift_right_arithmetic3A_346, %add3A_357 : vector<16xi32>
        %select_n3A_359 = arith.select %and3A_355, %add3A_358, %select_n3A_341 : vector<16xi1>, vector<16xi32>
        %select_n3A_360 = arith.select %and3A_355, %select_n3A_342, %shift_right_arithmetic3A_346 : vector<16xi1>, vector<16xi32>
        %add3A_361 = arith.addi %select_n3A_359, %select_n3A_360 : vector<16xi32>
        %shift_right_arithmetic3A_362 = arith.constant 1 : i32
        %shift_right_arithmetic3A_363 = vector.broadcast %shift_right_arithmetic3A_362 : i32 to vector<16xi32>
        %shift_right_arithmetic3A_364 = arith.shrsi %add3A_361, %shift_right_arithmetic3A_363 : vector<16xi32>
        %min3A_365 = arith.constant 39999 : i32
        %min3A_366 = vector.broadcast %min3A_365 : i32 to vector<16xi32>
        %min3A_367 = arith.minsi %shift_right_arithmetic3A_364, %min3A_366 : vector<16xi32>
        %gather3A_368 = tpu.vector_load_idx %arg10[%min3A_367] : memref<40000xi32, #tpu.memory_space<vmem>>[vector<16xi32>], vector<16xi32>,
        %lt3A_369 = arith.cmpi slt, %gather3A_368, %add3A_165 : vector<16xi32>
        %lt3A_370 = arith.constant 40000 : i32
        %lt3A_371 = vector.broadcast %lt3A_370 : i32 to vector<16xi32>
        %lt3A_372 = arith.cmpi slt, %shift_right_arithmetic3A_364, %lt3A_371 : vector<16xi32>
        %and3A_373 = arith.andi %lt3A_369, %lt3A_372 : vector<16xi1>
        %add3A_374 = arith.constant 1 : i32
        %add3A_375 = vector.broadcast %add3A_374 : i32 to vector<16xi32>
        %add3A_376 = arith.addi %shift_right_arithmetic3A_364, %add3A_375 : vector<16xi32>
        %select_n3A_377 = arith.select %and3A_373, %add3A_376, %select_n3A_359 : vector<16xi1>, vector<16xi32>
        %select_n3A_378 = arith.select %and3A_373, %select_n3A_360, %shift_right_arithmetic3A_364 : vector<16xi1>, vector<16xi32>
        %add3A_379 = arith.addi %select_n3A_377, %select_n3A_378 : vector<16xi32>
        %shift_right_arithmetic3A_380 = arith.constant 1 : i32
        %shift_right_arithmetic3A_381 = vector.broadcast %shift_right_arithmetic3A_380 : i32 to vector<16xi32>
        %shift_right_arithmetic3A_382 = arith.shrsi %add3A_379, %shift_right_arithmetic3A_381 : vector<16xi32>
        %min3A_383 = arith.constant 39999 : i32
        %min3A_384 = vector.broadcast %min3A_383 : i32 to vector<16xi32>
        %min3A_385 = arith.minsi %shift_right_arithmetic3A_382, %min3A_384 : vector<16xi32>
        %gather3A_386 = tpu.vector_load_idx %arg10[%min3A_385] : memref<40000xi32, #tpu.memory_space<vmem>>[vector<16xi32>], vector<16xi32>,
        %lt3A_387 = arith.cmpi slt, %gather3A_386, %add3A_165 : vector<16xi32>
        %lt3A_388 = arith.constant 40000 : i32
        %lt3A_389 = vector.broadcast %lt3A_388 : i32 to vector<16xi32>
        %lt3A_390 = arith.cmpi slt, %shift_right_arithmetic3A_382, %lt3A_389 : vector<16xi32>
        %and3A_391 = arith.andi %lt3A_387, %lt3A_390 : vector<16xi1>
        %add3A_392 = arith.constant 1 : i32
        %add3A_393 = vector.broadcast %add3A_392 : i32 to vector<16xi32>
        %add3A_394 = arith.addi %shift_right_arithmetic3A_382, %add3A_393 : vector<16xi32>
        %select_n3A_395 = arith.select %and3A_391, %add3A_394, %select_n3A_377 : vector<16xi1>, vector<16xi32>
        %select_n3A_396 = arith.select %and3A_391, %select_n3A_378, %shift_right_arithmetic3A_382 : vector<16xi1>, vector<16xi32>
        %add3A_397 = arith.addi %select_n3A_395, %select_n3A_396 : vector<16xi32>
        %shift_right_arithmetic3A_398 = arith.constant 1 : i32
        %shift_right_arithmetic3A_399 = vector.broadcast %shift_right_arithmetic3A_398 : i32 to vector<16xi32>
        %shift_right_arithmetic3A_400 = arith.shrsi %add3A_397, %shift_right_arithmetic3A_399 : vector<16xi32>
        %min3A_401 = arith.constant 39999 : i32
        %min3A_402 = vector.broadcast %min3A_401 : i32 to vector<16xi32>
        %min3A_403 = arith.minsi %shift_right_arithmetic3A_400, %min3A_402 : vector<16xi32>
        %gather3A_404 = tpu.vector_load_idx %arg10[%min3A_403] : memref<40000xi32, #tpu.memory_space<vmem>>[vector<16xi32>], vector<16xi32>,
        %lt3A_405 = arith.cmpi slt, %gather3A_404, %add3A_165 : vector<16xi32>
        %lt3A_406 = arith.constant 40000 : i32
        %lt3A_407 = vector.broadcast %lt3A_406 : i32 to vector<16xi32>
        %lt3A_408 = arith.cmpi slt, %shift_right_arithmetic3A_400, %lt3A_407 : vector<16xi32>
        %and3A_409 = arith.andi %lt3A_405, %lt3A_408 : vector<16xi1>
        %add3A_410 = arith.constant 1 : i32
        %add3A_411 = vector.broadcast %add3A_410 : i32 to vector<16xi32>
        %add3A_412 = arith.addi %shift_right_arithmetic3A_400, %add3A_411 : vector<16xi32>
        %select_n3A_413 = arith.select %and3A_409, %add3A_412, %select_n3A_395 : vector<16xi1>, vector<16xi32>
        %select_n3A_414 = arith.select %and3A_409, %select_n3A_396, %shift_right_arithmetic3A_400 : vector<16xi1>, vector<16xi32>
        %add3A_415 = arith.addi %select_n3A_413, %select_n3A_414 : vector<16xi32>
        %shift_right_arithmetic3A_416 = arith.constant 1 : i32
        %shift_right_arithmetic3A_417 = vector.broadcast %shift_right_arithmetic3A_416 : i32 to vector<16xi32>
        %shift_right_arithmetic3A_418 = arith.shrsi %add3A_415, %shift_right_arithmetic3A_417 : vector<16xi32>
        %min3A_419 = arith.constant 39999 : i32
        %min3A_420 = vector.broadcast %min3A_419 : i32 to vector<16xi32>
        %min3A_421 = arith.minsi %shift_right_arithmetic3A_418, %min3A_420 : vector<16xi32>
        %gather3A_422 = tpu.vector_load_idx %arg10[%min3A_421] : memref<40000xi32, #tpu.memory_space<vmem>>[vector<16xi32>], vector<16xi32>,
        %lt3A_423 = arith.cmpi slt, %gather3A_422, %add3A_165 : vector<16xi32>
        %lt3A_424 = arith.constant 40000 : i32
        %lt3A_425 = vector.broadcast %lt3A_424 : i32 to vector<16xi32>
        %lt3A_426 = arith.cmpi slt, %shift_right_arithmetic3A_418, %lt3A_425 : vector<16xi32>
        %and3A_427 = arith.andi %lt3A_423, %lt3A_426 : vector<16xi1>
        %add3A_428 = arith.constant 1 : i32
        %add3A_429 = vector.broadcast %add3A_428 : i32 to vector<16xi32>
        %add3A_430 = arith.addi %shift_right_arithmetic3A_418, %add3A_429 : vector<16xi32>
        %select_n3A_431 = arith.select %and3A_427, %add3A_430, %select_n3A_413 : vector<16xi1>, vector<16xi32>
        %select_n3A_432 = arith.select %and3A_427, %select_n3A_414, %shift_right_arithmetic3A_418 : vector<16xi1>, vector<16xi32>
        %add3A_433 = arith.addi %select_n3A_431, %select_n3A_432 : vector<16xi32>
        %shift_right_arithmetic3A_434 = arith.constant 1 : i32
        %shift_right_arithmetic3A_435 = vector.broadcast %shift_right_arithmetic3A_434 : i32 to vector<16xi32>
        %shift_right_arithmetic3A_436 = arith.shrsi %add3A_433, %shift_right_arithmetic3A_435 : vector<16xi32>
        %min3A_437 = arith.constant 39999 : i32
        %min3A_438 = vector.broadcast %min3A_437 : i32 to vector<16xi32>
        %min3A_439 = arith.minsi %shift_right_arithmetic3A_436, %min3A_438 : vector<16xi32>
        %gather3A_440 = tpu.vector_load_idx %arg10[%min3A_439] : memref<40000xi32, #tpu.memory_space<vmem>>[vector<16xi32>], vector<16xi32>,
        %lt3A_441 = arith.cmpi slt, %gather3A_440, %add3A_165 : vector<16xi32>
        %lt3A_442 = arith.constant 40000 : i32
        %lt3A_443 = vector.broadcast %lt3A_442 : i32 to vector<16xi32>
        %lt3A_444 = arith.cmpi slt, %shift_right_arithmetic3A_436, %lt3A_443 : vector<16xi32>
        %and3A_445 = arith.andi %lt3A_441, %lt3A_444 : vector<16xi1>
        %add3A_446 = arith.constant 1 : i32
        %add3A_447 = vector.broadcast %add3A_446 : i32 to vector<16xi32>
        %add3A_448 = arith.addi %shift_right_arithmetic3A_436, %add3A_447 : vector<16xi32>
        %select_n3A_449 = arith.select %and3A_445, %add3A_448, %select_n3A_431 : vector<16xi1>, vector<16xi32>
        %select_n3A_450 = arith.select %and3A_445, %select_n3A_432, %shift_right_arithmetic3A_436 : vector<16xi1>, vector<16xi32>
        %add3A_451 = arith.addi %select_n3A_449, %select_n3A_450 : vector<16xi32>
        %shift_right_arithmetic3A_452 = arith.constant 1 : i32
        %shift_right_arithmetic3A_453 = vector.broadcast %shift_right_arithmetic3A_452 : i32 to vector<16xi32>
        %shift_right_arithmetic3A_454 = arith.shrsi %add3A_451, %shift_right_arithmetic3A_453 : vector<16xi32>
        %min3A_455 = arith.constant 39999 : i32
        %min3A_456 = vector.broadcast %min3A_455 : i32 to vector<16xi32>
        %min3A_457 = arith.minsi %shift_right_arithmetic3A_454, %min3A_456 : vector<16xi32>
        %gather3A_458 = tpu.vector_load_idx %arg10[%min3A_457] : memref<40000xi32, #tpu.memory_space<vmem>>[vector<16xi32>], vector<16xi32>,
        %lt3A_459 = arith.cmpi slt, %gather3A_458, %add3A_165 : vector<16xi32>
        %lt3A_460 = arith.constant 40000 : i32
        %lt3A_461 = vector.broadcast %lt3A_460 : i32 to vector<16xi32>
        %lt3A_462 = arith.cmpi slt, %shift_right_arithmetic3A_454, %lt3A_461 : vector<16xi32>
        %and3A_463 = arith.andi %lt3A_459, %lt3A_462 : vector<16xi1>
        %add3A_464 = arith.constant 1 : i32
        %add3A_465 = vector.broadcast %add3A_464 : i32 to vector<16xi32>
        %add3A_466 = arith.addi %shift_right_arithmetic3A_454, %add3A_465 : vector<16xi32>
        %select_n3A_467 = arith.select %and3A_463, %add3A_466, %select_n3A_449 : vector<16xi1>, vector<16xi32>
        %select_n3A_468 = arith.select %and3A_463, %select_n3A_450, %shift_right_arithmetic3A_454 : vector<16xi1>, vector<16xi32>
        %mul3A_469 = arith.constant 16 : i32
        %mul3A_470 = arith.muli %scan3A_153, %mul3A_469 : i32
        %swap3A = arith.index_cast %mul3A_470 : i32 to index
        %swap3A_471 = tpu.vector_load %arg13[%swap3A] {strides = array<i32>} : memref<2000xi32, #tpu.memory_space<vmem>>, vector<16xi32>,
        tpu.vector_store %arg13[%swap3A], %select_n3A_467 {strides = array<i32>} : memref<2000xi32, #tpu.memory_space<vmem>>, vector<16xi32>,
        %sub3A = arith.constant 1 : i32
        %sub3A_472 = vector.broadcast %sub3A : i32 to vector<16xi32>
        %sub3A_473 = arith.subi %select_n3A_467, %sub3A_472 : vector<16xi32>
        %max3A = arith.constant 0 : i32
        %max3A_474 = vector.broadcast %max3A : i32 to vector<16xi32>
        %max3A_475 = arith.maxsi %sub3A_473, %max3A_474 : vector<16xi32>
        %mul3A_476 = arith.constant 8 : i32
        %mul3A_477 = vector.broadcast %mul3A_476 : i32 to vector<16xi32>
        %mul3A_478 = arith.muli %mul3A_477, %max3A_475 : vector<16xi32>
        %add3A_479 = arith.constant 4 : i32
        %add3A_480 = vector.broadcast %add3A_479 : i32 to vector<16xi32>
        %add3A_481 = arith.addi %mul3A_478, %add3A_480 : vector<16xi32>
        %mul3A_482 = arith.constant 16 : i32
        %mul3A_483 = arith.muli %scan3A_153, %mul3A_482 : i32
        %swap3A_484 = arith.index_cast %mul3A_483 : i32 to index
        %swap3A_485 = tpu.vector_load %arg16[%swap3A_484] {strides = array<i32>} : memref<2000xi32, #tpu.memory_space<vmem>>, vector<16xi32>,
        tpu.vector_store %arg16[%swap3A_484], %add3A_481 {strides = array<i32>} : memref<2000xi32, #tpu.memory_space<vmem>>, vector<16xi32>,
        %scan3A_486 = arith.constant 0 : i32
        scf.yield %scan3A_486 : i32
      }
      %scan3A_29 = arith.constant 125 : i32
      %dma_start3A = arith.constant 0 : i32
      %dma_start3A_30 = tpu.memref_slice %arg5[%dma_start3A] : memref<320000xi32, #tpu.memory_space<hbm>> -> memref<320000xi32, #tpu.memory_space<hbm>>
      tpu.enqueue_indirect_dma source(%dma_start3A_30 : memref<320000xi32, #tpu.memory_space<hbm>>) target(%arg17 : memref<2000xi32, #tpu.memory_space<vmem>>) offsets(%arg16 : memref<2000xi32, #tpu.memory_space<vmem>>) semaphore(%arg25 : memref<!tpu.dma_semaphore, #tpu.memory_space<semaphore_mem>>)
      %dma_wait3A = arith.constant 0 : i32
      %dma_wait3A_31 = tpu.memref_slice %arg5[%dma_wait3A] : memref<320000xi32, #tpu.memory_space<hbm>> -> memref<320000xi32, #tpu.memory_space<hbm>>
      tpu.wait_indirect_dma semaphore(%arg25 : memref<!tpu.dma_semaphore, #tpu.memory_space<semaphore_mem>>) src(%dma_wait3A_31 : memref<320000xi32, #tpu.memory_space<hbm>>) dst(%arg17 : memref<2000xi32, #tpu.memory_space<vmem>>)
      %scan3A_32 = arith.constant 0 : i32
      %scan3A_33 = arith.constant 0 : i32
      %scan3A_34 = arith.constant 125 : i32
      %scan3A_35 = arith.addi %scan3A_33, %scan3A_34 : i32
      %scan3A_36 = arith.constant 1 : i32
      %scan3A_37 = scf.for %scan3A_153 = %scan3A_33 to %scan3A_35 step %scan3A_36 iter_args(%scan3A_154 = %scan3A_32) -> (i32)  : i32 {
        %mul3A_155 = arith.constant 16 : i32
        %mul3A_156 = arith.muli %scan3A_153, %mul3A_155 : i32
        %get3A_157 = arith.index_cast %mul3A_156 : i32 to index
        %get3A_158 = tpu.vector_load %arg11[%get3A_157] {strides = array<i32>} : memref<2000xi32, #tpu.memory_space<vmem>>, vector<16xi32>,
        %mul3A_159 = vector.broadcast %squeeze3A : i32 to vector<16xi32>
        %mul3A_160 = arith.muli %get3A_158, %mul3A_159 : vector<16xi32>
        %mul3A_161 = arith.constant 16 : i32
        %mul3A_162 = arith.muli %scan3A_153, %mul3A_161 : i32
        %get3A_163 = arith.index_cast %mul3A_162 : i32 to index
        %get3A_164 = tpu.vector_load %arg12[%get3A_163] {strides = array<i32>} : memref<2000xi32, #tpu.memory_space<vmem>>, vector<16xi32>,
        %add3A_165 = arith.addi %mul3A_160, %get3A_164 : vector<16xi32>
        %mul3A_166 = arith.constant 16 : i32
        %mul3A_167 = arith.muli %scan3A_153, %mul3A_166 : i32
        %get3A_168 = arith.index_cast %mul3A_167 : i32 to index
        %get3A_169 = tpu.vector_load %arg13[%get3A_168] {strides = array<i32>} : memref<2000xi32, #tpu.memory_space<vmem>>, vector<16xi32>,
        %sub3A = arith.constant 1 : i32
        %sub3A_170 = vector.broadcast %sub3A : i32 to vector<16xi32>
        %sub3A_171 = arith.subi %get3A_169, %sub3A_170 : vector<16xi32>
        %max3A = arith.constant 0 : i32
        %max3A_172 = vector.broadcast %max3A : i32 to vector<16xi32>
        %max3A_173 = arith.maxsi %sub3A_171, %max3A_172 : vector<16xi32>
        %mul3A_174 = arith.constant 8 : i32
        %mul3A_175 = vector.broadcast %mul3A_174 : i32 to vector<16xi32>
        %mul3A_176 = arith.muli %mul3A_175, %max3A_173 : vector<16xi32>
        %broadcast_in_dim3A = arith.constant 1 : i32
        %broadcast_in_dim3A_177 = vector.broadcast %broadcast_in_dim3A : i32 to vector<16xi32>
        %broadcast_in_dim3A_178 = arith.constant 8 : i32
        %broadcast_in_dim3A_179 = vector.broadcast %broadcast_in_dim3A_178 : i32 to vector<16xi32>
        %add3A_180 = arith.addi %broadcast_in_dim3A_177, %broadcast_in_dim3A_179 : vector<16xi32>
        %shift_right_arithmetic3A = arith.constant 1 : i32
        %shift_right_arithmetic3A_181 = vector.broadcast %shift_right_arithmetic3A : i32 to vector<16xi32>
        %shift_right_arithmetic3A_182 = arith.shrsi %add3A_180, %shift_right_arithmetic3A_181 : vector<16xi32>
        %mul3A_183 = arith.constant 16 : i32
        %mul3A_184 = arith.muli %scan3A_153, %mul3A_183 : i32
        %get3A_185 = arith.index_cast %mul3A_184 : i32 to index
        %get3A_186 = tpu.vector_load %arg17[%get3A_185] {strides = array<i32>} : memref<2000xi32, #tpu.memory_space<vmem>>, vector<16xi32>,
        %lt3A = arith.cmpi slt, %get3A_186, %add3A_165 : vector<16xi32>
        %add3A_187 = arith.constant 1 : i32
        %add3A_188 = vector.broadcast %add3A_187 : i32 to vector<16xi32>
        %add3A_189 = arith.addi %shift_right_arithmetic3A_182, %add3A_188 : vector<16xi32>
        %select_n3A = arith.select %lt3A, %add3A_189, %broadcast_in_dim3A_177 : vector<16xi1>, vector<16xi32>
        %select_n3A_190 = arith.select %lt3A, %broadcast_in_dim3A_179, %shift_right_arithmetic3A_182 : vector<16xi1>, vector<16xi32>
        %mul3A_191 = arith.constant 16 : i32
        %mul3A_192 = arith.muli %scan3A_153, %mul3A_191 : i32
        %swap3A = arith.index_cast %mul3A_192 : i32 to index
        %swap3A_193 = tpu.vector_load %arg14[%swap3A] {strides = array<i32>} : memref<2000xi32, #tpu.memory_space<vmem>>, vector<16xi32>,
        tpu.vector_store %arg14[%swap3A], %select_n3A {strides = array<i32>} : memref<2000xi32, #tpu.memory_space<vmem>>, vector<16xi32>,
        %mul3A_194 = arith.constant 16 : i32
        %mul3A_195 = arith.muli %scan3A_153, %mul3A_194 : i32
        %swap3A_196 = arith.index_cast %mul3A_195 : i32 to index
        %swap3A_197 = tpu.vector_load %arg15[%swap3A_196] {strides = array<i32>} : memref<2000xi32, #tpu.memory_space<vmem>>, vector<16xi32>,
        tpu.vector_store %arg15[%swap3A_196], %select_n3A_190 {strides = array<i32>} : memref<2000xi32, #tpu.memory_space<vmem>>, vector<16xi32>,
        %add3A_198 = arith.addi %select_n3A, %select_n3A_190 : vector<16xi32>
        %shift_right_arithmetic3A_199 = arith.constant 1 : i32
        %shift_right_arithmetic3A_200 = vector.broadcast %shift_right_arithmetic3A_199 : i32 to vector<16xi32>
        %shift_right_arithmetic3A_201 = arith.shrsi %add3A_198, %shift_right_arithmetic3A_200 : vector<16xi32>
        %add3A_202 = arith.addi %mul3A_176, %shift_right_arithmetic3A_201 : vector<16xi32>
        %mul3A_203 = arith.constant 16 : i32
        %mul3A_204 = arith.muli %scan3A_153, %mul3A_203 : i32
        %swap3A_205 = arith.index_cast %mul3A_204 : i32 to index
        %swap3A_206 = tpu.vector_load %arg16[%swap3A_205] {strides = array<i32>} : memref<2000xi32, #tpu.memory_space<vmem>>, vector<16xi32>,
        tpu.vector_store %arg16[%swap3A_205], %add3A_202 {strides = array<i32>} : memref<2000xi32, #tpu.memory_space<vmem>>, vector<16xi32>,
        %scan3A_207 = arith.constant 0 : i32
        scf.yield %scan3A_207 : i32
      }
      %scan3A_38 = arith.constant 125 : i32
      %dma_start3A_39 = arith.constant 0 : i32
      %dma_start3A_40 = tpu.memref_slice %arg5[%dma_start3A_39] : memref<320000xi32, #tpu.memory_space<hbm>> -> memref<320000xi32, #tpu.memory_space<hbm>>
      tpu.enqueue_indirect_dma source(%dma_start3A_40 : memref<320000xi32, #tpu.memory_space<hbm>>) target(%arg17 : memref<2000xi32, #tpu.memory_space<vmem>>) offsets(%arg16 : memref<2000xi32, #tpu.memory_space<vmem>>) semaphore(%arg25 : memref<!tpu.dma_semaphore, #tpu.memory_space<semaphore_mem>>)
      %dma_wait3A_41 = arith.constant 0 : i32
      %dma_wait3A_42 = tpu.memref_slice %arg5[%dma_wait3A_41] : memref<320000xi32, #tpu.memory_space<hbm>> -> memref<320000xi32, #tpu.memory_space<hbm>>
      tpu.wait_indirect_dma semaphore(%arg25 : memref<!tpu.dma_semaphore, #tpu.memory_space<semaphore_mem>>) src(%dma_wait3A_42 : memref<320000xi32, #tpu.memory_space<hbm>>) dst(%arg17 : memref<2000xi32, #tpu.memory_space<vmem>>)
      %scan3A_43 = arith.constant 0 : i32
      %scan3A_44 = arith.constant 0 : i32
      %scan3A_45 = arith.constant 125 : i32
      %scan3A_46 = arith.addi %scan3A_44, %scan3A_45 : i32
      %scan3A_47 = arith.constant 1 : i32
      %scan3A_48 = scf.for %scan3A_153 = %scan3A_44 to %scan3A_46 step %scan3A_47 iter_args(%scan3A_154 = %scan3A_43) -> (i32)  : i32 {
        %mul3A_155 = arith.constant 16 : i32
        %mul3A_156 = arith.muli %scan3A_153, %mul3A_155 : i32
        %get3A_157 = arith.index_cast %mul3A_156 : i32 to index
        %get3A_158 = tpu.vector_load %arg11[%get3A_157] {strides = array<i32>} : memref<2000xi32, #tpu.memory_space<vmem>>, vector<16xi32>,
        %mul3A_159 = vector.broadcast %squeeze3A : i32 to vector<16xi32>
        %mul3A_160 = arith.muli %get3A_158, %mul3A_159 : vector<16xi32>
        %mul3A_161 = arith.constant 16 : i32
        %mul3A_162 = arith.muli %scan3A_153, %mul3A_161 : i32
        %get3A_163 = arith.index_cast %mul3A_162 : i32 to index
        %get3A_164 = tpu.vector_load %arg12[%get3A_163] {strides = array<i32>} : memref<2000xi32, #tpu.memory_space<vmem>>, vector<16xi32>,
        %add3A_165 = arith.addi %mul3A_160, %get3A_164 : vector<16xi32>
        %mul3A_166 = arith.constant 16 : i32
        %mul3A_167 = arith.muli %scan3A_153, %mul3A_166 : i32
        %get3A_168 = arith.index_cast %mul3A_167 : i32 to index
        %get3A_169 = tpu.vector_load %arg13[%get3A_168] {strides = array<i32>} : memref<2000xi32, #tpu.memory_space<vmem>>, vector<16xi32>,
        %sub3A = arith.constant 1 : i32
        %sub3A_170 = vector.broadcast %sub3A : i32 to vector<16xi32>
        %sub3A_171 = arith.subi %get3A_169, %sub3A_170 : vector<16xi32>
        %max3A = arith.constant 0 : i32
        %max3A_172 = vector.broadcast %max3A : i32 to vector<16xi32>
        %max3A_173 = arith.maxsi %sub3A_171, %max3A_172 : vector<16xi32>
        %mul3A_174 = arith.constant 8 : i32
        %mul3A_175 = vector.broadcast %mul3A_174 : i32 to vector<16xi32>
        %mul3A_176 = arith.muli %mul3A_175, %max3A_173 : vector<16xi32>
        %mul3A_177 = arith.constant 16 : i32
        %mul3A_178 = arith.muli %scan3A_153, %mul3A_177 : i32
        %get3A_179 = arith.index_cast %mul3A_178 : i32 to index
        %get3A_180 = tpu.vector_load %arg14[%get3A_179] {strides = array<i32>} : memref<2000xi32, #tpu.memory_space<vmem>>, vector<16xi32>,
        %mul3A_181 = arith.constant 16 : i32
        %mul3A_182 = arith.muli %scan3A_153, %mul3A_181 : i32
        %get3A_183 = arith.index_cast %mul3A_182 : i32 to index
        %get3A_184 = tpu.vector_load %arg15[%get3A_183] {strides = array<i32>} : memref<2000xi32, #tpu.memory_space<vmem>>, vector<16xi32>,
        %add3A_185 = arith.addi %get3A_180, %get3A_184 : vector<16xi32>
        %shift_right_arithmetic3A = arith.constant 1 : i32
        %shift_right_arithmetic3A_186 = vector.broadcast %shift_right_arithmetic3A : i32 to vector<16xi32>
        %shift_right_arithmetic3A_187 = arith.shrsi %add3A_185, %shift_right_arithmetic3A_186 : vector<16xi32>
        %mul3A_188 = arith.constant 16 : i32
        %mul3A_189 = arith.muli %scan3A_153, %mul3A_188 : i32
        %get3A_190 = arith.index_cast %mul3A_189 : i32 to index
        %get3A_191 = tpu.vector_load %arg17[%get3A_190] {strides = array<i32>} : memref<2000xi32, #tpu.memory_space<vmem>>, vector<16xi32>,
        %lt3A = arith.cmpi slt, %get3A_191, %add3A_165 : vector<16xi32>
        %add3A_192 = arith.constant 1 : i32
        %add3A_193 = vector.broadcast %add3A_192 : i32 to vector<16xi32>
        %add3A_194 = arith.addi %shift_right_arithmetic3A_187, %add3A_193 : vector<16xi32>
        %select_n3A = arith.select %lt3A, %add3A_194, %get3A_180 : vector<16xi1>, vector<16xi32>
        %select_n3A_195 = arith.select %lt3A, %get3A_184, %shift_right_arithmetic3A_187 : vector<16xi1>, vector<16xi32>
        %mul3A_196 = arith.constant 16 : i32
        %mul3A_197 = arith.muli %scan3A_153, %mul3A_196 : i32
        %swap3A = arith.index_cast %mul3A_197 : i32 to index
        %swap3A_198 = tpu.vector_load %arg14[%swap3A] {strides = array<i32>} : memref<2000xi32, #tpu.memory_space<vmem>>, vector<16xi32>,
        tpu.vector_store %arg14[%swap3A], %select_n3A {strides = array<i32>} : memref<2000xi32, #tpu.memory_space<vmem>>, vector<16xi32>,
        %mul3A_199 = arith.constant 16 : i32
        %mul3A_200 = arith.muli %scan3A_153, %mul3A_199 : i32
        %swap3A_201 = arith.index_cast %mul3A_200 : i32 to index
        %swap3A_202 = tpu.vector_load %arg15[%swap3A_201] {strides = array<i32>} : memref<2000xi32, #tpu.memory_space<vmem>>, vector<16xi32>,
        tpu.vector_store %arg15[%swap3A_201], %select_n3A_195 {strides = array<i32>} : memref<2000xi32, #tpu.memory_space<vmem>>, vector<16xi32>,
        %add3A_203 = arith.addi %select_n3A, %select_n3A_195 : vector<16xi32>
        %shift_right_arithmetic3A_204 = arith.constant 1 : i32
        %shift_right_arithmetic3A_205 = vector.broadcast %shift_right_arithmetic3A_204 : i32 to vector<16xi32>
        %shift_right_arithmetic3A_206 = arith.shrsi %add3A_203, %shift_right_arithmetic3A_205 : vector<16xi32>
        %add3A_207 = arith.addi %mul3A_176, %shift_right_arithmetic3A_206 : vector<16xi32>
        %mul3A_208 = arith.constant 16 : i32
        %mul3A_209 = arith.muli %scan3A_153, %mul3A_208 : i32
        %swap3A_210 = arith.index_cast %mul3A_209 : i32 to index
        %swap3A_211 = tpu.vector_load %arg16[%swap3A_210] {strides = array<i32>} : memref<2000xi32, #tpu.memory_space<vmem>>, vector<16xi32>,
        tpu.vector_store %arg16[%swap3A_210], %add3A_207 {strides = array<i32>} : memref<2000xi32, #tpu.memory_space<vmem>>, vector<16xi32>,
        %scan3A_212 = arith.constant 0 : i32
        scf.yield %scan3A_212 : i32
      }
      %scan3A_49 = arith.constant 125 : i32
      %dma_start3A_50 = arith.constant 0 : i32
      %dma_start3A_51 = tpu.memref_slice %arg5[%dma_start3A_50] : memref<320000xi32, #tpu.memory_space<hbm>> -> memref<320000xi32, #tpu.memory_space<hbm>>
      tpu.enqueue_indirect_dma source(%dma_start3A_51 : memref<320000xi32, #tpu.memory_space<hbm>>) target(%arg17 : memref<2000xi32, #tpu.memory_space<vmem>>) offsets(%arg16 : memref<2000xi32, #tpu.memory_space<vmem>>) semaphore(%arg25 : memref<!tpu.dma_semaphore, #tpu.memory_space<semaphore_mem>>)
      %dma_wait3A_52 = arith.constant 0 : i32
      %dma_wait3A_53 = tpu.memref_slice %arg5[%dma_wait3A_52] : memref<320000xi32, #tpu.memory_space<hbm>> -> memref<320000xi32, #tpu.memory_space<hbm>>
      tpu.wait_indirect_dma semaphore(%arg25 : memref<!tpu.dma_semaphore, #tpu.memory_space<semaphore_mem>>) src(%dma_wait3A_53 : memref<320000xi32, #tpu.memory_space<hbm>>) dst(%arg17 : memref<2000xi32, #tpu.memory_space<vmem>>)
      %scan3A_54 = arith.constant 0 : i32
      %scan3A_55 = arith.constant 0 : i32
      %scan3A_56 = arith.constant 125 : i32
      %scan3A_57 = arith.addi %scan3A_55, %scan3A_56 : i32
      %scan3A_58 = arith.constant 1 : i32
      %scan3A_59 = scf.for %scan3A_153 = %scan3A_55 to %scan3A_57 step %scan3A_58 iter_args(%scan3A_154 = %scan3A_54) -> (i32)  : i32 {
        %mul3A_155 = arith.constant 16 : i32
        %mul3A_156 = arith.muli %scan3A_153, %mul3A_155 : i32
        %get3A_157 = arith.index_cast %mul3A_156 : i32 to index
        %get3A_158 = tpu.vector_load %arg11[%get3A_157] {strides = array<i32>} : memref<2000xi32, #tpu.memory_space<vmem>>, vector<16xi32>,
        %mul3A_159 = vector.broadcast %squeeze3A : i32 to vector<16xi32>
        %mul3A_160 = arith.muli %get3A_158, %mul3A_159 : vector<16xi32>
        %mul3A_161 = arith.constant 16 : i32
        %mul3A_162 = arith.muli %scan3A_153, %mul3A_161 : i32
        %get3A_163 = arith.index_cast %mul3A_162 : i32 to index
        %get3A_164 = tpu.vector_load %arg12[%get3A_163] {strides = array<i32>} : memref<2000xi32, #tpu.memory_space<vmem>>, vector<16xi32>,
        %add3A_165 = arith.addi %mul3A_160, %get3A_164 : vector<16xi32>
        %mul3A_166 = arith.constant 16 : i32
        %mul3A_167 = arith.muli %scan3A_153, %mul3A_166 : i32
        %get3A_168 = arith.index_cast %mul3A_167 : i32 to index
        %get3A_169 = tpu.vector_load %arg13[%get3A_168] {strides = array<i32>} : memref<2000xi32, #tpu.memory_space<vmem>>, vector<16xi32>,
        %sub3A = arith.constant 1 : i32
        %sub3A_170 = vector.broadcast %sub3A : i32 to vector<16xi32>
        %sub3A_171 = arith.subi %get3A_169, %sub3A_170 : vector<16xi32>
        %max3A = arith.constant 0 : i32
        %max3A_172 = vector.broadcast %max3A : i32 to vector<16xi32>
        %max3A_173 = arith.maxsi %sub3A_171, %max3A_172 : vector<16xi32>
        %mul3A_174 = arith.constant 8 : i32
        %mul3A_175 = vector.broadcast %mul3A_174 : i32 to vector<16xi32>
        %mul3A_176 = arith.muli %mul3A_175, %max3A_173 : vector<16xi32>
        %mul3A_177 = arith.constant 16 : i32
        %mul3A_178 = arith.muli %scan3A_153, %mul3A_177 : i32
        %get3A_179 = arith.index_cast %mul3A_178 : i32 to index
        %get3A_180 = tpu.vector_load %arg14[%get3A_179] {strides = array<i32>} : memref<2000xi32, #tpu.memory_space<vmem>>, vector<16xi32>,
        %mul3A_181 = arith.constant 16 : i32
        %mul3A_182 = arith.muli %scan3A_153, %mul3A_181 : i32
        %get3A_183 = arith.index_cast %mul3A_182 : i32 to index
        %get3A_184 = tpu.vector_load %arg15[%get3A_183] {strides = array<i32>} : memref<2000xi32, #tpu.memory_space<vmem>>, vector<16xi32>,
        %add3A_185 = arith.addi %get3A_180, %get3A_184 : vector<16xi32>
        %shift_right_arithmetic3A = arith.constant 1 : i32
        %shift_right_arithmetic3A_186 = vector.broadcast %shift_right_arithmetic3A : i32 to vector<16xi32>
        %shift_right_arithmetic3A_187 = arith.shrsi %add3A_185, %shift_right_arithmetic3A_186 : vector<16xi32>
        %mul3A_188 = arith.constant 16 : i32
        %mul3A_189 = arith.muli %scan3A_153, %mul3A_188 : i32
        %get3A_190 = arith.index_cast %mul3A_189 : i32 to index
        %get3A_191 = tpu.vector_load %arg17[%get3A_190] {strides = array<i32>} : memref<2000xi32, #tpu.memory_space<vmem>>, vector<16xi32>,
        %lt3A = arith.cmpi slt, %get3A_191, %add3A_165 : vector<16xi32>
        %add3A_192 = arith.constant 1 : i32
        %add3A_193 = vector.broadcast %add3A_192 : i32 to vector<16xi32>
        %add3A_194 = arith.addi %shift_right_arithmetic3A_187, %add3A_193 : vector<16xi32>
        %select_n3A = arith.select %lt3A, %add3A_194, %get3A_180 : vector<16xi1>, vector<16xi32>
        %select_n3A_195 = arith.select %lt3A, %get3A_184, %shift_right_arithmetic3A_187 : vector<16xi1>, vector<16xi32>
        %eq3A_196 = arith.constant 0 : i32
        %eq3A_197 = vector.broadcast %eq3A_196 : i32 to vector<16xi32>
        %eq3A_198 = arith.cmpi eq, %get3A_169, %eq3A_197 : vector<16xi32>
        %add3A_199 = arith.addi %mul3A_176, %select_n3A : vector<16xi32>
        %jit3A = arith.constant 0 : i32
        %broadcast_in_dim3A = vector.broadcast %jit3A : i32 to vector<16xi32>
        %select_n3A_200 = arith.select %eq3A_198, %broadcast_in_dim3A, %add3A_199 : vector<16xi1>, vector<16xi32>
        %mul3A_201 = arith.constant 16 : i32
        %mul3A_202 = arith.muli %scan3A_153, %mul3A_201 : i32
        %add3A_203 = arith.addi %add3A_22, %mul3A_202 : i32
        %iota3A = tpu.iota {dimensions = array<i32: 0>} : vector<16xi32>
        %add3A_204 = vector.broadcast %add3A_203 : i32 to vector<16xi32>
        %add3A_205 = arith.addi %add3A_204, %iota3A : vector<16xi32>
        %sub3A_206 = arith.subi %add3A_205, %select_n3A_200 : vector<16xi32>
        %mul3A_207 = arith.constant 16 : i32
        %mul3A_208 = arith.muli %scan3A_153, %mul3A_207 : i32
        %swap3A = arith.index_cast %mul3A_208 : i32 to index
        %swap3A_209 = tpu.vector_load %arg18[%swap3A] {strides = array<i32>} : memref<2000xi32, #tpu.memory_space<vmem>>, vector<16xi32>,
        tpu.vector_store %arg18[%swap3A], %sub3A_206 {strides = array<i32>} : memref<2000xi32, #tpu.memory_space<vmem>>, vector<16xi32>,
        %scan3A_210 = arith.constant 0 : i32
        scf.yield %scan3A_210 : i32
      }
      %scan3A_60 = arith.constant 125 : i32
      %scan3A_61 = arith.constant 0 : i32
      %scan3A_62 = arith.constant 0 : i32
      %scan3A_63 = arith.constant 125 : i32
      %scan3A_64 = arith.addi %scan3A_62, %scan3A_63 : i32
      %scan3A_65 = arith.constant 1 : i32
      %scan3A_66 = scf.for %scan3A_153 = %scan3A_62 to %scan3A_64 step %scan3A_65 iter_args(%scan3A_154 = %scan3A_61) -> (i32)  : i32 {
        %mul3A_155 = arith.constant 16 : i32
        %mul3A_156 = arith.muli %scan3A_153, %mul3A_155 : i32
        %get3A_157 = arith.index_cast %mul3A_156 : i32 to index
        %get3A_158 = tpu.vector_load %arg11[%get3A_157] {strides = array<i32>} : memref<2000xi32, #tpu.memory_space<vmem>>, vector<16xi32>,
        %mul3A_159 = vector.broadcast %squeeze3A : i32 to vector<16xi32>
        %mul3A_160 = arith.muli %get3A_158, %mul3A_159 : vector<16xi32>
        %mul3A_161 = arith.constant 16 : i32
        %mul3A_162 = arith.muli %scan3A_153, %mul3A_161 : i32
        %get3A_163 = arith.index_cast %mul3A_162 : i32 to index
        %get3A_164 = tpu.vector_load %arg12[%get3A_163] {strides = array<i32>} : memref<2000xi32, #tpu.memory_space<vmem>>, vector<16xi32>,
        %add3A_165 = arith.addi %mul3A_160, %get3A_164 : vector<16xi32>
        %add3A_166 = arith.constant 1 : i32
        %add3A_167 = vector.broadcast %add3A_166 : i32 to vector<16xi32>
        %add3A_168 = arith.addi %add3A_165, %add3A_167 : vector<16xi32>
        %broadcast_in_dim3A = arith.constant 0 : i32
        %broadcast_in_dim3A_169 = vector.broadcast %broadcast_in_dim3A : i32 to vector<16xi32>
        %broadcast_in_dim3A_170 = arith.constant 65536 : i32
        %broadcast_in_dim3A_171 = vector.broadcast %broadcast_in_dim3A_170 : i32 to vector<16xi32>
        %add3A_172 = arith.addi %broadcast_in_dim3A_169, %broadcast_in_dim3A_171 : vector<16xi32>
        %shift_right_arithmetic3A = arith.constant 1 : i32
        %shift_right_arithmetic3A_173 = vector.broadcast %shift_right_arithmetic3A : i32 to vector<16xi32>
        %shift_right_arithmetic3A_174 = arith.shrsi %add3A_172, %shift_right_arithmetic3A_173 : vector<16xi32>
        %min3A = arith.constant 39999 : i32
        %min3A_175 = vector.broadcast %min3A : i32 to vector<16xi32>
        %min3A_176 = arith.minsi %shift_right_arithmetic3A_174, %min3A_175 : vector<16xi32>
        %gather3A = tpu.vector_load_idx %arg10[%min3A_176] : memref<40000xi32, #tpu.memory_space<vmem>>[vector<16xi32>], vector<16xi32>,
        %lt3A = arith.cmpi slt, %gather3A, %add3A_168 : vector<16xi32>
        %lt3A_177 = arith.constant 40000 : i32
        %lt3A_178 = vector.broadcast %lt3A_177 : i32 to vector<16xi32>
        %lt3A_179 = arith.cmpi slt, %shift_right_arithmetic3A_174, %lt3A_178 : vector<16xi32>
        %and3A = arith.andi %lt3A, %lt3A_179 : vector<16xi1>
        %add3A_180 = arith.constant 1 : i32
        %add3A_181 = vector.broadcast %add3A_180 : i32 to vector<16xi32>
        %add3A_182 = arith.addi %shift_right_arithmetic3A_174, %add3A_181 : vector<16xi32>
        %select_n3A = arith.select %and3A, %add3A_182, %broadcast_in_dim3A_169 : vector<16xi1>, vector<16xi32>
        %select_n3A_183 = arith.select %and3A, %broadcast_in_dim3A_171, %shift_right_arithmetic3A_174 : vector<16xi1>, vector<16xi32>
        %add3A_184 = arith.addi %select_n3A, %select_n3A_183 : vector<16xi32>
        %shift_right_arithmetic3A_185 = arith.constant 1 : i32
        %shift_right_arithmetic3A_186 = vector.broadcast %shift_right_arithmetic3A_185 : i32 to vector<16xi32>
        %shift_right_arithmetic3A_187 = arith.shrsi %add3A_184, %shift_right_arithmetic3A_186 : vector<16xi32>
        %min3A_188 = arith.constant 39999 : i32
        %min3A_189 = vector.broadcast %min3A_188 : i32 to vector<16xi32>
        %min3A_190 = arith.minsi %shift_right_arithmetic3A_187, %min3A_189 : vector<16xi32>
        %gather3A_191 = tpu.vector_load_idx %arg10[%min3A_190] : memref<40000xi32, #tpu.memory_space<vmem>>[vector<16xi32>], vector<16xi32>,
        %lt3A_192 = arith.cmpi slt, %gather3A_191, %add3A_168 : vector<16xi32>
        %lt3A_193 = arith.constant 40000 : i32
        %lt3A_194 = vector.broadcast %lt3A_193 : i32 to vector<16xi32>
        %lt3A_195 = arith.cmpi slt, %shift_right_arithmetic3A_187, %lt3A_194 : vector<16xi32>
        %and3A_196 = arith.andi %lt3A_192, %lt3A_195 : vector<16xi1>
        %add3A_197 = arith.constant 1 : i32
        %add3A_198 = vector.broadcast %add3A_197 : i32 to vector<16xi32>
        %add3A_199 = arith.addi %shift_right_arithmetic3A_187, %add3A_198 : vector<16xi32>
        %select_n3A_200 = arith.select %and3A_196, %add3A_199, %select_n3A : vector<16xi1>, vector<16xi32>
        %select_n3A_201 = arith.select %and3A_196, %select_n3A_183, %shift_right_arithmetic3A_187 : vector<16xi1>, vector<16xi32>
        %add3A_202 = arith.addi %select_n3A_200, %select_n3A_201 : vector<16xi32>
        %shift_right_arithmetic3A_203 = arith.constant 1 : i32
        %shift_right_arithmetic3A_204 = vector.broadcast %shift_right_arithmetic3A_203 : i32 to vector<16xi32>
        %shift_right_arithmetic3A_205 = arith.shrsi %add3A_202, %shift_right_arithmetic3A_204 : vector<16xi32>
        %min3A_206 = arith.constant 39999 : i32
        %min3A_207 = vector.broadcast %min3A_206 : i32 to vector<16xi32>
        %min3A_208 = arith.minsi %shift_right_arithmetic3A_205, %min3A_207 : vector<16xi32>
        %gather3A_209 = tpu.vector_load_idx %arg10[%min3A_208] : memref<40000xi32, #tpu.memory_space<vmem>>[vector<16xi32>], vector<16xi32>,
        %lt3A_210 = arith.cmpi slt, %gather3A_209, %add3A_168 : vector<16xi32>
        %lt3A_211 = arith.constant 40000 : i32
        %lt3A_212 = vector.broadcast %lt3A_211 : i32 to vector<16xi32>
        %lt3A_213 = arith.cmpi slt, %shift_right_arithmetic3A_205, %lt3A_212 : vector<16xi32>
        %and3A_214 = arith.andi %lt3A_210, %lt3A_213 : vector<16xi1>
        %add3A_215 = arith.constant 1 : i32
        %add3A_216 = vector.broadcast %add3A_215 : i32 to vector<16xi32>
        %add3A_217 = arith.addi %shift_right_arithmetic3A_205, %add3A_216 : vector<16xi32>
        %select_n3A_218 = arith.select %and3A_214, %add3A_217, %select_n3A_200 : vector<16xi1>, vector<16xi32>
        %select_n3A_219 = arith.select %and3A_214, %select_n3A_201, %shift_right_arithmetic3A_205 : vector<16xi1>, vector<16xi32>
        %add3A_220 = arith.addi %select_n3A_218, %select_n3A_219 : vector<16xi32>
        %shift_right_arithmetic3A_221 = arith.constant 1 : i32
        %shift_right_arithmetic3A_222 = vector.broadcast %shift_right_arithmetic3A_221 : i32 to vector<16xi32>
        %shift_right_arithmetic3A_223 = arith.shrsi %add3A_220, %shift_right_arithmetic3A_222 : vector<16xi32>
        %min3A_224 = arith.constant 39999 : i32
        %min3A_225 = vector.broadcast %min3A_224 : i32 to vector<16xi32>
        %min3A_226 = arith.minsi %shift_right_arithmetic3A_223, %min3A_225 : vector<16xi32>
        %gather3A_227 = tpu.vector_load_idx %arg10[%min3A_226] : memref<40000xi32, #tpu.memory_space<vmem>>[vector<16xi32>], vector<16xi32>,
        %lt3A_228 = arith.cmpi slt, %gather3A_227, %add3A_168 : vector<16xi32>
        %lt3A_229 = arith.constant 40000 : i32
        %lt3A_230 = vector.broadcast %lt3A_229 : i32 to vector<16xi32>
        %lt3A_231 = arith.cmpi slt, %shift_right_arithmetic3A_223, %lt3A_230 : vector<16xi32>
        %and3A_232 = arith.andi %lt3A_228, %lt3A_231 : vector<16xi1>
        %add3A_233 = arith.constant 1 : i32
        %add3A_234 = vector.broadcast %add3A_233 : i32 to vector<16xi32>
        %add3A_235 = arith.addi %shift_right_arithmetic3A_223, %add3A_234 : vector<16xi32>
        %select_n3A_236 = arith.select %and3A_232, %add3A_235, %select_n3A_218 : vector<16xi1>, vector<16xi32>
        %select_n3A_237 = arith.select %and3A_232, %select_n3A_219, %shift_right_arithmetic3A_223 : vector<16xi1>, vector<16xi32>
        %add3A_238 = arith.addi %select_n3A_236, %select_n3A_237 : vector<16xi32>
        %shift_right_arithmetic3A_239 = arith.constant 1 : i32
        %shift_right_arithmetic3A_240 = vector.broadcast %shift_right_arithmetic3A_239 : i32 to vector<16xi32>
        %shift_right_arithmetic3A_241 = arith.shrsi %add3A_238, %shift_right_arithmetic3A_240 : vector<16xi32>
        %min3A_242 = arith.constant 39999 : i32
        %min3A_243 = vector.broadcast %min3A_242 : i32 to vector<16xi32>
        %min3A_244 = arith.minsi %shift_right_arithmetic3A_241, %min3A_243 : vector<16xi32>
        %gather3A_245 = tpu.vector_load_idx %arg10[%min3A_244] : memref<40000xi32, #tpu.memory_space<vmem>>[vector<16xi32>], vector<16xi32>,
        %lt3A_246 = arith.cmpi slt, %gather3A_245, %add3A_168 : vector<16xi32>
        %lt3A_247 = arith.constant 40000 : i32
        %lt3A_248 = vector.broadcast %lt3A_247 : i32 to vector<16xi32>
        %lt3A_249 = arith.cmpi slt, %shift_right_arithmetic3A_241, %lt3A_248 : vector<16xi32>
        %and3A_250 = arith.andi %lt3A_246, %lt3A_249 : vector<16xi1>
        %add3A_251 = arith.constant 1 : i32
        %add3A_252 = vector.broadcast %add3A_251 : i32 to vector<16xi32>
        %add3A_253 = arith.addi %shift_right_arithmetic3A_241, %add3A_252 : vector<16xi32>
        %select_n3A_254 = arith.select %and3A_250, %add3A_253, %select_n3A_236 : vector<16xi1>, vector<16xi32>
        %select_n3A_255 = arith.select %and3A_250, %select_n3A_237, %shift_right_arithmetic3A_241 : vector<16xi1>, vector<16xi32>
        %add3A_256 = arith.addi %select_n3A_254, %select_n3A_255 : vector<16xi32>
        %shift_right_arithmetic3A_257 = arith.constant 1 : i32
        %shift_right_arithmetic3A_258 = vector.broadcast %shift_right_arithmetic3A_257 : i32 to vector<16xi32>
        %shift_right_arithmetic3A_259 = arith.shrsi %add3A_256, %shift_right_arithmetic3A_258 : vector<16xi32>
        %min3A_260 = arith.constant 39999 : i32
        %min3A_261 = vector.broadcast %min3A_260 : i32 to vector<16xi32>
        %min3A_262 = arith.minsi %shift_right_arithmetic3A_259, %min3A_261 : vector<16xi32>
        %gather3A_263 = tpu.vector_load_idx %arg10[%min3A_262] : memref<40000xi32, #tpu.memory_space<vmem>>[vector<16xi32>], vector<16xi32>,
        %lt3A_264 = arith.cmpi slt, %gather3A_263, %add3A_168 : vector<16xi32>
        %lt3A_265 = arith.constant 40000 : i32
        %lt3A_266 = vector.broadcast %lt3A_265 : i32 to vector<16xi32>
        %lt3A_267 = arith.cmpi slt, %shift_right_arithmetic3A_259, %lt3A_266 : vector<16xi32>
        %and3A_268 = arith.andi %lt3A_264, %lt3A_267 : vector<16xi1>
        %add3A_269 = arith.constant 1 : i32
        %add3A_270 = vector.broadcast %add3A_269 : i32 to vector<16xi32>
        %add3A_271 = arith.addi %shift_right_arithmetic3A_259, %add3A_270 : vector<16xi32>
        %select_n3A_272 = arith.select %and3A_268, %add3A_271, %select_n3A_254 : vector<16xi1>, vector<16xi32>
        %select_n3A_273 = arith.select %and3A_268, %select_n3A_255, %shift_right_arithmetic3A_259 : vector<16xi1>, vector<16xi32>
        %add3A_274 = arith.addi %select_n3A_272, %select_n3A_273 : vector<16xi32>
        %shift_right_arithmetic3A_275 = arith.constant 1 : i32
        %shift_right_arithmetic3A_276 = vector.broadcast %shift_right_arithmetic3A_275 : i32 to vector<16xi32>
        %shift_right_arithmetic3A_277 = arith.shrsi %add3A_274, %shift_right_arithmetic3A_276 : vector<16xi32>
        %min3A_278 = arith.constant 39999 : i32
        %min3A_279 = vector.broadcast %min3A_278 : i32 to vector<16xi32>
        %min3A_280 = arith.minsi %shift_right_arithmetic3A_277, %min3A_279 : vector<16xi32>
        %gather3A_281 = tpu.vector_load_idx %arg10[%min3A_280] : memref<40000xi32, #tpu.memory_space<vmem>>[vector<16xi32>], vector<16xi32>,
        %lt3A_282 = arith.cmpi slt, %gather3A_281, %add3A_168 : vector<16xi32>
        %lt3A_283 = arith.constant 40000 : i32
        %lt3A_284 = vector.broadcast %lt3A_283 : i32 to vector<16xi32>
        %lt3A_285 = arith.cmpi slt, %shift_right_arithmetic3A_277, %lt3A_284 : vector<16xi32>
        %and3A_286 = arith.andi %lt3A_282, %lt3A_285 : vector<16xi1>
        %add3A_287 = arith.constant 1 : i32
        %add3A_288 = vector.broadcast %add3A_287 : i32 to vector<16xi32>
        %add3A_289 = arith.addi %shift_right_arithmetic3A_277, %add3A_288 : vector<16xi32>
        %select_n3A_290 = arith.select %and3A_286, %add3A_289, %select_n3A_272 : vector<16xi1>, vector<16xi32>
        %select_n3A_291 = arith.select %and3A_286, %select_n3A_273, %shift_right_arithmetic3A_277 : vector<16xi1>, vector<16xi32>
        %add3A_292 = arith.addi %select_n3A_290, %select_n3A_291 : vector<16xi32>
        %shift_right_arithmetic3A_293 = arith.constant 1 : i32
        %shift_right_arithmetic3A_294 = vector.broadcast %shift_right_arithmetic3A_293 : i32 to vector<16xi32>
        %shift_right_arithmetic3A_295 = arith.shrsi %add3A_292, %shift_right_arithmetic3A_294 : vector<16xi32>
        %min3A_296 = arith.constant 39999 : i32
        %min3A_297 = vector.broadcast %min3A_296 : i32 to vector<16xi32>
        %min3A_298 = arith.minsi %shift_right_arithmetic3A_295, %min3A_297 : vector<16xi32>
        %gather3A_299 = tpu.vector_load_idx %arg10[%min3A_298] : memref<40000xi32, #tpu.memory_space<vmem>>[vector<16xi32>], vector<16xi32>,
        %lt3A_300 = arith.cmpi slt, %gather3A_299, %add3A_168 : vector<16xi32>
        %lt3A_301 = arith.constant 40000 : i32
        %lt3A_302 = vector.broadcast %lt3A_301 : i32 to vector<16xi32>
        %lt3A_303 = arith.cmpi slt, %shift_right_arithmetic3A_295, %lt3A_302 : vector<16xi32>
        %and3A_304 = arith.andi %lt3A_300, %lt3A_303 : vector<16xi1>
        %add3A_305 = arith.constant 1 : i32
        %add3A_306 = vector.broadcast %add3A_305 : i32 to vector<16xi32>
        %add3A_307 = arith.addi %shift_right_arithmetic3A_295, %add3A_306 : vector<16xi32>
        %select_n3A_308 = arith.select %and3A_304, %add3A_307, %select_n3A_290 : vector<16xi1>, vector<16xi32>
        %select_n3A_309 = arith.select %and3A_304, %select_n3A_291, %shift_right_arithmetic3A_295 : vector<16xi1>, vector<16xi32>
        %add3A_310 = arith.addi %select_n3A_308, %select_n3A_309 : vector<16xi32>
        %shift_right_arithmetic3A_311 = arith.constant 1 : i32
        %shift_right_arithmetic3A_312 = vector.broadcast %shift_right_arithmetic3A_311 : i32 to vector<16xi32>
        %shift_right_arithmetic3A_313 = arith.shrsi %add3A_310, %shift_right_arithmetic3A_312 : vector<16xi32>
        %min3A_314 = arith.constant 39999 : i32
        %min3A_315 = vector.broadcast %min3A_314 : i32 to vector<16xi32>
        %min3A_316 = arith.minsi %shift_right_arithmetic3A_313, %min3A_315 : vector<16xi32>
        %gather3A_317 = tpu.vector_load_idx %arg10[%min3A_316] : memref<40000xi32, #tpu.memory_space<vmem>>[vector<16xi32>], vector<16xi32>,
        %lt3A_318 = arith.cmpi slt, %gather3A_317, %add3A_168 : vector<16xi32>
        %lt3A_319 = arith.constant 40000 : i32
        %lt3A_320 = vector.broadcast %lt3A_319 : i32 to vector<16xi32>
        %lt3A_321 = arith.cmpi slt, %shift_right_arithmetic3A_313, %lt3A_320 : vector<16xi32>
        %and3A_322 = arith.andi %lt3A_318, %lt3A_321 : vector<16xi1>
        %add3A_323 = arith.constant 1 : i32
        %add3A_324 = vector.broadcast %add3A_323 : i32 to vector<16xi32>
        %add3A_325 = arith.addi %shift_right_arithmetic3A_313, %add3A_324 : vector<16xi32>
        %select_n3A_326 = arith.select %and3A_322, %add3A_325, %select_n3A_308 : vector<16xi1>, vector<16xi32>
        %select_n3A_327 = arith.select %and3A_322, %select_n3A_309, %shift_right_arithmetic3A_313 : vector<16xi1>, vector<16xi32>
        %add3A_328 = arith.addi %select_n3A_326, %select_n3A_327 : vector<16xi32>
        %shift_right_arithmetic3A_329 = arith.constant 1 : i32
        %shift_right_arithmetic3A_330 = vector.broadcast %shift_right_arithmetic3A_329 : i32 to vector<16xi32>
        %shift_right_arithmetic3A_331 = arith.shrsi %add3A_328, %shift_right_arithmetic3A_330 : vector<16xi32>
        %min3A_332 = arith.constant 39999 : i32
        %min3A_333 = vector.broadcast %min3A_332 : i32 to vector<16xi32>
        %min3A_334 = arith.minsi %shift_right_arithmetic3A_331, %min3A_333 : vector<16xi32>
        %gather3A_335 = tpu.vector_load_idx %arg10[%min3A_334] : memref<40000xi32, #tpu.memory_space<vmem>>[vector<16xi32>], vector<16xi32>,
        %lt3A_336 = arith.cmpi slt, %gather3A_335, %add3A_168 : vector<16xi32>
        %lt3A_337 = arith.constant 40000 : i32
        %lt3A_338 = vector.broadcast %lt3A_337 : i32 to vector<16xi32>
        %lt3A_339 = arith.cmpi slt, %shift_right_arithmetic3A_331, %lt3A_338 : vector<16xi32>
        %and3A_340 = arith.andi %lt3A_336, %lt3A_339 : vector<16xi1>
        %add3A_341 = arith.constant 1 : i32
        %add3A_342 = vector.broadcast %add3A_341 : i32 to vector<16xi32>
        %add3A_343 = arith.addi %shift_right_arithmetic3A_331, %add3A_342 : vector<16xi32>
        %select_n3A_344 = arith.select %and3A_340, %add3A_343, %select_n3A_326 : vector<16xi1>, vector<16xi32>
        %select_n3A_345 = arith.select %and3A_340, %select_n3A_327, %shift_right_arithmetic3A_331 : vector<16xi1>, vector<16xi32>
        %add3A_346 = arith.addi %select_n3A_344, %select_n3A_345 : vector<16xi32>
        %shift_right_arithmetic3A_347 = arith.constant 1 : i32
        %shift_right_arithmetic3A_348 = vector.broadcast %shift_right_arithmetic3A_347 : i32 to vector<16xi32>
        %shift_right_arithmetic3A_349 = arith.shrsi %add3A_346, %shift_right_arithmetic3A_348 : vector<16xi32>
        %min3A_350 = arith.constant 39999 : i32
        %min3A_351 = vector.broadcast %min3A_350 : i32 to vector<16xi32>
        %min3A_352 = arith.minsi %shift_right_arithmetic3A_349, %min3A_351 : vector<16xi32>
        %gather3A_353 = tpu.vector_load_idx %arg10[%min3A_352] : memref<40000xi32, #tpu.memory_space<vmem>>[vector<16xi32>], vector<16xi32>,
        %lt3A_354 = arith.cmpi slt, %gather3A_353, %add3A_168 : vector<16xi32>
        %lt3A_355 = arith.constant 40000 : i32
        %lt3A_356 = vector.broadcast %lt3A_355 : i32 to vector<16xi32>
        %lt3A_357 = arith.cmpi slt, %shift_right_arithmetic3A_349, %lt3A_356 : vector<16xi32>
        %and3A_358 = arith.andi %lt3A_354, %lt3A_357 : vector<16xi1>
        %add3A_359 = arith.constant 1 : i32
        %add3A_360 = vector.broadcast %add3A_359 : i32 to vector<16xi32>
        %add3A_361 = arith.addi %shift_right_arithmetic3A_349, %add3A_360 : vector<16xi32>
        %select_n3A_362 = arith.select %and3A_358, %add3A_361, %select_n3A_344 : vector<16xi1>, vector<16xi32>
        %select_n3A_363 = arith.select %and3A_358, %select_n3A_345, %shift_right_arithmetic3A_349 : vector<16xi1>, vector<16xi32>
        %add3A_364 = arith.addi %select_n3A_362, %select_n3A_363 : vector<16xi32>
        %shift_right_arithmetic3A_365 = arith.constant 1 : i32
        %shift_right_arithmetic3A_366 = vector.broadcast %shift_right_arithmetic3A_365 : i32 to vector<16xi32>
        %shift_right_arithmetic3A_367 = arith.shrsi %add3A_364, %shift_right_arithmetic3A_366 : vector<16xi32>
        %min3A_368 = arith.constant 39999 : i32
        %min3A_369 = vector.broadcast %min3A_368 : i32 to vector<16xi32>
        %min3A_370 = arith.minsi %shift_right_arithmetic3A_367, %min3A_369 : vector<16xi32>
        %gather3A_371 = tpu.vector_load_idx %arg10[%min3A_370] : memref<40000xi32, #tpu.memory_space<vmem>>[vector<16xi32>], vector<16xi32>,
        %lt3A_372 = arith.cmpi slt, %gather3A_371, %add3A_168 : vector<16xi32>
        %lt3A_373 = arith.constant 40000 : i32
        %lt3A_374 = vector.broadcast %lt3A_373 : i32 to vector<16xi32>
        %lt3A_375 = arith.cmpi slt, %shift_right_arithmetic3A_367, %lt3A_374 : vector<16xi32>
        %and3A_376 = arith.andi %lt3A_372, %lt3A_375 : vector<16xi1>
        %add3A_377 = arith.constant 1 : i32
        %add3A_378 = vector.broadcast %add3A_377 : i32 to vector<16xi32>
        %add3A_379 = arith.addi %shift_right_arithmetic3A_367, %add3A_378 : vector<16xi32>
        %select_n3A_380 = arith.select %and3A_376, %add3A_379, %select_n3A_362 : vector<16xi1>, vector<16xi32>
        %select_n3A_381 = arith.select %and3A_376, %select_n3A_363, %shift_right_arithmetic3A_367 : vector<16xi1>, vector<16xi32>
        %add3A_382 = arith.addi %select_n3A_380, %select_n3A_381 : vector<16xi32>
        %shift_right_arithmetic3A_383 = arith.constant 1 : i32
        %shift_right_arithmetic3A_384 = vector.broadcast %shift_right_arithmetic3A_383 : i32 to vector<16xi32>
        %shift_right_arithmetic3A_385 = arith.shrsi %add3A_382, %shift_right_arithmetic3A_384 : vector<16xi32>
        %min3A_386 = arith.constant 39999 : i32
        %min3A_387 = vector.broadcast %min3A_386 : i32 to vector<16xi32>
        %min3A_388 = arith.minsi %shift_right_arithmetic3A_385, %min3A_387 : vector<16xi32>
        %gather3A_389 = tpu.vector_load_idx %arg10[%min3A_388] : memref<40000xi32, #tpu.memory_space<vmem>>[vector<16xi32>], vector<16xi32>,
        %lt3A_390 = arith.cmpi slt, %gather3A_389, %add3A_168 : vector<16xi32>
        %lt3A_391 = arith.constant 40000 : i32
        %lt3A_392 = vector.broadcast %lt3A_391 : i32 to vector<16xi32>
        %lt3A_393 = arith.cmpi slt, %shift_right_arithmetic3A_385, %lt3A_392 : vector<16xi32>
        %and3A_394 = arith.andi %lt3A_390, %lt3A_393 : vector<16xi1>
        %add3A_395 = arith.constant 1 : i32
        %add3A_396 = vector.broadcast %add3A_395 : i32 to vector<16xi32>
        %add3A_397 = arith.addi %shift_right_arithmetic3A_385, %add3A_396 : vector<16xi32>
        %select_n3A_398 = arith.select %and3A_394, %add3A_397, %select_n3A_380 : vector<16xi1>, vector<16xi32>
        %select_n3A_399 = arith.select %and3A_394, %select_n3A_381, %shift_right_arithmetic3A_385 : vector<16xi1>, vector<16xi32>
        %add3A_400 = arith.addi %select_n3A_398, %select_n3A_399 : vector<16xi32>
        %shift_right_arithmetic3A_401 = arith.constant 1 : i32
        %shift_right_arithmetic3A_402 = vector.broadcast %shift_right_arithmetic3A_401 : i32 to vector<16xi32>
        %shift_right_arithmetic3A_403 = arith.shrsi %add3A_400, %shift_right_arithmetic3A_402 : vector<16xi32>
        %min3A_404 = arith.constant 39999 : i32
        %min3A_405 = vector.broadcast %min3A_404 : i32 to vector<16xi32>
        %min3A_406 = arith.minsi %shift_right_arithmetic3A_403, %min3A_405 : vector<16xi32>
        %gather3A_407 = tpu.vector_load_idx %arg10[%min3A_406] : memref<40000xi32, #tpu.memory_space<vmem>>[vector<16xi32>], vector<16xi32>,
        %lt3A_408 = arith.cmpi slt, %gather3A_407, %add3A_168 : vector<16xi32>
        %lt3A_409 = arith.constant 40000 : i32
        %lt3A_410 = vector.broadcast %lt3A_409 : i32 to vector<16xi32>
        %lt3A_411 = arith.cmpi slt, %shift_right_arithmetic3A_403, %lt3A_410 : vector<16xi32>
        %and3A_412 = arith.andi %lt3A_408, %lt3A_411 : vector<16xi1>
        %add3A_413 = arith.constant 1 : i32
        %add3A_414 = vector.broadcast %add3A_413 : i32 to vector<16xi32>
        %add3A_415 = arith.addi %shift_right_arithmetic3A_403, %add3A_414 : vector<16xi32>
        %select_n3A_416 = arith.select %and3A_412, %add3A_415, %select_n3A_398 : vector<16xi1>, vector<16xi32>
        %select_n3A_417 = arith.select %and3A_412, %select_n3A_399, %shift_right_arithmetic3A_403 : vector<16xi1>, vector<16xi32>
        %add3A_418 = arith.addi %select_n3A_416, %select_n3A_417 : vector<16xi32>
        %shift_right_arithmetic3A_419 = arith.constant 1 : i32
        %shift_right_arithmetic3A_420 = vector.broadcast %shift_right_arithmetic3A_419 : i32 to vector<16xi32>
        %shift_right_arithmetic3A_421 = arith.shrsi %add3A_418, %shift_right_arithmetic3A_420 : vector<16xi32>
        %min3A_422 = arith.constant 39999 : i32
        %min3A_423 = vector.broadcast %min3A_422 : i32 to vector<16xi32>
        %min3A_424 = arith.minsi %shift_right_arithmetic3A_421, %min3A_423 : vector<16xi32>
        %gather3A_425 = tpu.vector_load_idx %arg10[%min3A_424] : memref<40000xi32, #tpu.memory_space<vmem>>[vector<16xi32>], vector<16xi32>,
        %lt3A_426 = arith.cmpi slt, %gather3A_425, %add3A_168 : vector<16xi32>
        %lt3A_427 = arith.constant 40000 : i32
        %lt3A_428 = vector.broadcast %lt3A_427 : i32 to vector<16xi32>
        %lt3A_429 = arith.cmpi slt, %shift_right_arithmetic3A_421, %lt3A_428 : vector<16xi32>
        %and3A_430 = arith.andi %lt3A_426, %lt3A_429 : vector<16xi1>
        %add3A_431 = arith.constant 1 : i32
        %add3A_432 = vector.broadcast %add3A_431 : i32 to vector<16xi32>
        %add3A_433 = arith.addi %shift_right_arithmetic3A_421, %add3A_432 : vector<16xi32>
        %select_n3A_434 = arith.select %and3A_430, %add3A_433, %select_n3A_416 : vector<16xi1>, vector<16xi32>
        %select_n3A_435 = arith.select %and3A_430, %select_n3A_417, %shift_right_arithmetic3A_421 : vector<16xi1>, vector<16xi32>
        %add3A_436 = arith.addi %select_n3A_434, %select_n3A_435 : vector<16xi32>
        %shift_right_arithmetic3A_437 = arith.constant 1 : i32
        %shift_right_arithmetic3A_438 = vector.broadcast %shift_right_arithmetic3A_437 : i32 to vector<16xi32>
        %shift_right_arithmetic3A_439 = arith.shrsi %add3A_436, %shift_right_arithmetic3A_438 : vector<16xi32>
        %min3A_440 = arith.constant 39999 : i32
        %min3A_441 = vector.broadcast %min3A_440 : i32 to vector<16xi32>
        %min3A_442 = arith.minsi %shift_right_arithmetic3A_439, %min3A_441 : vector<16xi32>
        %gather3A_443 = tpu.vector_load_idx %arg10[%min3A_442] : memref<40000xi32, #tpu.memory_space<vmem>>[vector<16xi32>], vector<16xi32>,
        %lt3A_444 = arith.cmpi slt, %gather3A_443, %add3A_168 : vector<16xi32>
        %lt3A_445 = arith.constant 40000 : i32
        %lt3A_446 = vector.broadcast %lt3A_445 : i32 to vector<16xi32>
        %lt3A_447 = arith.cmpi slt, %shift_right_arithmetic3A_439, %lt3A_446 : vector<16xi32>
        %and3A_448 = arith.andi %lt3A_444, %lt3A_447 : vector<16xi1>
        %add3A_449 = arith.constant 1 : i32
        %add3A_450 = vector.broadcast %add3A_449 : i32 to vector<16xi32>
        %add3A_451 = arith.addi %shift_right_arithmetic3A_439, %add3A_450 : vector<16xi32>
        %select_n3A_452 = arith.select %and3A_448, %add3A_451, %select_n3A_434 : vector<16xi1>, vector<16xi32>
        %select_n3A_453 = arith.select %and3A_448, %select_n3A_435, %shift_right_arithmetic3A_439 : vector<16xi1>, vector<16xi32>
        %add3A_454 = arith.addi %select_n3A_452, %select_n3A_453 : vector<16xi32>
        %shift_right_arithmetic3A_455 = arith.constant 1 : i32
        %shift_right_arithmetic3A_456 = vector.broadcast %shift_right_arithmetic3A_455 : i32 to vector<16xi32>
        %shift_right_arithmetic3A_457 = arith.shrsi %add3A_454, %shift_right_arithmetic3A_456 : vector<16xi32>
        %min3A_458 = arith.constant 39999 : i32
        %min3A_459 = vector.broadcast %min3A_458 : i32 to vector<16xi32>
        %min3A_460 = arith.minsi %shift_right_arithmetic3A_457, %min3A_459 : vector<16xi32>
        %gather3A_461 = tpu.vector_load_idx %arg10[%min3A_460] : memref<40000xi32, #tpu.memory_space<vmem>>[vector<16xi32>], vector<16xi32>,
        %lt3A_462 = arith.cmpi slt, %gather3A_461, %add3A_168 : vector<16xi32>
        %lt3A_463 = arith.constant 40000 : i32
        %lt3A_464 = vector.broadcast %lt3A_463 : i32 to vector<16xi32>
        %lt3A_465 = arith.cmpi slt, %shift_right_arithmetic3A_457, %lt3A_464 : vector<16xi32>
        %and3A_466 = arith.andi %lt3A_462, %lt3A_465 : vector<16xi1>
        %add3A_467 = arith.constant 1 : i32
        %add3A_468 = vector.broadcast %add3A_467 : i32 to vector<16xi32>
        %add3A_469 = arith.addi %shift_right_arithmetic3A_457, %add3A_468 : vector<16xi32>
        %select_n3A_470 = arith.select %and3A_466, %add3A_469, %select_n3A_452 : vector<16xi1>, vector<16xi32>
        %select_n3A_471 = arith.select %and3A_466, %select_n3A_453, %shift_right_arithmetic3A_457 : vector<16xi1>, vector<16xi32>
        %mul3A_472 = arith.constant 16 : i32
        %mul3A_473 = arith.muli %scan3A_153, %mul3A_472 : i32
        %swap3A = arith.index_cast %mul3A_473 : i32 to index
        %swap3A_474 = tpu.vector_load %arg13[%swap3A] {strides = array<i32>} : memref<2000xi32, #tpu.memory_space<vmem>>, vector<16xi32>,
        tpu.vector_store %arg13[%swap3A], %select_n3A_470 {strides = array<i32>} : memref<2000xi32, #tpu.memory_space<vmem>>, vector<16xi32>,
        %sub3A = arith.constant 1 : i32
        %sub3A_475 = vector.broadcast %sub3A : i32 to vector<16xi32>
        %sub3A_476 = arith.subi %select_n3A_470, %sub3A_475 : vector<16xi32>
        %max3A = arith.constant 0 : i32
        %max3A_477 = vector.broadcast %max3A : i32 to vector<16xi32>
        %max3A_478 = arith.maxsi %sub3A_476, %max3A_477 : vector<16xi32>
        %mul3A_479 = arith.constant 8 : i32
        %mul3A_480 = vector.broadcast %mul3A_479 : i32 to vector<16xi32>
        %mul3A_481 = arith.muli %mul3A_480, %max3A_478 : vector<16xi32>
        %add3A_482 = arith.constant 4 : i32
        %add3A_483 = vector.broadcast %add3A_482 : i32 to vector<16xi32>
        %add3A_484 = arith.addi %mul3A_481, %add3A_483 : vector<16xi32>
        %mul3A_485 = arith.constant 16 : i32
        %mul3A_486 = arith.muli %scan3A_153, %mul3A_485 : i32
        %swap3A_487 = arith.index_cast %mul3A_486 : i32 to index
        %swap3A_488 = tpu.vector_load %arg16[%swap3A_487] {strides = array<i32>} : memref<2000xi32, #tpu.memory_space<vmem>>, vector<16xi32>,
        tpu.vector_store %arg16[%swap3A_487], %add3A_484 {strides = array<i32>} : memref<2000xi32, #tpu.memory_space<vmem>>, vector<16xi32>,
        %scan3A_489 = arith.constant 0 : i32
        scf.yield %scan3A_489 : i32
      }
      %scan3A_67 = arith.constant 125 : i32
      %dma_start3A_68 = arith.constant 0 : i32
      %dma_start3A_69 = tpu.memref_slice %arg5[%dma_start3A_68] : memref<320000xi32, #tpu.memory_space<hbm>> -> memref<320000xi32, #tpu.memory_space<hbm>>
      tpu.enqueue_indirect_dma source(%dma_start3A_69 : memref<320000xi32, #tpu.memory_space<hbm>>) target(%arg17 : memref<2000xi32, #tpu.memory_space<vmem>>) offsets(%arg16 : memref<2000xi32, #tpu.memory_space<vmem>>) semaphore(%arg25 : memref<!tpu.dma_semaphore, #tpu.memory_space<semaphore_mem>>)
      %dma_wait3A_70 = arith.constant 0 : i32
      %dma_wait3A_71 = tpu.memref_slice %arg5[%dma_wait3A_70] : memref<320000xi32, #tpu.memory_space<hbm>> -> memref<320000xi32, #tpu.memory_space<hbm>>
      tpu.wait_indirect_dma semaphore(%arg25 : memref<!tpu.dma_semaphore, #tpu.memory_space<semaphore_mem>>) src(%dma_wait3A_71 : memref<320000xi32, #tpu.memory_space<hbm>>) dst(%arg17 : memref<2000xi32, #tpu.memory_space<vmem>>)
      %scan3A_72 = arith.constant 0 : i32
      %scan3A_73 = arith.constant 0 : i32
      %scan3A_74 = arith.constant 125 : i32
      %scan3A_75 = arith.addi %scan3A_73, %scan3A_74 : i32
      %scan3A_76 = arith.constant 1 : i32
      %scan3A_77 = scf.for %scan3A_153 = %scan3A_73 to %scan3A_75 step %scan3A_76 iter_args(%scan3A_154 = %scan3A_72) -> (i32)  : i32 {
        %mul3A_155 = arith.constant 16 : i32
        %mul3A_156 = arith.muli %scan3A_153, %mul3A_155 : i32
        %get3A_157 = arith.index_cast %mul3A_156 : i32 to index
        %get3A_158 = tpu.vector_load %arg11[%get3A_157] {strides = array<i32>} : memref<2000xi32, #tpu.memory_space<vmem>>, vector<16xi32>,
        %mul3A_159 = vector.broadcast %squeeze3A : i32 to vector<16xi32>
        %mul3A_160 = arith.muli %get3A_158, %mul3A_159 : vector<16xi32>
        %mul3A_161 = arith.constant 16 : i32
        %mul3A_162 = arith.muli %scan3A_153, %mul3A_161 : i32
        %get3A_163 = arith.index_cast %mul3A_162 : i32 to index
        %get3A_164 = tpu.vector_load %arg12[%get3A_163] {strides = array<i32>} : memref<2000xi32, #tpu.memory_space<vmem>>, vector<16xi32>,
        %add3A_165 = arith.addi %mul3A_160, %get3A_164 : vector<16xi32>
        %add3A_166 = arith.constant 1 : i32
        %add3A_167 = vector.broadcast %add3A_166 : i32 to vector<16xi32>
        %add3A_168 = arith.addi %add3A_165, %add3A_167 : vector<16xi32>
        %mul3A_169 = arith.constant 16 : i32
        %mul3A_170 = arith.muli %scan3A_153, %mul3A_169 : i32
        %get3A_171 = arith.index_cast %mul3A_170 : i32 to index
        %get3A_172 = tpu.vector_load %arg13[%get3A_171] {strides = array<i32>} : memref<2000xi32, #tpu.memory_space<vmem>>, vector<16xi32>,
        %sub3A = arith.constant 1 : i32
        %sub3A_173 = vector.broadcast %sub3A : i32 to vector<16xi32>
        %sub3A_174 = arith.subi %get3A_172, %sub3A_173 : vector<16xi32>
        %max3A = arith.constant 0 : i32
        %max3A_175 = vector.broadcast %max3A : i32 to vector<16xi32>
        %max3A_176 = arith.maxsi %sub3A_174, %max3A_175 : vector<16xi32>
        %mul3A_177 = arith.constant 8 : i32
        %mul3A_178 = vector.broadcast %mul3A_177 : i32 to vector<16xi32>
        %mul3A_179 = arith.muli %mul3A_178, %max3A_176 : vector<16xi32>
        %broadcast_in_dim3A = arith.constant 1 : i32
        %broadcast_in_dim3A_180 = vector.broadcast %broadcast_in_dim3A : i32 to vector<16xi32>
        %broadcast_in_dim3A_181 = arith.constant 8 : i32
        %broadcast_in_dim3A_182 = vector.broadcast %broadcast_in_dim3A_181 : i32 to vector<16xi32>
        %add3A_183 = arith.addi %broadcast_in_dim3A_180, %broadcast_in_dim3A_182 : vector<16xi32>
        %shift_right_arithmetic3A = arith.constant 1 : i32
        %shift_right_arithmetic3A_184 = vector.broadcast %shift_right_arithmetic3A : i32 to vector<16xi32>
        %shift_right_arithmetic3A_185 = arith.shrsi %add3A_183, %shift_right_arithmetic3A_184 : vector<16xi32>
        %mul3A_186 = arith.constant 16 : i32
        %mul3A_187 = arith.muli %scan3A_153, %mul3A_186 : i32
        %get3A_188 = arith.index_cast %mul3A_187 : i32 to index
        %get3A_189 = tpu.vector_load %arg17[%get3A_188] {strides = array<i32>} : memref<2000xi32, #tpu.memory_space<vmem>>, vector<16xi32>,
        %lt3A = arith.cmpi slt, %get3A_189, %add3A_168 : vector<16xi32>
        %add3A_190 = arith.constant 1 : i32
        %add3A_191 = vector.broadcast %add3A_190 : i32 to vector<16xi32>
        %add3A_192 = arith.addi %shift_right_arithmetic3A_185, %add3A_191 : vector<16xi32>
        %select_n3A = arith.select %lt3A, %add3A_192, %broadcast_in_dim3A_180 : vector<16xi1>, vector<16xi32>
        %select_n3A_193 = arith.select %lt3A, %broadcast_in_dim3A_182, %shift_right_arithmetic3A_185 : vector<16xi1>, vector<16xi32>
        %mul3A_194 = arith.constant 16 : i32
        %mul3A_195 = arith.muli %scan3A_153, %mul3A_194 : i32
        %swap3A = arith.index_cast %mul3A_195 : i32 to index
        %swap3A_196 = tpu.vector_load %arg14[%swap3A] {strides = array<i32>} : memref<2000xi32, #tpu.memory_space<vmem>>, vector<16xi32>,
        tpu.vector_store %arg14[%swap3A], %select_n3A {strides = array<i32>} : memref<2000xi32, #tpu.memory_space<vmem>>, vector<16xi32>,
        %mul3A_197 = arith.constant 16 : i32
        %mul3A_198 = arith.muli %scan3A_153, %mul3A_197 : i32
        %swap3A_199 = arith.index_cast %mul3A_198 : i32 to index
        %swap3A_200 = tpu.vector_load %arg15[%swap3A_199] {strides = array<i32>} : memref<2000xi32, #tpu.memory_space<vmem>>, vector<16xi32>,
        tpu.vector_store %arg15[%swap3A_199], %select_n3A_193 {strides = array<i32>} : memref<2000xi32, #tpu.memory_space<vmem>>, vector<16xi32>,
        %add3A_201 = arith.addi %select_n3A, %select_n3A_193 : vector<16xi32>
        %shift_right_arithmetic3A_202 = arith.constant 1 : i32
        %shift_right_arithmetic3A_203 = vector.broadcast %shift_right_arithmetic3A_202 : i32 to vector<16xi32>
        %shift_right_arithmetic3A_204 = arith.shrsi %add3A_201, %shift_right_arithmetic3A_203 : vector<16xi32>
        %add3A_205 = arith.addi %mul3A_179, %shift_right_arithmetic3A_204 : vector<16xi32>
        %mul3A_206 = arith.constant 16 : i32
        %mul3A_207 = arith.muli %scan3A_153, %mul3A_206 : i32
        %swap3A_208 = arith.index_cast %mul3A_207 : i32 to index
        %swap3A_209 = tpu.vector_load %arg16[%swap3A_208] {strides = array<i32>} : memref<2000xi32, #tpu.memory_space<vmem>>, vector<16xi32>,
        tpu.vector_store %arg16[%swap3A_208], %add3A_205 {strides = array<i32>} : memref<2000xi32, #tpu.memory_space<vmem>>, vector<16xi32>,
        %scan3A_210 = arith.constant 0 : i32
        scf.yield %scan3A_210 : i32
      }
      %scan3A_78 = arith.constant 125 : i32
      %dma_start3A_79 = arith.constant 0 : i32
      %dma_start3A_80 = tpu.memref_slice %arg5[%dma_start3A_79] : memref<320000xi32, #tpu.memory_space<hbm>> -> memref<320000xi32, #tpu.memory_space<hbm>>
      tpu.enqueue_indirect_dma source(%dma_start3A_80 : memref<320000xi32, #tpu.memory_space<hbm>>) target(%arg17 : memref<2000xi32, #tpu.memory_space<vmem>>) offsets(%arg16 : memref<2000xi32, #tpu.memory_space<vmem>>) semaphore(%arg25 : memref<!tpu.dma_semaphore, #tpu.memory_space<semaphore_mem>>)
      %dma_wait3A_81 = arith.constant 0 : i32
      %dma_wait3A_82 = tpu.memref_slice %arg5[%dma_wait3A_81] : memref<320000xi32, #tpu.memory_space<hbm>> -> memref<320000xi32, #tpu.memory_space<hbm>>
      tpu.wait_indirect_dma semaphore(%arg25 : memref<!tpu.dma_semaphore, #tpu.memory_space<semaphore_mem>>) src(%dma_wait3A_82 : memref<320000xi32, #tpu.memory_space<hbm>>) dst(%arg17 : memref<2000xi32, #tpu.memory_space<vmem>>)
      %scan3A_83 = arith.constant 0 : i32
      %scan3A_84 = arith.constant 0 : i32
      %scan3A_85 = arith.constant 125 : i32
      %scan3A_86 = arith.addi %scan3A_84, %scan3A_85 : i32
      %scan3A_87 = arith.constant 1 : i32
      %scan3A_88 = scf.for %scan3A_153 = %scan3A_84 to %scan3A_86 step %scan3A_87 iter_args(%scan3A_154 = %scan3A_83) -> (i32)  : i32 {
        %mul3A_155 = arith.constant 16 : i32
        %mul3A_156 = arith.muli %scan3A_153, %mul3A_155 : i32
        %get3A_157 = arith.index_cast %mul3A_156 : i32 to index
        %get3A_158 = tpu.vector_load %arg11[%get3A_157] {strides = array<i32>} : memref<2000xi32, #tpu.memory_space<vmem>>, vector<16xi32>,
        %mul3A_159 = vector.broadcast %squeeze3A : i32 to vector<16xi32>
        %mul3A_160 = arith.muli %get3A_158, %mul3A_159 : vector<16xi32>
        %mul3A_161 = arith.constant 16 : i32
        %mul3A_162 = arith.muli %scan3A_153, %mul3A_161 : i32
        %get3A_163 = arith.index_cast %mul3A_162 : i32 to index
        %get3A_164 = tpu.vector_load %arg12[%get3A_163] {strides = array<i32>} : memref<2000xi32, #tpu.memory_space<vmem>>, vector<16xi32>,
        %add3A_165 = arith.addi %mul3A_160, %get3A_164 : vector<16xi32>
        %add3A_166 = arith.constant 1 : i32
        %add3A_167 = vector.broadcast %add3A_166 : i32 to vector<16xi32>
        %add3A_168 = arith.addi %add3A_165, %add3A_167 : vector<16xi32>
        %mul3A_169 = arith.constant 16 : i32
        %mul3A_170 = arith.muli %scan3A_153, %mul3A_169 : i32
        %get3A_171 = arith.index_cast %mul3A_170 : i32 to index
        %get3A_172 = tpu.vector_load %arg13[%get3A_171] {strides = array<i32>} : memref<2000xi32, #tpu.memory_space<vmem>>, vector<16xi32>,
        %sub3A = arith.constant 1 : i32
        %sub3A_173 = vector.broadcast %sub3A : i32 to vector<16xi32>
        %sub3A_174 = arith.subi %get3A_172, %sub3A_173 : vector<16xi32>
        %max3A = arith.constant 0 : i32
        %max3A_175 = vector.broadcast %max3A : i32 to vector<16xi32>
        %max3A_176 = arith.maxsi %sub3A_174, %max3A_175 : vector<16xi32>
        %mul3A_177 = arith.constant 8 : i32
        %mul3A_178 = vector.broadcast %mul3A_177 : i32 to vector<16xi32>
        %mul3A_179 = arith.muli %mul3A_178, %max3A_176 : vector<16xi32>
        %mul3A_180 = arith.constant 16 : i32
        %mul3A_181 = arith.muli %scan3A_153, %mul3A_180 : i32
        %get3A_182 = arith.index_cast %mul3A_181 : i32 to index
        %get3A_183 = tpu.vector_load %arg14[%get3A_182] {strides = array<i32>} : memref<2000xi32, #tpu.memory_space<vmem>>, vector<16xi32>,
        %mul3A_184 = arith.constant 16 : i32
        %mul3A_185 = arith.muli %scan3A_153, %mul3A_184 : i32
        %get3A_186 = arith.index_cast %mul3A_185 : i32 to index
        %get3A_187 = tpu.vector_load %arg15[%get3A_186] {strides = array<i32>} : memref<2000xi32, #tpu.memory_space<vmem>>, vector<16xi32>,
        %add3A_188 = arith.addi %get3A_183, %get3A_187 : vector<16xi32>
        %shift_right_arithmetic3A = arith.constant 1 : i32
        %shift_right_arithmetic3A_189 = vector.broadcast %shift_right_arithmetic3A : i32 to vector<16xi32>
        %shift_right_arithmetic3A_190 = arith.shrsi %add3A_188, %shift_right_arithmetic3A_189 : vector<16xi32>
        %mul3A_191 = arith.constant 16 : i32
        %mul3A_192 = arith.muli %scan3A_153, %mul3A_191 : i32
        %get3A_193 = arith.index_cast %mul3A_192 : i32 to index
        %get3A_194 = tpu.vector_load %arg17[%get3A_193] {strides = array<i32>} : memref<2000xi32, #tpu.memory_space<vmem>>, vector<16xi32>,
        %lt3A = arith.cmpi slt, %get3A_194, %add3A_168 : vector<16xi32>
        %add3A_195 = arith.constant 1 : i32
        %add3A_196 = vector.broadcast %add3A_195 : i32 to vector<16xi32>
        %add3A_197 = arith.addi %shift_right_arithmetic3A_190, %add3A_196 : vector<16xi32>
        %select_n3A = arith.select %lt3A, %add3A_197, %get3A_183 : vector<16xi1>, vector<16xi32>
        %select_n3A_198 = arith.select %lt3A, %get3A_187, %shift_right_arithmetic3A_190 : vector<16xi1>, vector<16xi32>
        %mul3A_199 = arith.constant 16 : i32
        %mul3A_200 = arith.muli %scan3A_153, %mul3A_199 : i32
        %swap3A = arith.index_cast %mul3A_200 : i32 to index
        %swap3A_201 = tpu.vector_load %arg14[%swap3A] {strides = array<i32>} : memref<2000xi32, #tpu.memory_space<vmem>>, vector<16xi32>,
        tpu.vector_store %arg14[%swap3A], %select_n3A {strides = array<i32>} : memref<2000xi32, #tpu.memory_space<vmem>>, vector<16xi32>,
        %mul3A_202 = arith.constant 16 : i32
        %mul3A_203 = arith.muli %scan3A_153, %mul3A_202 : i32
        %swap3A_204 = arith.index_cast %mul3A_203 : i32 to index
        %swap3A_205 = tpu.vector_load %arg15[%swap3A_204] {strides = array<i32>} : memref<2000xi32, #tpu.memory_space<vmem>>, vector<16xi32>,
        tpu.vector_store %arg15[%swap3A_204], %select_n3A_198 {strides = array<i32>} : memref<2000xi32, #tpu.memory_space<vmem>>, vector<16xi32>,
        %add3A_206 = arith.addi %select_n3A, %select_n3A_198 : vector<16xi32>
        %shift_right_arithmetic3A_207 = arith.constant 1 : i32
        %shift_right_arithmetic3A_208 = vector.broadcast %shift_right_arithmetic3A_207 : i32 to vector<16xi32>
        %shift_right_arithmetic3A_209 = arith.shrsi %add3A_206, %shift_right_arithmetic3A_208 : vector<16xi32>
        %add3A_210 = arith.addi %mul3A_179, %shift_right_arithmetic3A_209 : vector<16xi32>
        %mul3A_211 = arith.constant 16 : i32
        %mul3A_212 = arith.muli %scan3A_153, %mul3A_211 : i32
        %swap3A_213 = arith.index_cast %mul3A_212 : i32 to index
        %swap3A_214 = tpu.vector_load %arg16[%swap3A_213] {strides = array<i32>} : memref<2000xi32, #tpu.memory_space<vmem>>, vector<16xi32>,
        tpu.vector_store %arg16[%swap3A_213], %add3A_210 {strides = array<i32>} : memref<2000xi32, #tpu.memory_space<vmem>>, vector<16xi32>,
        %scan3A_215 = arith.constant 0 : i32
        scf.yield %scan3A_215 : i32
      }
      %scan3A_89 = arith.constant 125 : i32
      %dma_start3A_90 = arith.constant 0 : i32
      %dma_start3A_91 = tpu.memref_slice %arg5[%dma_start3A_90] : memref<320000xi32, #tpu.memory_space<hbm>> -> memref<320000xi32, #tpu.memory_space<hbm>>
      tpu.enqueue_indirect_dma source(%dma_start3A_91 : memref<320000xi32, #tpu.memory_space<hbm>>) target(%arg17 : memref<2000xi32, #tpu.memory_space<vmem>>) offsets(%arg16 : memref<2000xi32, #tpu.memory_space<vmem>>) semaphore(%arg25 : memref<!tpu.dma_semaphore, #tpu.memory_space<semaphore_mem>>)
      %dma_wait3A_92 = arith.constant 0 : i32
      %dma_wait3A_93 = tpu.memref_slice %arg5[%dma_wait3A_92] : memref<320000xi32, #tpu.memory_space<hbm>> -> memref<320000xi32, #tpu.memory_space<hbm>>
      tpu.wait_indirect_dma semaphore(%arg25 : memref<!tpu.dma_semaphore, #tpu.memory_space<semaphore_mem>>) src(%dma_wait3A_93 : memref<320000xi32, #tpu.memory_space<hbm>>) dst(%arg17 : memref<2000xi32, #tpu.memory_space<vmem>>)
      %scan3A_94 = arith.constant 0 : i32
      %scan3A_95 = arith.constant 0 : i32
      %scan3A_96 = arith.constant 125 : i32
      %scan3A_97 = arith.addi %scan3A_95, %scan3A_96 : i32
      %scan3A_98 = arith.constant 1 : i32
      %scan3A_99 = scf.for %scan3A_153 = %scan3A_95 to %scan3A_97 step %scan3A_98 iter_args(%scan3A_154 = %scan3A_94) -> (i32)  : i32 {
        %mul3A_155 = arith.constant 16 : i32
        %mul3A_156 = arith.muli %scan3A_153, %mul3A_155 : i32
        %get3A_157 = arith.index_cast %mul3A_156 : i32 to index
        %get3A_158 = tpu.vector_load %arg11[%get3A_157] {strides = array<i32>} : memref<2000xi32, #tpu.memory_space<vmem>>, vector<16xi32>,
        %mul3A_159 = vector.broadcast %squeeze3A : i32 to vector<16xi32>
        %mul3A_160 = arith.muli %get3A_158, %mul3A_159 : vector<16xi32>
        %mul3A_161 = arith.constant 16 : i32
        %mul3A_162 = arith.muli %scan3A_153, %mul3A_161 : i32
        %get3A_163 = arith.index_cast %mul3A_162 : i32 to index
        %get3A_164 = tpu.vector_load %arg12[%get3A_163] {strides = array<i32>} : memref<2000xi32, #tpu.memory_space<vmem>>, vector<16xi32>,
        %add3A_165 = arith.addi %mul3A_160, %get3A_164 : vector<16xi32>
        %add3A_166 = arith.constant 1 : i32
        %add3A_167 = vector.broadcast %add3A_166 : i32 to vector<16xi32>
        %add3A_168 = arith.addi %add3A_165, %add3A_167 : vector<16xi32>
        %mul3A_169 = arith.constant 16 : i32
        %mul3A_170 = arith.muli %scan3A_153, %mul3A_169 : i32
        %get3A_171 = arith.index_cast %mul3A_170 : i32 to index
        %get3A_172 = tpu.vector_load %arg13[%get3A_171] {strides = array<i32>} : memref<2000xi32, #tpu.memory_space<vmem>>, vector<16xi32>,
        %sub3A = arith.constant 1 : i32
        %sub3A_173 = vector.broadcast %sub3A : i32 to vector<16xi32>
        %sub3A_174 = arith.subi %get3A_172, %sub3A_173 : vector<16xi32>
        %max3A = arith.constant 0 : i32
        %max3A_175 = vector.broadcast %max3A : i32 to vector<16xi32>
        %max3A_176 = arith.maxsi %sub3A_174, %max3A_175 : vector<16xi32>
        %mul3A_177 = arith.constant 8 : i32
        %mul3A_178 = vector.broadcast %mul3A_177 : i32 to vector<16xi32>
        %mul3A_179 = arith.muli %mul3A_178, %max3A_176 : vector<16xi32>
        %mul3A_180 = arith.constant 16 : i32
        %mul3A_181 = arith.muli %scan3A_153, %mul3A_180 : i32
        %get3A_182 = arith.index_cast %mul3A_181 : i32 to index
        %get3A_183 = tpu.vector_load %arg14[%get3A_182] {strides = array<i32>} : memref<2000xi32, #tpu.memory_space<vmem>>, vector<16xi32>,
        %mul3A_184 = arith.constant 16 : i32
        %mul3A_185 = arith.muli %scan3A_153, %mul3A_184 : i32
        %get3A_186 = arith.index_cast %mul3A_185 : i32 to index
        %get3A_187 = tpu.vector_load %arg15[%get3A_186] {strides = array<i32>} : memref<2000xi32, #tpu.memory_space<vmem>>, vector<16xi32>,
        %add3A_188 = arith.addi %get3A_183, %get3A_187 : vector<16xi32>
        %shift_right_arithmetic3A = arith.constant 1 : i32
        %shift_right_arithmetic3A_189 = vector.broadcast %shift_right_arithmetic3A : i32 to vector<16xi32>
        %shift_right_arithmetic3A_190 = arith.shrsi %add3A_188, %shift_right_arithmetic3A_189 : vector<16xi32>
        %mul3A_191 = arith.constant 16 : i32
        %mul3A_192 = arith.muli %scan3A_153, %mul3A_191 : i32
        %get3A_193 = arith.index_cast %mul3A_192 : i32 to index
        %get3A_194 = tpu.vector_load %arg17[%get3A_193] {strides = array<i32>} : memref<2000xi32, #tpu.memory_space<vmem>>, vector<16xi32>,
        %lt3A = arith.cmpi slt, %get3A_194, %add3A_168 : vector<16xi32>
        %add3A_195 = arith.constant 1 : i32
        %add3A_196 = vector.broadcast %add3A_195 : i32 to vector<16xi32>
        %add3A_197 = arith.addi %shift_right_arithmetic3A_190, %add3A_196 : vector<16xi32>
        %select_n3A = arith.select %lt3A, %add3A_197, %get3A_183 : vector<16xi1>, vector<16xi32>
        %select_n3A_198 = arith.select %lt3A, %get3A_187, %shift_right_arithmetic3A_190 : vector<16xi1>, vector<16xi32>
        %eq3A_199 = arith.constant 0 : i32
        %eq3A_200 = vector.broadcast %eq3A_199 : i32 to vector<16xi32>
        %eq3A_201 = arith.cmpi eq, %get3A_172, %eq3A_200 : vector<16xi32>
        %add3A_202 = arith.addi %mul3A_179, %select_n3A : vector<16xi32>
        %jit3A = arith.constant 0 : i32
        %broadcast_in_dim3A = vector.broadcast %jit3A : i32 to vector<16xi32>
        %select_n3A_203 = arith.select %eq3A_201, %broadcast_in_dim3A, %add3A_202 : vector<16xi1>, vector<16xi32>
        %sub3A_204 = arith.constant 1 : i32
        %sub3A_205 = vector.broadcast %sub3A_204 : i32 to vector<16xi32>
        %sub3A_206 = arith.subi %select_n3A_203, %sub3A_205 : vector<16xi32>
        %mul3A_207 = arith.constant 16 : i32
        %mul3A_208 = arith.muli %scan3A_153, %mul3A_207 : i32
        %swap3A = arith.index_cast %mul3A_208 : i32 to index
        %swap3A_209 = tpu.vector_load %arg19[%swap3A] {strides = array<i32>} : memref<2000xi32, #tpu.memory_space<vmem>>, vector<16xi32>,
        tpu.vector_store %arg19[%swap3A], %sub3A_206 {strides = array<i32>} : memref<2000xi32, #tpu.memory_space<vmem>>, vector<16xi32>,
        %scan3A_210 = arith.constant 0 : i32
        scf.yield %scan3A_210 : i32
      }
      %scan3A_100 = arith.constant 125 : i32
      %scan3A_101 = arith.constant 0 : i32
      %scan3A_102 = arith.constant 0 : i32
      %scan3A_103 = arith.constant 125 : i32
      %scan3A_104 = arith.addi %scan3A_102, %scan3A_103 : i32
      %scan3A_105 = arith.constant 1 : i32
      %scan3A_106 = scf.for %scan3A_153 = %scan3A_102 to %scan3A_104 step %scan3A_105 iter_args(%scan3A_154 = %scan3A_101) -> (i32)  : i32 {
        %mul3A_155 = arith.constant 16 : i32
        %mul3A_156 = arith.muli %scan3A_153, %mul3A_155 : i32
        %get3A_157 = arith.index_cast %mul3A_156 : i32 to index
        %get3A_158 = tpu.vector_load %arg12[%get3A_157] {strides = array<i32>} : memref<2000xi32, #tpu.memory_space<vmem>>, vector<16xi32>,
        %mul3A_159 = vector.broadcast %squeeze3A : i32 to vector<16xi32>
        %mul3A_160 = arith.muli %get3A_158, %mul3A_159 : vector<16xi32>
        %mul3A_161 = arith.constant 16 : i32
        %mul3A_162 = arith.muli %scan3A_153, %mul3A_161 : i32
        %get3A_163 = arith.index_cast %mul3A_162 : i32 to index
        %get3A_164 = tpu.vector_load %arg11[%get3A_163] {strides = array<i32>} : memref<2000xi32, #tpu.memory_space<vmem>>, vector<16xi32>,
        %add3A_165 = arith.addi %mul3A_160, %get3A_164 : vector<16xi32>
        %broadcast_in_dim3A = arith.constant 0 : i32
        %broadcast_in_dim3A_166 = vector.broadcast %broadcast_in_dim3A : i32 to vector<16xi32>
        %broadcast_in_dim3A_167 = arith.constant 65536 : i32
        %broadcast_in_dim3A_168 = vector.broadcast %broadcast_in_dim3A_167 : i32 to vector<16xi32>
        %add3A_169 = arith.addi %broadcast_in_dim3A_166, %broadcast_in_dim3A_168 : vector<16xi32>
        %shift_right_arithmetic3A = arith.constant 1 : i32
        %shift_right_arithmetic3A_170 = vector.broadcast %shift_right_arithmetic3A : i32 to vector<16xi32>
        %shift_right_arithmetic3A_171 = arith.shrsi %add3A_169, %shift_right_arithmetic3A_170 : vector<16xi32>
        %min3A = arith.constant 39999 : i32
        %min3A_172 = vector.broadcast %min3A : i32 to vector<16xi32>
        %min3A_173 = arith.minsi %shift_right_arithmetic3A_171, %min3A_172 : vector<16xi32>
        %gather3A = tpu.vector_load_idx %arg10[%min3A_173] : memref<40000xi32, #tpu.memory_space<vmem>>[vector<16xi32>], vector<16xi32>,
        %lt3A = arith.cmpi slt, %gather3A, %add3A_165 : vector<16xi32>
        %lt3A_174 = arith.constant 40000 : i32
        %lt3A_175 = vector.broadcast %lt3A_174 : i32 to vector<16xi32>
        %lt3A_176 = arith.cmpi slt, %shift_right_arithmetic3A_171, %lt3A_175 : vector<16xi32>
        %and3A = arith.andi %lt3A, %lt3A_176 : vector<16xi1>
        %add3A_177 = arith.constant 1 : i32
        %add3A_178 = vector.broadcast %add3A_177 : i32 to vector<16xi32>
        %add3A_179 = arith.addi %shift_right_arithmetic3A_171, %add3A_178 : vector<16xi32>
        %select_n3A = arith.select %and3A, %add3A_179, %broadcast_in_dim3A_166 : vector<16xi1>, vector<16xi32>
        %select_n3A_180 = arith.select %and3A, %broadcast_in_dim3A_168, %shift_right_arithmetic3A_171 : vector<16xi1>, vector<16xi32>
        %add3A_181 = arith.addi %select_n3A, %select_n3A_180 : vector<16xi32>
        %shift_right_arithmetic3A_182 = arith.constant 1 : i32
        %shift_right_arithmetic3A_183 = vector.broadcast %shift_right_arithmetic3A_182 : i32 to vector<16xi32>
        %shift_right_arithmetic3A_184 = arith.shrsi %add3A_181, %shift_right_arithmetic3A_183 : vector<16xi32>
        %min3A_185 = arith.constant 39999 : i32
        %min3A_186 = vector.broadcast %min3A_185 : i32 to vector<16xi32>
        %min3A_187 = arith.minsi %shift_right_arithmetic3A_184, %min3A_186 : vector<16xi32>
        %gather3A_188 = tpu.vector_load_idx %arg10[%min3A_187] : memref<40000xi32, #tpu.memory_space<vmem>>[vector<16xi32>], vector<16xi32>,
        %lt3A_189 = arith.cmpi slt, %gather3A_188, %add3A_165 : vector<16xi32>
        %lt3A_190 = arith.constant 40000 : i32
        %lt3A_191 = vector.broadcast %lt3A_190 : i32 to vector<16xi32>
        %lt3A_192 = arith.cmpi slt, %shift_right_arithmetic3A_184, %lt3A_191 : vector<16xi32>
        %and3A_193 = arith.andi %lt3A_189, %lt3A_192 : vector<16xi1>
        %add3A_194 = arith.constant 1 : i32
        %add3A_195 = vector.broadcast %add3A_194 : i32 to vector<16xi32>
        %add3A_196 = arith.addi %shift_right_arithmetic3A_184, %add3A_195 : vector<16xi32>
        %select_n3A_197 = arith.select %and3A_193, %add3A_196, %select_n3A : vector<16xi1>, vector<16xi32>
        %select_n3A_198 = arith.select %and3A_193, %select_n3A_180, %shift_right_arithmetic3A_184 : vector<16xi1>, vector<16xi32>
        %add3A_199 = arith.addi %select_n3A_197, %select_n3A_198 : vector<16xi32>
        %shift_right_arithmetic3A_200 = arith.constant 1 : i32
        %shift_right_arithmetic3A_201 = vector.broadcast %shift_right_arithmetic3A_200 : i32 to vector<16xi32>
        %shift_right_arithmetic3A_202 = arith.shrsi %add3A_199, %shift_right_arithmetic3A_201 : vector<16xi32>
        %min3A_203 = arith.constant 39999 : i32
        %min3A_204 = vector.broadcast %min3A_203 : i32 to vector<16xi32>
        %min3A_205 = arith.minsi %shift_right_arithmetic3A_202, %min3A_204 : vector<16xi32>
        %gather3A_206 = tpu.vector_load_idx %arg10[%min3A_205] : memref<40000xi32, #tpu.memory_space<vmem>>[vector<16xi32>], vector<16xi32>,
        %lt3A_207 = arith.cmpi slt, %gather3A_206, %add3A_165 : vector<16xi32>
        %lt3A_208 = arith.constant 40000 : i32
        %lt3A_209 = vector.broadcast %lt3A_208 : i32 to vector<16xi32>
        %lt3A_210 = arith.cmpi slt, %shift_right_arithmetic3A_202, %lt3A_209 : vector<16xi32>
        %and3A_211 = arith.andi %lt3A_207, %lt3A_210 : vector<16xi1>
        %add3A_212 = arith.constant 1 : i32
        %add3A_213 = vector.broadcast %add3A_212 : i32 to vector<16xi32>
        %add3A_214 = arith.addi %shift_right_arithmetic3A_202, %add3A_213 : vector<16xi32>
        %select_n3A_215 = arith.select %and3A_211, %add3A_214, %select_n3A_197 : vector<16xi1>, vector<16xi32>
        %select_n3A_216 = arith.select %and3A_211, %select_n3A_198, %shift_right_arithmetic3A_202 : vector<16xi1>, vector<16xi32>
        %add3A_217 = arith.addi %select_n3A_215, %select_n3A_216 : vector<16xi32>
        %shift_right_arithmetic3A_218 = arith.constant 1 : i32
        %shift_right_arithmetic3A_219 = vector.broadcast %shift_right_arithmetic3A_218 : i32 to vector<16xi32>
        %shift_right_arithmetic3A_220 = arith.shrsi %add3A_217, %shift_right_arithmetic3A_219 : vector<16xi32>
        %min3A_221 = arith.constant 39999 : i32
        %min3A_222 = vector.broadcast %min3A_221 : i32 to vector<16xi32>
        %min3A_223 = arith.minsi %shift_right_arithmetic3A_220, %min3A_222 : vector<16xi32>
        %gather3A_224 = tpu.vector_load_idx %arg10[%min3A_223] : memref<40000xi32, #tpu.memory_space<vmem>>[vector<16xi32>], vector<16xi32>,
        %lt3A_225 = arith.cmpi slt, %gather3A_224, %add3A_165 : vector<16xi32>
        %lt3A_226 = arith.constant 40000 : i32
        %lt3A_227 = vector.broadcast %lt3A_226 : i32 to vector<16xi32>
        %lt3A_228 = arith.cmpi slt, %shift_right_arithmetic3A_220, %lt3A_227 : vector<16xi32>
        %and3A_229 = arith.andi %lt3A_225, %lt3A_228 : vector<16xi1>
        %add3A_230 = arith.constant 1 : i32
        %add3A_231 = vector.broadcast %add3A_230 : i32 to vector<16xi32>
        %add3A_232 = arith.addi %shift_right_arithmetic3A_220, %add3A_231 : vector<16xi32>
        %select_n3A_233 = arith.select %and3A_229, %add3A_232, %select_n3A_215 : vector<16xi1>, vector<16xi32>
        %select_n3A_234 = arith.select %and3A_229, %select_n3A_216, %shift_right_arithmetic3A_220 : vector<16xi1>, vector<16xi32>
        %add3A_235 = arith.addi %select_n3A_233, %select_n3A_234 : vector<16xi32>
        %shift_right_arithmetic3A_236 = arith.constant 1 : i32
        %shift_right_arithmetic3A_237 = vector.broadcast %shift_right_arithmetic3A_236 : i32 to vector<16xi32>
        %shift_right_arithmetic3A_238 = arith.shrsi %add3A_235, %shift_right_arithmetic3A_237 : vector<16xi32>
        %min3A_239 = arith.constant 39999 : i32
        %min3A_240 = vector.broadcast %min3A_239 : i32 to vector<16xi32>
        %min3A_241 = arith.minsi %shift_right_arithmetic3A_238, %min3A_240 : vector<16xi32>
        %gather3A_242 = tpu.vector_load_idx %arg10[%min3A_241] : memref<40000xi32, #tpu.memory_space<vmem>>[vector<16xi32>], vector<16xi32>,
        %lt3A_243 = arith.cmpi slt, %gather3A_242, %add3A_165 : vector<16xi32>
        %lt3A_244 = arith.constant 40000 : i32
        %lt3A_245 = vector.broadcast %lt3A_244 : i32 to vector<16xi32>
        %lt3A_246 = arith.cmpi slt, %shift_right_arithmetic3A_238, %lt3A_245 : vector<16xi32>
        %and3A_247 = arith.andi %lt3A_243, %lt3A_246 : vector<16xi1>
        %add3A_248 = arith.constant 1 : i32
        %add3A_249 = vector.broadcast %add3A_248 : i32 to vector<16xi32>
        %add3A_250 = arith.addi %shift_right_arithmetic3A_238, %add3A_249 : vector<16xi32>
        %select_n3A_251 = arith.select %and3A_247, %add3A_250, %select_n3A_233 : vector<16xi1>, vector<16xi32>
        %select_n3A_252 = arith.select %and3A_247, %select_n3A_234, %shift_right_arithmetic3A_238 : vector<16xi1>, vector<16xi32>
        %add3A_253 = arith.addi %select_n3A_251, %select_n3A_252 : vector<16xi32>
        %shift_right_arithmetic3A_254 = arith.constant 1 : i32
        %shift_right_arithmetic3A_255 = vector.broadcast %shift_right_arithmetic3A_254 : i32 to vector<16xi32>
        %shift_right_arithmetic3A_256 = arith.shrsi %add3A_253, %shift_right_arithmetic3A_255 : vector<16xi32>
        %min3A_257 = arith.constant 39999 : i32
        %min3A_258 = vector.broadcast %min3A_257 : i32 to vector<16xi32>
        %min3A_259 = arith.minsi %shift_right_arithmetic3A_256, %min3A_258 : vector<16xi32>
        %gather3A_260 = tpu.vector_load_idx %arg10[%min3A_259] : memref<40000xi32, #tpu.memory_space<vmem>>[vector<16xi32>], vector<16xi32>,
        %lt3A_261 = arith.cmpi slt, %gather3A_260, %add3A_165 : vector<16xi32>
        %lt3A_262 = arith.constant 40000 : i32
        %lt3A_263 = vector.broadcast %lt3A_262 : i32 to vector<16xi32>
        %lt3A_264 = arith.cmpi slt, %shift_right_arithmetic3A_256, %lt3A_263 : vector<16xi32>
        %and3A_265 = arith.andi %lt3A_261, %lt3A_264 : vector<16xi1>
        %add3A_266 = arith.constant 1 : i32
        %add3A_267 = vector.broadcast %add3A_266 : i32 to vector<16xi32>
        %add3A_268 = arith.addi %shift_right_arithmetic3A_256, %add3A_267 : vector<16xi32>
        %select_n3A_269 = arith.select %and3A_265, %add3A_268, %select_n3A_251 : vector<16xi1>, vector<16xi32>
        %select_n3A_270 = arith.select %and3A_265, %select_n3A_252, %shift_right_arithmetic3A_256 : vector<16xi1>, vector<16xi32>
        %add3A_271 = arith.addi %select_n3A_269, %select_n3A_270 : vector<16xi32>
        %shift_right_arithmetic3A_272 = arith.constant 1 : i32
        %shift_right_arithmetic3A_273 = vector.broadcast %shift_right_arithmetic3A_272 : i32 to vector<16xi32>
        %shift_right_arithmetic3A_274 = arith.shrsi %add3A_271, %shift_right_arithmetic3A_273 : vector<16xi32>
        %min3A_275 = arith.constant 39999 : i32
        %min3A_276 = vector.broadcast %min3A_275 : i32 to vector<16xi32>
        %min3A_277 = arith.minsi %shift_right_arithmetic3A_274, %min3A_276 : vector<16xi32>
        %gather3A_278 = tpu.vector_load_idx %arg10[%min3A_277] : memref<40000xi32, #tpu.memory_space<vmem>>[vector<16xi32>], vector<16xi32>,
        %lt3A_279 = arith.cmpi slt, %gather3A_278, %add3A_165 : vector<16xi32>
        %lt3A_280 = arith.constant 40000 : i32
        %lt3A_281 = vector.broadcast %lt3A_280 : i32 to vector<16xi32>
        %lt3A_282 = arith.cmpi slt, %shift_right_arithmetic3A_274, %lt3A_281 : vector<16xi32>
        %and3A_283 = arith.andi %lt3A_279, %lt3A_282 : vector<16xi1>
        %add3A_284 = arith.constant 1 : i32
        %add3A_285 = vector.broadcast %add3A_284 : i32 to vector<16xi32>
        %add3A_286 = arith.addi %shift_right_arithmetic3A_274, %add3A_285 : vector<16xi32>
        %select_n3A_287 = arith.select %and3A_283, %add3A_286, %select_n3A_269 : vector<16xi1>, vector<16xi32>
        %select_n3A_288 = arith.select %and3A_283, %select_n3A_270, %shift_right_arithmetic3A_274 : vector<16xi1>, vector<16xi32>
        %add3A_289 = arith.addi %select_n3A_287, %select_n3A_288 : vector<16xi32>
        %shift_right_arithmetic3A_290 = arith.constant 1 : i32
        %shift_right_arithmetic3A_291 = vector.broadcast %shift_right_arithmetic3A_290 : i32 to vector<16xi32>
        %shift_right_arithmetic3A_292 = arith.shrsi %add3A_289, %shift_right_arithmetic3A_291 : vector<16xi32>
        %min3A_293 = arith.constant 39999 : i32
        %min3A_294 = vector.broadcast %min3A_293 : i32 to vector<16xi32>
        %min3A_295 = arith.minsi %shift_right_arithmetic3A_292, %min3A_294 : vector<16xi32>
        %gather3A_296 = tpu.vector_load_idx %arg10[%min3A_295] : memref<40000xi32, #tpu.memory_space<vmem>>[vector<16xi32>], vector<16xi32>,
        %lt3A_297 = arith.cmpi slt, %gather3A_296, %add3A_165 : vector<16xi32>
        %lt3A_298 = arith.constant 40000 : i32
        %lt3A_299 = vector.broadcast %lt3A_298 : i32 to vector<16xi32>
        %lt3A_300 = arith.cmpi slt, %shift_right_arithmetic3A_292, %lt3A_299 : vector<16xi32>
        %and3A_301 = arith.andi %lt3A_297, %lt3A_300 : vector<16xi1>
        %add3A_302 = arith.constant 1 : i32
        %add3A_303 = vector.broadcast %add3A_302 : i32 to vector<16xi32>
        %add3A_304 = arith.addi %shift_right_arithmetic3A_292, %add3A_303 : vector<16xi32>
        %select_n3A_305 = arith.select %and3A_301, %add3A_304, %select_n3A_287 : vector<16xi1>, vector<16xi32>
        %select_n3A_306 = arith.select %and3A_301, %select_n3A_288, %shift_right_arithmetic3A_292 : vector<16xi1>, vector<16xi32>
        %add3A_307 = arith.addi %select_n3A_305, %select_n3A_306 : vector<16xi32>
        %shift_right_arithmetic3A_308 = arith.constant 1 : i32
        %shift_right_arithmetic3A_309 = vector.broadcast %shift_right_arithmetic3A_308 : i32 to vector<16xi32>
        %shift_right_arithmetic3A_310 = arith.shrsi %add3A_307, %shift_right_arithmetic3A_309 : vector<16xi32>
        %min3A_311 = arith.constant 39999 : i32
        %min3A_312 = vector.broadcast %min3A_311 : i32 to vector<16xi32>
        %min3A_313 = arith.minsi %shift_right_arithmetic3A_310, %min3A_312 : vector<16xi32>
        %gather3A_314 = tpu.vector_load_idx %arg10[%min3A_313] : memref<40000xi32, #tpu.memory_space<vmem>>[vector<16xi32>], vector<16xi32>,
        %lt3A_315 = arith.cmpi slt, %gather3A_314, %add3A_165 : vector<16xi32>
        %lt3A_316 = arith.constant 40000 : i32
        %lt3A_317 = vector.broadcast %lt3A_316 : i32 to vector<16xi32>
        %lt3A_318 = arith.cmpi slt, %shift_right_arithmetic3A_310, %lt3A_317 : vector<16xi32>
        %and3A_319 = arith.andi %lt3A_315, %lt3A_318 : vector<16xi1>
        %add3A_320 = arith.constant 1 : i32
        %add3A_321 = vector.broadcast %add3A_320 : i32 to vector<16xi32>
        %add3A_322 = arith.addi %shift_right_arithmetic3A_310, %add3A_321 : vector<16xi32>
        %select_n3A_323 = arith.select %and3A_319, %add3A_322, %select_n3A_305 : vector<16xi1>, vector<16xi32>
        %select_n3A_324 = arith.select %and3A_319, %select_n3A_306, %shift_right_arithmetic3A_310 : vector<16xi1>, vector<16xi32>
        %add3A_325 = arith.addi %select_n3A_323, %select_n3A_324 : vector<16xi32>
        %shift_right_arithmetic3A_326 = arith.constant 1 : i32
        %shift_right_arithmetic3A_327 = vector.broadcast %shift_right_arithmetic3A_326 : i32 to vector<16xi32>
        %shift_right_arithmetic3A_328 = arith.shrsi %add3A_325, %shift_right_arithmetic3A_327 : vector<16xi32>
        %min3A_329 = arith.constant 39999 : i32
        %min3A_330 = vector.broadcast %min3A_329 : i32 to vector<16xi32>
        %min3A_331 = arith.minsi %shift_right_arithmetic3A_328, %min3A_330 : vector<16xi32>
        %gather3A_332 = tpu.vector_load_idx %arg10[%min3A_331] : memref<40000xi32, #tpu.memory_space<vmem>>[vector<16xi32>], vector<16xi32>,
        %lt3A_333 = arith.cmpi slt, %gather3A_332, %add3A_165 : vector<16xi32>
        %lt3A_334 = arith.constant 40000 : i32
        %lt3A_335 = vector.broadcast %lt3A_334 : i32 to vector<16xi32>
        %lt3A_336 = arith.cmpi slt, %shift_right_arithmetic3A_328, %lt3A_335 : vector<16xi32>
        %and3A_337 = arith.andi %lt3A_333, %lt3A_336 : vector<16xi1>
        %add3A_338 = arith.constant 1 : i32
        %add3A_339 = vector.broadcast %add3A_338 : i32 to vector<16xi32>
        %add3A_340 = arith.addi %shift_right_arithmetic3A_328, %add3A_339 : vector<16xi32>
        %select_n3A_341 = arith.select %and3A_337, %add3A_340, %select_n3A_323 : vector<16xi1>, vector<16xi32>
        %select_n3A_342 = arith.select %and3A_337, %select_n3A_324, %shift_right_arithmetic3A_328 : vector<16xi1>, vector<16xi32>
        %add3A_343 = arith.addi %select_n3A_341, %select_n3A_342 : vector<16xi32>
        %shift_right_arithmetic3A_344 = arith.constant 1 : i32
        %shift_right_arithmetic3A_345 = vector.broadcast %shift_right_arithmetic3A_344 : i32 to vector<16xi32>
        %shift_right_arithmetic3A_346 = arith.shrsi %add3A_343, %shift_right_arithmetic3A_345 : vector<16xi32>
        %min3A_347 = arith.constant 39999 : i32
        %min3A_348 = vector.broadcast %min3A_347 : i32 to vector<16xi32>
        %min3A_349 = arith.minsi %shift_right_arithmetic3A_346, %min3A_348 : vector<16xi32>
        %gather3A_350 = tpu.vector_load_idx %arg10[%min3A_349] : memref<40000xi32, #tpu.memory_space<vmem>>[vector<16xi32>], vector<16xi32>,
        %lt3A_351 = arith.cmpi slt, %gather3A_350, %add3A_165 : vector<16xi32>
        %lt3A_352 = arith.constant 40000 : i32
        %lt3A_353 = vector.broadcast %lt3A_352 : i32 to vector<16xi32>
        %lt3A_354 = arith.cmpi slt, %shift_right_arithmetic3A_346, %lt3A_353 : vector<16xi32>
        %and3A_355 = arith.andi %lt3A_351, %lt3A_354 : vector<16xi1>
        %add3A_356 = arith.constant 1 : i32
        %add3A_357 = vector.broadcast %add3A_356 : i32 to vector<16xi32>
        %add3A_358 = arith.addi %shift_right_arithmetic3A_346, %add3A_357 : vector<16xi32>
        %select_n3A_359 = arith.select %and3A_355, %add3A_358, %select_n3A_341 : vector<16xi1>, vector<16xi32>
        %select_n3A_360 = arith.select %and3A_355, %select_n3A_342, %shift_right_arithmetic3A_346 : vector<16xi1>, vector<16xi32>
        %add3A_361 = arith.addi %select_n3A_359, %select_n3A_360 : vector<16xi32>
        %shift_right_arithmetic3A_362 = arith.constant 1 : i32
        %shift_right_arithmetic3A_363 = vector.broadcast %shift_right_arithmetic3A_362 : i32 to vector<16xi32>
        %shift_right_arithmetic3A_364 = arith.shrsi %add3A_361, %shift_right_arithmetic3A_363 : vector<16xi32>
        %min3A_365 = arith.constant 39999 : i32
        %min3A_366 = vector.broadcast %min3A_365 : i32 to vector<16xi32>
        %min3A_367 = arith.minsi %shift_right_arithmetic3A_364, %min3A_366 : vector<16xi32>
        %gather3A_368 = tpu.vector_load_idx %arg10[%min3A_367] : memref<40000xi32, #tpu.memory_space<vmem>>[vector<16xi32>], vector<16xi32>,
        %lt3A_369 = arith.cmpi slt, %gather3A_368, %add3A_165 : vector<16xi32>
        %lt3A_370 = arith.constant 40000 : i32
        %lt3A_371 = vector.broadcast %lt3A_370 : i32 to vector<16xi32>
        %lt3A_372 = arith.cmpi slt, %shift_right_arithmetic3A_364, %lt3A_371 : vector<16xi32>
        %and3A_373 = arith.andi %lt3A_369, %lt3A_372 : vector<16xi1>
        %add3A_374 = arith.constant 1 : i32
        %add3A_375 = vector.broadcast %add3A_374 : i32 to vector<16xi32>
        %add3A_376 = arith.addi %shift_right_arithmetic3A_364, %add3A_375 : vector<16xi32>
        %select_n3A_377 = arith.select %and3A_373, %add3A_376, %select_n3A_359 : vector<16xi1>, vector<16xi32>
        %select_n3A_378 = arith.select %and3A_373, %select_n3A_360, %shift_right_arithmetic3A_364 : vector<16xi1>, vector<16xi32>
        %add3A_379 = arith.addi %select_n3A_377, %select_n3A_378 : vector<16xi32>
        %shift_right_arithmetic3A_380 = arith.constant 1 : i32
        %shift_right_arithmetic3A_381 = vector.broadcast %shift_right_arithmetic3A_380 : i32 to vector<16xi32>
        %shift_right_arithmetic3A_382 = arith.shrsi %add3A_379, %shift_right_arithmetic3A_381 : vector<16xi32>
        %min3A_383 = arith.constant 39999 : i32
        %min3A_384 = vector.broadcast %min3A_383 : i32 to vector<16xi32>
        %min3A_385 = arith.minsi %shift_right_arithmetic3A_382, %min3A_384 : vector<16xi32>
        %gather3A_386 = tpu.vector_load_idx %arg10[%min3A_385] : memref<40000xi32, #tpu.memory_space<vmem>>[vector<16xi32>], vector<16xi32>,
        %lt3A_387 = arith.cmpi slt, %gather3A_386, %add3A_165 : vector<16xi32>
        %lt3A_388 = arith.constant 40000 : i32
        %lt3A_389 = vector.broadcast %lt3A_388 : i32 to vector<16xi32>
        %lt3A_390 = arith.cmpi slt, %shift_right_arithmetic3A_382, %lt3A_389 : vector<16xi32>
        %and3A_391 = arith.andi %lt3A_387, %lt3A_390 : vector<16xi1>
        %add3A_392 = arith.constant 1 : i32
        %add3A_393 = vector.broadcast %add3A_392 : i32 to vector<16xi32>
        %add3A_394 = arith.addi %shift_right_arithmetic3A_382, %add3A_393 : vector<16xi32>
        %select_n3A_395 = arith.select %and3A_391, %add3A_394, %select_n3A_377 : vector<16xi1>, vector<16xi32>
        %select_n3A_396 = arith.select %and3A_391, %select_n3A_378, %shift_right_arithmetic3A_382 : vector<16xi1>, vector<16xi32>
        %add3A_397 = arith.addi %select_n3A_395, %select_n3A_396 : vector<16xi32>
        %shift_right_arithmetic3A_398 = arith.constant 1 : i32
        %shift_right_arithmetic3A_399 = vector.broadcast %shift_right_arithmetic3A_398 : i32 to vector<16xi32>
        %shift_right_arithmetic3A_400 = arith.shrsi %add3A_397, %shift_right_arithmetic3A_399 : vector<16xi32>
        %min3A_401 = arith.constant 39999 : i32
        %min3A_402 = vector.broadcast %min3A_401 : i32 to vector<16xi32>
        %min3A_403 = arith.minsi %shift_right_arithmetic3A_400, %min3A_402 : vector<16xi32>
        %gather3A_404 = tpu.vector_load_idx %arg10[%min3A_403] : memref<40000xi32, #tpu.memory_space<vmem>>[vector<16xi32>], vector<16xi32>,
        %lt3A_405 = arith.cmpi slt, %gather3A_404, %add3A_165 : vector<16xi32>
        %lt3A_406 = arith.constant 40000 : i32
        %lt3A_407 = vector.broadcast %lt3A_406 : i32 to vector<16xi32>
        %lt3A_408 = arith.cmpi slt, %shift_right_arithmetic3A_400, %lt3A_407 : vector<16xi32>
        %and3A_409 = arith.andi %lt3A_405, %lt3A_408 : vector<16xi1>
        %add3A_410 = arith.constant 1 : i32
        %add3A_411 = vector.broadcast %add3A_410 : i32 to vector<16xi32>
        %add3A_412 = arith.addi %shift_right_arithmetic3A_400, %add3A_411 : vector<16xi32>
        %select_n3A_413 = arith.select %and3A_409, %add3A_412, %select_n3A_395 : vector<16xi1>, vector<16xi32>
        %select_n3A_414 = arith.select %and3A_409, %select_n3A_396, %shift_right_arithmetic3A_400 : vector<16xi1>, vector<16xi32>
        %add3A_415 = arith.addi %select_n3A_413, %select_n3A_414 : vector<16xi32>
        %shift_right_arithmetic3A_416 = arith.constant 1 : i32
        %shift_right_arithmetic3A_417 = vector.broadcast %shift_right_arithmetic3A_416 : i32 to vector<16xi32>
        %shift_right_arithmetic3A_418 = arith.shrsi %add3A_415, %shift_right_arithmetic3A_417 : vector<16xi32>
        %min3A_419 = arith.constant 39999 : i32
        %min3A_420 = vector.broadcast %min3A_419 : i32 to vector<16xi32>
        %min3A_421 = arith.minsi %shift_right_arithmetic3A_418, %min3A_420 : vector<16xi32>
        %gather3A_422 = tpu.vector_load_idx %arg10[%min3A_421] : memref<40000xi32, #tpu.memory_space<vmem>>[vector<16xi32>], vector<16xi32>,
        %lt3A_423 = arith.cmpi slt, %gather3A_422, %add3A_165 : vector<16xi32>
        %lt3A_424 = arith.constant 40000 : i32
        %lt3A_425 = vector.broadcast %lt3A_424 : i32 to vector<16xi32>
        %lt3A_426 = arith.cmpi slt, %shift_right_arithmetic3A_418, %lt3A_425 : vector<16xi32>
        %and3A_427 = arith.andi %lt3A_423, %lt3A_426 : vector<16xi1>
        %add3A_428 = arith.constant 1 : i32
        %add3A_429 = vector.broadcast %add3A_428 : i32 to vector<16xi32>
        %add3A_430 = arith.addi %shift_right_arithmetic3A_418, %add3A_429 : vector<16xi32>
        %select_n3A_431 = arith.select %and3A_427, %add3A_430, %select_n3A_413 : vector<16xi1>, vector<16xi32>
        %select_n3A_432 = arith.select %and3A_427, %select_n3A_414, %shift_right_arithmetic3A_418 : vector<16xi1>, vector<16xi32>
        %add3A_433 = arith.addi %select_n3A_431, %select_n3A_432 : vector<16xi32>
        %shift_right_arithmetic3A_434 = arith.constant 1 : i32
        %shift_right_arithmetic3A_435 = vector.broadcast %shift_right_arithmetic3A_434 : i32 to vector<16xi32>
        %shift_right_arithmetic3A_436 = arith.shrsi %add3A_433, %shift_right_arithmetic3A_435 : vector<16xi32>
        %min3A_437 = arith.constant 39999 : i32
        %min3A_438 = vector.broadcast %min3A_437 : i32 to vector<16xi32>
        %min3A_439 = arith.minsi %shift_right_arithmetic3A_436, %min3A_438 : vector<16xi32>
        %gather3A_440 = tpu.vector_load_idx %arg10[%min3A_439] : memref<40000xi32, #tpu.memory_space<vmem>>[vector<16xi32>], vector<16xi32>,
        %lt3A_441 = arith.cmpi slt, %gather3A_440, %add3A_165 : vector<16xi32>
        %lt3A_442 = arith.constant 40000 : i32
        %lt3A_443 = vector.broadcast %lt3A_442 : i32 to vector<16xi32>
        %lt3A_444 = arith.cmpi slt, %shift_right_arithmetic3A_436, %lt3A_443 : vector<16xi32>
        %and3A_445 = arith.andi %lt3A_441, %lt3A_444 : vector<16xi1>
        %add3A_446 = arith.constant 1 : i32
        %add3A_447 = vector.broadcast %add3A_446 : i32 to vector<16xi32>
        %add3A_448 = arith.addi %shift_right_arithmetic3A_436, %add3A_447 : vector<16xi32>
        %select_n3A_449 = arith.select %and3A_445, %add3A_448, %select_n3A_431 : vector<16xi1>, vector<16xi32>
        %select_n3A_450 = arith.select %and3A_445, %select_n3A_432, %shift_right_arithmetic3A_436 : vector<16xi1>, vector<16xi32>
        %add3A_451 = arith.addi %select_n3A_449, %select_n3A_450 : vector<16xi32>
        %shift_right_arithmetic3A_452 = arith.constant 1 : i32
        %shift_right_arithmetic3A_453 = vector.broadcast %shift_right_arithmetic3A_452 : i32 to vector<16xi32>
        %shift_right_arithmetic3A_454 = arith.shrsi %add3A_451, %shift_right_arithmetic3A_453 : vector<16xi32>
        %min3A_455 = arith.constant 39999 : i32
        %min3A_456 = vector.broadcast %min3A_455 : i32 to vector<16xi32>
        %min3A_457 = arith.minsi %shift_right_arithmetic3A_454, %min3A_456 : vector<16xi32>
        %gather3A_458 = tpu.vector_load_idx %arg10[%min3A_457] : memref<40000xi32, #tpu.memory_space<vmem>>[vector<16xi32>], vector<16xi32>,
        %lt3A_459 = arith.cmpi slt, %gather3A_458, %add3A_165 : vector<16xi32>
        %lt3A_460 = arith.constant 40000 : i32
        %lt3A_461 = vector.broadcast %lt3A_460 : i32 to vector<16xi32>
        %lt3A_462 = arith.cmpi slt, %shift_right_arithmetic3A_454, %lt3A_461 : vector<16xi32>
        %and3A_463 = arith.andi %lt3A_459, %lt3A_462 : vector<16xi1>
        %add3A_464 = arith.constant 1 : i32
        %add3A_465 = vector.broadcast %add3A_464 : i32 to vector<16xi32>
        %add3A_466 = arith.addi %shift_right_arithmetic3A_454, %add3A_465 : vector<16xi32>
        %select_n3A_467 = arith.select %and3A_463, %add3A_466, %select_n3A_449 : vector<16xi1>, vector<16xi32>
        %select_n3A_468 = arith.select %and3A_463, %select_n3A_450, %shift_right_arithmetic3A_454 : vector<16xi1>, vector<16xi32>
        %mul3A_469 = arith.constant 16 : i32
        %mul3A_470 = arith.muli %scan3A_153, %mul3A_469 : i32
        %swap3A = arith.index_cast %mul3A_470 : i32 to index
        %swap3A_471 = tpu.vector_load %arg13[%swap3A] {strides = array<i32>} : memref<2000xi32, #tpu.memory_space<vmem>>, vector<16xi32>,
        tpu.vector_store %arg13[%swap3A], %select_n3A_467 {strides = array<i32>} : memref<2000xi32, #tpu.memory_space<vmem>>, vector<16xi32>,
        %sub3A = arith.constant 1 : i32
        %sub3A_472 = vector.broadcast %sub3A : i32 to vector<16xi32>
        %sub3A_473 = arith.subi %select_n3A_467, %sub3A_472 : vector<16xi32>
        %max3A = arith.constant 0 : i32
        %max3A_474 = vector.broadcast %max3A : i32 to vector<16xi32>
        %max3A_475 = arith.maxsi %sub3A_473, %max3A_474 : vector<16xi32>
        %mul3A_476 = arith.constant 8 : i32
        %mul3A_477 = vector.broadcast %mul3A_476 : i32 to vector<16xi32>
        %mul3A_478 = arith.muli %mul3A_477, %max3A_475 : vector<16xi32>
        %add3A_479 = arith.constant 4 : i32
        %add3A_480 = vector.broadcast %add3A_479 : i32 to vector<16xi32>
        %add3A_481 = arith.addi %mul3A_478, %add3A_480 : vector<16xi32>
        %mul3A_482 = arith.constant 16 : i32
        %mul3A_483 = arith.muli %scan3A_153, %mul3A_482 : i32
        %swap3A_484 = arith.index_cast %mul3A_483 : i32 to index
        %swap3A_485 = tpu.vector_load %arg16[%swap3A_484] {strides = array<i32>} : memref<2000xi32, #tpu.memory_space<vmem>>, vector<16xi32>,
        tpu.vector_store %arg16[%swap3A_484], %add3A_481 {strides = array<i32>} : memref<2000xi32, #tpu.memory_space<vmem>>, vector<16xi32>,
        %scan3A_486 = arith.constant 0 : i32
        scf.yield %scan3A_486 : i32
      }
      %scan3A_107 = arith.constant 125 : i32
      %dma_start3A_108 = arith.constant 0 : i32
      %dma_start3A_109 = tpu.memref_slice %arg5[%dma_start3A_108] : memref<320000xi32, #tpu.memory_space<hbm>> -> memref<320000xi32, #tpu.memory_space<hbm>>
      tpu.enqueue_indirect_dma source(%dma_start3A_109 : memref<320000xi32, #tpu.memory_space<hbm>>) target(%arg17 : memref<2000xi32, #tpu.memory_space<vmem>>) offsets(%arg16 : memref<2000xi32, #tpu.memory_space<vmem>>) semaphore(%arg25 : memref<!tpu.dma_semaphore, #tpu.memory_space<semaphore_mem>>)
      %dma_wait3A_110 = arith.constant 0 : i32
      %dma_wait3A_111 = tpu.memref_slice %arg5[%dma_wait3A_110] : memref<320000xi32, #tpu.memory_space<hbm>> -> memref<320000xi32, #tpu.memory_space<hbm>>
      tpu.wait_indirect_dma semaphore(%arg25 : memref<!tpu.dma_semaphore, #tpu.memory_space<semaphore_mem>>) src(%dma_wait3A_111 : memref<320000xi32, #tpu.memory_space<hbm>>) dst(%arg17 : memref<2000xi32, #tpu.memory_space<vmem>>)
      %scan3A_112 = arith.constant 0 : i32
      %scan3A_113 = arith.constant 0 : i32
      %scan3A_114 = arith.constant 125 : i32
      %scan3A_115 = arith.addi %scan3A_113, %scan3A_114 : i32
      %scan3A_116 = arith.constant 1 : i32
      %scan3A_117 = scf.for %scan3A_153 = %scan3A_113 to %scan3A_115 step %scan3A_116 iter_args(%scan3A_154 = %scan3A_112) -> (i32)  : i32 {
        %mul3A_155 = arith.constant 16 : i32
        %mul3A_156 = arith.muli %scan3A_153, %mul3A_155 : i32
        %get3A_157 = arith.index_cast %mul3A_156 : i32 to index
        %get3A_158 = tpu.vector_load %arg12[%get3A_157] {strides = array<i32>} : memref<2000xi32, #tpu.memory_space<vmem>>, vector<16xi32>,
        %mul3A_159 = vector.broadcast %squeeze3A : i32 to vector<16xi32>
        %mul3A_160 = arith.muli %get3A_158, %mul3A_159 : vector<16xi32>
        %mul3A_161 = arith.constant 16 : i32
        %mul3A_162 = arith.muli %scan3A_153, %mul3A_161 : i32
        %get3A_163 = arith.index_cast %mul3A_162 : i32 to index
        %get3A_164 = tpu.vector_load %arg11[%get3A_163] {strides = array<i32>} : memref<2000xi32, #tpu.memory_space<vmem>>, vector<16xi32>,
        %add3A_165 = arith.addi %mul3A_160, %get3A_164 : vector<16xi32>
        %mul3A_166 = arith.constant 16 : i32
        %mul3A_167 = arith.muli %scan3A_153, %mul3A_166 : i32
        %get3A_168 = arith.index_cast %mul3A_167 : i32 to index
        %get3A_169 = tpu.vector_load %arg13[%get3A_168] {strides = array<i32>} : memref<2000xi32, #tpu.memory_space<vmem>>, vector<16xi32>,
        %sub3A = arith.constant 1 : i32
        %sub3A_170 = vector.broadcast %sub3A : i32 to vector<16xi32>
        %sub3A_171 = arith.subi %get3A_169, %sub3A_170 : vector<16xi32>
        %max3A = arith.constant 0 : i32
        %max3A_172 = vector.broadcast %max3A : i32 to vector<16xi32>
        %max3A_173 = arith.maxsi %sub3A_171, %max3A_172 : vector<16xi32>
        %mul3A_174 = arith.constant 8 : i32
        %mul3A_175 = vector.broadcast %mul3A_174 : i32 to vector<16xi32>
        %mul3A_176 = arith.muli %mul3A_175, %max3A_173 : vector<16xi32>
        %broadcast_in_dim3A = arith.constant 1 : i32
        %broadcast_in_dim3A_177 = vector.broadcast %broadcast_in_dim3A : i32 to vector<16xi32>
        %broadcast_in_dim3A_178 = arith.constant 8 : i32
        %broadcast_in_dim3A_179 = vector.broadcast %broadcast_in_dim3A_178 : i32 to vector<16xi32>
        %add3A_180 = arith.addi %broadcast_in_dim3A_177, %broadcast_in_dim3A_179 : vector<16xi32>
        %shift_right_arithmetic3A = arith.constant 1 : i32
        %shift_right_arithmetic3A_181 = vector.broadcast %shift_right_arithmetic3A : i32 to vector<16xi32>
        %shift_right_arithmetic3A_182 = arith.shrsi %add3A_180, %shift_right_arithmetic3A_181 : vector<16xi32>
        %mul3A_183 = arith.constant 16 : i32
        %mul3A_184 = arith.muli %scan3A_153, %mul3A_183 : i32
        %get3A_185 = arith.index_cast %mul3A_184 : i32 to index
        %get3A_186 = tpu.vector_load %arg17[%get3A_185] {strides = array<i32>} : memref<2000xi32, #tpu.memory_space<vmem>>, vector<16xi32>,
        %lt3A = arith.cmpi slt, %get3A_186, %add3A_165 : vector<16xi32>
        %add3A_187 = arith.constant 1 : i32
        %add3A_188 = vector.broadcast %add3A_187 : i32 to vector<16xi32>
        %add3A_189 = arith.addi %shift_right_arithmetic3A_182, %add3A_188 : vector<16xi32>
        %select_n3A = arith.select %lt3A, %add3A_189, %broadcast_in_dim3A_177 : vector<16xi1>, vector<16xi32>
        %select_n3A_190 = arith.select %lt3A, %broadcast_in_dim3A_179, %shift_right_arithmetic3A_182 : vector<16xi1>, vector<16xi32>
        %mul3A_191 = arith.constant 16 : i32
        %mul3A_192 = arith.muli %scan3A_153, %mul3A_191 : i32
        %swap3A = arith.index_cast %mul3A_192 : i32 to index
        %swap3A_193 = tpu.vector_load %arg14[%swap3A] {strides = array<i32>} : memref<2000xi32, #tpu.memory_space<vmem>>, vector<16xi32>,
        tpu.vector_store %arg14[%swap3A], %select_n3A {strides = array<i32>} : memref<2000xi32, #tpu.memory_space<vmem>>, vector<16xi32>,
        %mul3A_194 = arith.constant 16 : i32
        %mul3A_195 = arith.muli %scan3A_153, %mul3A_194 : i32
        %swap3A_196 = arith.index_cast %mul3A_195 : i32 to index
        %swap3A_197 = tpu.vector_load %arg15[%swap3A_196] {strides = array<i32>} : memref<2000xi32, #tpu.memory_space<vmem>>, vector<16xi32>,
        tpu.vector_store %arg15[%swap3A_196], %select_n3A_190 {strides = array<i32>} : memref<2000xi32, #tpu.memory_space<vmem>>, vector<16xi32>,
        %add3A_198 = arith.addi %select_n3A, %select_n3A_190 : vector<16xi32>
        %shift_right_arithmetic3A_199 = arith.constant 1 : i32
        %shift_right_arithmetic3A_200 = vector.broadcast %shift_right_arithmetic3A_199 : i32 to vector<16xi32>
        %shift_right_arithmetic3A_201 = arith.shrsi %add3A_198, %shift_right_arithmetic3A_200 : vector<16xi32>
        %add3A_202 = arith.addi %mul3A_176, %shift_right_arithmetic3A_201 : vector<16xi32>
        %mul3A_203 = arith.constant 16 : i32
        %mul3A_204 = arith.muli %scan3A_153, %mul3A_203 : i32
        %swap3A_205 = arith.index_cast %mul3A_204 : i32 to index
        %swap3A_206 = tpu.vector_load %arg16[%swap3A_205] {strides = array<i32>} : memref<2000xi32, #tpu.memory_space<vmem>>, vector<16xi32>,
        tpu.vector_store %arg16[%swap3A_205], %add3A_202 {strides = array<i32>} : memref<2000xi32, #tpu.memory_space<vmem>>, vector<16xi32>,
        %scan3A_207 = arith.constant 0 : i32
        scf.yield %scan3A_207 : i32
      }
      %scan3A_118 = arith.constant 125 : i32
      %dma_start3A_119 = arith.constant 0 : i32
      %dma_start3A_120 = tpu.memref_slice %arg5[%dma_start3A_119] : memref<320000xi32, #tpu.memory_space<hbm>> -> memref<320000xi32, #tpu.memory_space<hbm>>
      tpu.enqueue_indirect_dma source(%dma_start3A_120 : memref<320000xi32, #tpu.memory_space<hbm>>) target(%arg17 : memref<2000xi32, #tpu.memory_space<vmem>>) offsets(%arg16 : memref<2000xi32, #tpu.memory_space<vmem>>) semaphore(%arg25 : memref<!tpu.dma_semaphore, #tpu.memory_space<semaphore_mem>>)
      %dma_wait3A_121 = arith.constant 0 : i32
      %dma_wait3A_122 = tpu.memref_slice %arg5[%dma_wait3A_121] : memref<320000xi32, #tpu.memory_space<hbm>> -> memref<320000xi32, #tpu.memory_space<hbm>>
      tpu.wait_indirect_dma semaphore(%arg25 : memref<!tpu.dma_semaphore, #tpu.memory_space<semaphore_mem>>) src(%dma_wait3A_122 : memref<320000xi32, #tpu.memory_space<hbm>>) dst(%arg17 : memref<2000xi32, #tpu.memory_space<vmem>>)
      %scan3A_123 = arith.constant 0 : i32
      %scan3A_124 = arith.constant 0 : i32
      %scan3A_125 = arith.constant 125 : i32
      %scan3A_126 = arith.addi %scan3A_124, %scan3A_125 : i32
      %scan3A_127 = arith.constant 1 : i32
      %scan3A_128 = scf.for %scan3A_153 = %scan3A_124 to %scan3A_126 step %scan3A_127 iter_args(%scan3A_154 = %scan3A_123) -> (i32)  : i32 {
        %mul3A_155 = arith.constant 16 : i32
        %mul3A_156 = arith.muli %scan3A_153, %mul3A_155 : i32
        %get3A_157 = arith.index_cast %mul3A_156 : i32 to index
        %get3A_158 = tpu.vector_load %arg12[%get3A_157] {strides = array<i32>} : memref<2000xi32, #tpu.memory_space<vmem>>, vector<16xi32>,
        %mul3A_159 = vector.broadcast %squeeze3A : i32 to vector<16xi32>
        %mul3A_160 = arith.muli %get3A_158, %mul3A_159 : vector<16xi32>
        %mul3A_161 = arith.constant 16 : i32
        %mul3A_162 = arith.muli %scan3A_153, %mul3A_161 : i32
        %get3A_163 = arith.index_cast %mul3A_162 : i32 to index
        %get3A_164 = tpu.vector_load %arg11[%get3A_163] {strides = array<i32>} : memref<2000xi32, #tpu.memory_space<vmem>>, vector<16xi32>,
        %add3A_165 = arith.addi %mul3A_160, %get3A_164 : vector<16xi32>
        %mul3A_166 = arith.constant 16 : i32
        %mul3A_167 = arith.muli %scan3A_153, %mul3A_166 : i32
        %get3A_168 = arith.index_cast %mul3A_167 : i32 to index
        %get3A_169 = tpu.vector_load %arg13[%get3A_168] {strides = array<i32>} : memref<2000xi32, #tpu.memory_space<vmem>>, vector<16xi32>,
        %sub3A = arith.constant 1 : i32
        %sub3A_170 = vector.broadcast %sub3A : i32 to vector<16xi32>
        %sub3A_171 = arith.subi %get3A_169, %sub3A_170 : vector<16xi32>
        %max3A = arith.constant 0 : i32
        %max3A_172 = vector.broadcast %max3A : i32 to vector<16xi32>
        %max3A_173 = arith.maxsi %sub3A_171, %max3A_172 : vector<16xi32>
        %mul3A_174 = arith.constant 8 : i32
        %mul3A_175 = vector.broadcast %mul3A_174 : i32 to vector<16xi32>
        %mul3A_176 = arith.muli %mul3A_175, %max3A_173 : vector<16xi32>
        %mul3A_177 = arith.constant 16 : i32
        %mul3A_178 = arith.muli %scan3A_153, %mul3A_177 : i32
        %get3A_179 = arith.index_cast %mul3A_178 : i32 to index
        %get3A_180 = tpu.vector_load %arg14[%get3A_179] {strides = array<i32>} : memref<2000xi32, #tpu.memory_space<vmem>>, vector<16xi32>,
        %mul3A_181 = arith.constant 16 : i32
        %mul3A_182 = arith.muli %scan3A_153, %mul3A_181 : i32
        %get3A_183 = arith.index_cast %mul3A_182 : i32 to index
        %get3A_184 = tpu.vector_load %arg15[%get3A_183] {strides = array<i32>} : memref<2000xi32, #tpu.memory_space<vmem>>, vector<16xi32>,
        %add3A_185 = arith.addi %get3A_180, %get3A_184 : vector<16xi32>
        %shift_right_arithmetic3A = arith.constant 1 : i32
        %shift_right_arithmetic3A_186 = vector.broadcast %shift_right_arithmetic3A : i32 to vector<16xi32>
        %shift_right_arithmetic3A_187 = arith.shrsi %add3A_185, %shift_right_arithmetic3A_186 : vector<16xi32>
        %mul3A_188 = arith.constant 16 : i32
        %mul3A_189 = arith.muli %scan3A_153, %mul3A_188 : i32
        %get3A_190 = arith.index_cast %mul3A_189 : i32 to index
        %get3A_191 = tpu.vector_load %arg17[%get3A_190] {strides = array<i32>} : memref<2000xi32, #tpu.memory_space<vmem>>, vector<16xi32>,
        %lt3A = arith.cmpi slt, %get3A_191, %add3A_165 : vector<16xi32>
        %add3A_192 = arith.constant 1 : i32
        %add3A_193 = vector.broadcast %add3A_192 : i32 to vector<16xi32>
        %add3A_194 = arith.addi %shift_right_arithmetic3A_187, %add3A_193 : vector<16xi32>
        %select_n3A = arith.select %lt3A, %add3A_194, %get3A_180 : vector<16xi1>, vector<16xi32>
        %select_n3A_195 = arith.select %lt3A, %get3A_184, %shift_right_arithmetic3A_187 : vector<16xi1>, vector<16xi32>
        %mul3A_196 = arith.constant 16 : i32
        %mul3A_197 = arith.muli %scan3A_153, %mul3A_196 : i32
        %swap3A = arith.index_cast %mul3A_197 : i32 to index
        %swap3A_198 = tpu.vector_load %arg14[%swap3A] {strides = array<i32>} : memref<2000xi32, #tpu.memory_space<vmem>>, vector<16xi32>,
        tpu.vector_store %arg14[%swap3A], %select_n3A {strides = array<i32>} : memref<2000xi32, #tpu.memory_space<vmem>>, vector<16xi32>,
        %mul3A_199 = arith.constant 16 : i32
        %mul3A_200 = arith.muli %scan3A_153, %mul3A_199 : i32
        %swap3A_201 = arith.index_cast %mul3A_200 : i32 to index
        %swap3A_202 = tpu.vector_load %arg15[%swap3A_201] {strides = array<i32>} : memref<2000xi32, #tpu.memory_space<vmem>>, vector<16xi32>,
        tpu.vector_store %arg15[%swap3A_201], %select_n3A_195 {strides = array<i32>} : memref<2000xi32, #tpu.memory_space<vmem>>, vector<16xi32>,
        %add3A_203 = arith.addi %select_n3A, %select_n3A_195 : vector<16xi32>
        %shift_right_arithmetic3A_204 = arith.constant 1 : i32
        %shift_right_arithmetic3A_205 = vector.broadcast %shift_right_arithmetic3A_204 : i32 to vector<16xi32>
        %shift_right_arithmetic3A_206 = arith.shrsi %add3A_203, %shift_right_arithmetic3A_205 : vector<16xi32>
        %add3A_207 = arith.addi %mul3A_176, %shift_right_arithmetic3A_206 : vector<16xi32>
        %mul3A_208 = arith.constant 16 : i32
        %mul3A_209 = arith.muli %scan3A_153, %mul3A_208 : i32
        %swap3A_210 = arith.index_cast %mul3A_209 : i32 to index
        %swap3A_211 = tpu.vector_load %arg16[%swap3A_210] {strides = array<i32>} : memref<2000xi32, #tpu.memory_space<vmem>>, vector<16xi32>,
        tpu.vector_store %arg16[%swap3A_210], %add3A_207 {strides = array<i32>} : memref<2000xi32, #tpu.memory_space<vmem>>, vector<16xi32>,
        %scan3A_212 = arith.constant 0 : i32
        scf.yield %scan3A_212 : i32
      }
      %scan3A_129 = arith.constant 125 : i32
      %dma_start3A_130 = arith.constant 0 : i32
      %dma_start3A_131 = tpu.memref_slice %arg5[%dma_start3A_130] : memref<320000xi32, #tpu.memory_space<hbm>> -> memref<320000xi32, #tpu.memory_space<hbm>>
      tpu.enqueue_indirect_dma source(%dma_start3A_131 : memref<320000xi32, #tpu.memory_space<hbm>>) target(%arg17 : memref<2000xi32, #tpu.memory_space<vmem>>) offsets(%arg16 : memref<2000xi32, #tpu.memory_space<vmem>>) semaphore(%arg25 : memref<!tpu.dma_semaphore, #tpu.memory_space<semaphore_mem>>)
      %dma_wait3A_132 = arith.constant 0 : i32
      %dma_wait3A_133 = tpu.memref_slice %arg5[%dma_wait3A_132] : memref<320000xi32, #tpu.memory_space<hbm>> -> memref<320000xi32, #tpu.memory_space<hbm>>
      tpu.wait_indirect_dma semaphore(%arg25 : memref<!tpu.dma_semaphore, #tpu.memory_space<semaphore_mem>>) src(%dma_wait3A_133 : memref<320000xi32, #tpu.memory_space<hbm>>) dst(%arg17 : memref<2000xi32, #tpu.memory_space<vmem>>)
      %scan3A_134 = arith.constant 0 : i32
      %scan3A_135 = arith.constant 0 : i32
      %scan3A_136 = arith.constant 125 : i32
      %scan3A_137 = arith.addi %scan3A_135, %scan3A_136 : i32
      %scan3A_138 = arith.constant 1 : i32
      %scan3A_139 = scf.for %scan3A_153 = %scan3A_135 to %scan3A_137 step %scan3A_138 iter_args(%scan3A_154 = %scan3A_134) -> (i32)  : i32 {
        %mul3A_155 = arith.constant 16 : i32
        %mul3A_156 = arith.muli %scan3A_153, %mul3A_155 : i32
        %get3A_157 = arith.index_cast %mul3A_156 : i32 to index
        %get3A_158 = tpu.vector_load %arg12[%get3A_157] {strides = array<i32>} : memref<2000xi32, #tpu.memory_space<vmem>>, vector<16xi32>,
        %mul3A_159 = vector.broadcast %squeeze3A : i32 to vector<16xi32>
        %mul3A_160 = arith.muli %get3A_158, %mul3A_159 : vector<16xi32>
        %mul3A_161 = arith.constant 16 : i32
        %mul3A_162 = arith.muli %scan3A_153, %mul3A_161 : i32
        %get3A_163 = arith.index_cast %mul3A_162 : i32 to index
        %get3A_164 = tpu.vector_load %arg11[%get3A_163] {strides = array<i32>} : memref<2000xi32, #tpu.memory_space<vmem>>, vector<16xi32>,
        %add3A_165 = arith.addi %mul3A_160, %get3A_164 : vector<16xi32>
        %mul3A_166 = arith.constant 16 : i32
        %mul3A_167 = arith.muli %scan3A_153, %mul3A_166 : i32
        %get3A_168 = arith.index_cast %mul3A_167 : i32 to index
        %get3A_169 = tpu.vector_load %arg13[%get3A_168] {strides = array<i32>} : memref<2000xi32, #tpu.memory_space<vmem>>, vector<16xi32>,
        %sub3A = arith.constant 1 : i32
        %sub3A_170 = vector.broadcast %sub3A : i32 to vector<16xi32>
        %sub3A_171 = arith.subi %get3A_169, %sub3A_170 : vector<16xi32>
        %max3A = arith.constant 0 : i32
        %max3A_172 = vector.broadcast %max3A : i32 to vector<16xi32>
        %max3A_173 = arith.maxsi %sub3A_171, %max3A_172 : vector<16xi32>
        %mul3A_174 = arith.constant 8 : i32
        %mul3A_175 = vector.broadcast %mul3A_174 : i32 to vector<16xi32>
        %mul3A_176 = arith.muli %mul3A_175, %max3A_173 : vector<16xi32>
        %mul3A_177 = arith.constant 16 : i32
        %mul3A_178 = arith.muli %scan3A_153, %mul3A_177 : i32
        %get3A_179 = arith.index_cast %mul3A_178 : i32 to index
        %get3A_180 = tpu.vector_load %arg14[%get3A_179] {strides = array<i32>} : memref<2000xi32, #tpu.memory_space<vmem>>, vector<16xi32>,
        %mul3A_181 = arith.constant 16 : i32
        %mul3A_182 = arith.muli %scan3A_153, %mul3A_181 : i32
        %get3A_183 = arith.index_cast %mul3A_182 : i32 to index
        %get3A_184 = tpu.vector_load %arg15[%get3A_183] {strides = array<i32>} : memref<2000xi32, #tpu.memory_space<vmem>>, vector<16xi32>,
        %add3A_185 = arith.addi %get3A_180, %get3A_184 : vector<16xi32>
        %shift_right_arithmetic3A = arith.constant 1 : i32
        %shift_right_arithmetic3A_186 = vector.broadcast %shift_right_arithmetic3A : i32 to vector<16xi32>
        %shift_right_arithmetic3A_187 = arith.shrsi %add3A_185, %shift_right_arithmetic3A_186 : vector<16xi32>
        %mul3A_188 = arith.constant 16 : i32
        %mul3A_189 = arith.muli %scan3A_153, %mul3A_188 : i32
        %get3A_190 = arith.index_cast %mul3A_189 : i32 to index
        %get3A_191 = tpu.vector_load %arg17[%get3A_190] {strides = array<i32>} : memref<2000xi32, #tpu.memory_space<vmem>>, vector<16xi32>,
        %lt3A = arith.cmpi slt, %get3A_191, %add3A_165 : vector<16xi32>
        %add3A_192 = arith.constant 1 : i32
        %add3A_193 = vector.broadcast %add3A_192 : i32 to vector<16xi32>
        %add3A_194 = arith.addi %shift_right_arithmetic3A_187, %add3A_193 : vector<16xi32>
        %select_n3A = arith.select %lt3A, %add3A_194, %get3A_180 : vector<16xi1>, vector<16xi32>
        %select_n3A_195 = arith.select %lt3A, %get3A_184, %shift_right_arithmetic3A_187 : vector<16xi1>, vector<16xi32>
        %eq3A_196 = arith.constant 0 : i32
        %eq3A_197 = vector.broadcast %eq3A_196 : i32 to vector<16xi32>
        %eq3A_198 = arith.cmpi eq, %get3A_169, %eq3A_197 : vector<16xi32>
        %add3A_199 = arith.addi %mul3A_176, %select_n3A : vector<16xi32>
        %jit3A = arith.constant 0 : i32
        %broadcast_in_dim3A = vector.broadcast %jit3A : i32 to vector<16xi32>
        %select_n3A_200 = arith.select %eq3A_198, %broadcast_in_dim3A, %add3A_199 : vector<16xi1>, vector<16xi32>
        %mul3A_201 = arith.constant 16 : i32
        %mul3A_202 = arith.muli %scan3A_153, %mul3A_201 : i32
        %get3A_203 = arith.index_cast %mul3A_202 : i32 to index
        %get3A_204 = tpu.vector_load %arg18[%get3A_203] {strides = array<i32>} : memref<2000xi32, #tpu.memory_space<vmem>>, vector<16xi32>,
        %mul3A_205 = arith.constant 16 : i32
        %mul3A_206 = arith.muli %scan3A_153, %mul3A_205 : i32
        %get3A_207 = arith.index_cast %mul3A_206 : i32 to index
        %get3A_208 = tpu.vector_load %arg11[%get3A_207] {strides = array<i32>} : memref<2000xi32, #tpu.memory_space<vmem>>, vector<16xi32>,
        %mul3A_209 = arith.constant 16 : i32
        %mul3A_210 = arith.muli %scan3A_153, %mul3A_209 : i32
        %get3A_211 = arith.index_cast %mul3A_210 : i32 to index
        %get3A_212 = tpu.vector_load %arg12[%get3A_211] {strides = array<i32>} : memref<2000xi32, #tpu.memory_space<vmem>>, vector<16xi32>,
        %lt3A_213 = arith.cmpi slt, %get3A_208, %get3A_212 : vector<16xi32>
        %eq3A_214 = arith.constant 0 : i32
        %eq3A_215 = vector.broadcast %eq3A_214 : i32 to vector<16xi32>
        %eq3A_216 = arith.cmpi eq, %get3A_204, %eq3A_215 : vector<16xi32>
        %and3A = arith.andi %lt3A_213, %eq3A_216 : vector<16xi1>
        %mul3A_217 = arith.constant 16 : i32
        %mul3A_218 = arith.muli %scan3A_153, %mul3A_217 : i32
        %get3A_219 = arith.index_cast %mul3A_218 : i32 to index
        %get3A_220 = tpu.vector_load %arg19[%get3A_219] {strides = array<i32>} : memref<2000xi32, #tpu.memory_space<vmem>>, vector<16xi32>,
        %add3A_221 = arith.addi %select_n3A_200, %get3A_204 : vector<16xi32>
        %select_n3A_222 = arith.select %and3A, %get3A_220, %add3A_221 : vector<16xi1>, vector<16xi32>
        %jit3A_223 = arith.constant 0 : i32
        %jit3A_224 = arith.constant 319999 : i32
        %max3A_225 = vector.broadcast %jit3A_223 : i32 to vector<16xi32>
        %max3A_226 = arith.maxsi %max3A_225, %select_n3A_222 : vector<16xi32>
        %min3A = vector.broadcast %jit3A_224 : i32 to vector<16xi32>
        %min3A_227 = arith.minsi %min3A, %max3A_226 : vector<16xi32>
        %mul3A_228 = arith.constant 4 : i32
        %mul3A_229 = arith.muli %mul3A_228, %squeeze3A : i32
        %jit3A_230 = arith.constant 0 : i32
        %broadcast_in_dim3A_231 = vector.broadcast %mul3A_229 : i32 to vector<16xi32>
        %broadcast_in_dim3A_232 = vector.broadcast %jit3A_230 : i32 to vector<16xi32>
        %select_n3A_233 = arith.select %and3A, %broadcast_in_dim3A_231, %broadcast_in_dim3A_232 : vector<16xi1>, vector<16xi32>
        %add3A_234 = arith.addi %min3A_227, %select_n3A_233 : vector<16xi32>
        %mul3A_235 = arith.constant 16 : i32
        %mul3A_236 = arith.muli %scan3A_153, %mul3A_235 : i32
        %swap3A = arith.index_cast %mul3A_236 : i32 to index
        %swap3A_237 = tpu.vector_load %arg20[%swap3A] {strides = array<i32>} : memref<2000xi32, #tpu.memory_space<vmem>>, vector<16xi32>,
        tpu.vector_store %arg20[%swap3A], %add3A_234 {strides = array<i32>} : memref<2000xi32, #tpu.memory_space<vmem>>, vector<16xi32>,
        %scan3A_238 = arith.constant 0 : i32
        scf.yield %scan3A_238 : i32
      }
      %scan3A_140 = arith.constant 125 : i32
      %scan3A_141 = arith.constant 0 : i32
      %scan3A_142 = arith.constant 0 : i32
      %scan3A_143 = arith.constant 125 : i32
      %scan3A_144 = arith.addi %scan3A_142, %scan3A_143 : i32
      %scan3A_145 = arith.constant 1 : i32
      %scan3A_146 = scf.for %scan3A_153 = %scan3A_142 to %scan3A_144 step %scan3A_145 iter_args(%scan3A_154 = %scan3A_141) -> (i32)  : i32 {
        %mul3A_155 = arith.constant 16 : i32
        %mul3A_156 = arith.muli %scan3A_153, %mul3A_155 : i32
        %get3A_157 = arith.index_cast %mul3A_156 : i32 to index
        %get3A_158 = tpu.vector_load %arg20[%get3A_157] {strides = array<i32>} : memref<2000xi32, #tpu.memory_space<vmem>>, vector<16xi32>,
        %mul3A_159 = arith.constant 16 : i32
        %mul3A_160 = arith.muli %scan3A_153, %mul3A_159 : i32
        %get3A_161 = arith.index_cast %mul3A_160 : i32 to index
        %get3A_162 = tpu.vector_load %arg11[%get3A_161] {strides = array<i32>} : memref<2000xi32, #tpu.memory_space<vmem>>, vector<16xi32>,
        %mul3A_163 = arith.constant 3 : i32
        %mul3A_164 = vector.broadcast %mul3A_163 : i32 to vector<16xi32>
        %mul3A_165 = arith.muli %get3A_162, %mul3A_164 : vector<16xi32>
        %iota3A = tpu.iota {dimensions = array<i32: 0>} : vector<16xi32>
        %mul3A_166 = arith.constant 3 : i32
        %mul3A_167 = vector.broadcast %mul3A_166 : i32 to vector<16xi32>
        %mul3A_168 = arith.muli %iota3A, %mul3A_167 : vector<16xi32>
        %mul3A_169 = arith.constant 48 : i32
        %mul3A_170 = arith.muli %mul3A_169, %scan3A_153 : i32
        %add3A_171 = vector.broadcast %mul3A_170 : i32 to vector<16xi32>
        %add3A_172 = arith.addi %mul3A_168, %add3A_171 : vector<16xi32>
        %add3A_173 = arith.constant 0 : i32
        %add3A_174 = vector.broadcast %add3A_173 : i32 to vector<16xi32>
        %add3A_175 = arith.addi %add3A_172, %add3A_174 : vector<16xi32>
        %mul3A_176 = arith.constant 0 : i32
        %mul3A_177 = arith.muli %mul3A_176, %squeeze3A : i32
        %add3A_178 = vector.broadcast %mul3A_177 : i32 to vector<16xi32>
        %add3A_179 = arith.addi %get3A_158, %add3A_178 : vector<16xi32>
        tpu.vector_store_idx %arg21[%add3A_175], %add3A_179 : memref<6000xi32, #tpu.memory_space<vmem>>[vector<16xi32>], vector<16xi32>,
        %add3A_180 = arith.constant 0 : i32
        %add3A_181 = vector.broadcast %add3A_180 : i32 to vector<16xi32>
        %add3A_182 = arith.addi %add3A_172, %add3A_181 : vector<16xi32>
        %add3A_183 = arith.constant 0 : i32
        %add3A_184 = vector.broadcast %add3A_183 : i32 to vector<16xi32>
        %add3A_185 = arith.addi %mul3A_165, %add3A_184 : vector<16xi32>
        tpu.vector_store_idx %arg23[%add3A_182], %add3A_185 : memref<6000xi32, #tpu.memory_space<vmem>>[vector<16xi32>], vector<16xi32>,
        %add3A_186 = arith.constant 1 : i32
        %add3A_187 = vector.broadcast %add3A_186 : i32 to vector<16xi32>
        %add3A_188 = arith.addi %add3A_172, %add3A_187 : vector<16xi32>
        %mul3A_189 = arith.constant 1 : i32
        %mul3A_190 = arith.muli %mul3A_189, %squeeze3A : i32
        %add3A_191 = vector.broadcast %mul3A_190 : i32 to vector<16xi32>
        %add3A_192 = arith.addi %get3A_158, %add3A_191 : vector<16xi32>
        tpu.vector_store_idx %arg21[%add3A_188], %add3A_192 : memref<6000xi32, #tpu.memory_space<vmem>>[vector<16xi32>], vector<16xi32>,
        %add3A_193 = arith.constant 1 : i32
        %add3A_194 = vector.broadcast %add3A_193 : i32 to vector<16xi32>
        %add3A_195 = arith.addi %add3A_172, %add3A_194 : vector<16xi32>
        %add3A_196 = arith.constant 1 : i32
        %add3A_197 = vector.broadcast %add3A_196 : i32 to vector<16xi32>
        %add3A_198 = arith.addi %mul3A_165, %add3A_197 : vector<16xi32>
        tpu.vector_store_idx %arg23[%add3A_195], %add3A_198 : memref<6000xi32, #tpu.memory_space<vmem>>[vector<16xi32>], vector<16xi32>,
        %add3A_199 = arith.constant 2 : i32
        %add3A_200 = vector.broadcast %add3A_199 : i32 to vector<16xi32>
        %add3A_201 = arith.addi %add3A_172, %add3A_200 : vector<16xi32>
        %mul3A_202 = arith.constant 2 : i32
        %mul3A_203 = arith.muli %mul3A_202, %squeeze3A : i32
        %add3A_204 = vector.broadcast %mul3A_203 : i32 to vector<16xi32>
        %add3A_205 = arith.addi %get3A_158, %add3A_204 : vector<16xi32>
        tpu.vector_store_idx %arg21[%add3A_201], %add3A_205 : memref<6000xi32, #tpu.memory_space<vmem>>[vector<16xi32>], vector<16xi32>,
        %add3A_206 = arith.constant 2 : i32
        %add3A_207 = vector.broadcast %add3A_206 : i32 to vector<16xi32>
        %add3A_208 = arith.addi %add3A_172, %add3A_207 : vector<16xi32>
        %add3A_209 = arith.constant 2 : i32
        %add3A_210 = vector.broadcast %add3A_209 : i32 to vector<16xi32>
        %add3A_211 = arith.addi %mul3A_165, %add3A_210 : vector<16xi32>
        tpu.vector_store_idx %arg23[%add3A_208], %add3A_211 : memref<6000xi32, #tpu.memory_space<vmem>>[vector<16xi32>], vector<16xi32>,
        %scan3A_212 = arith.constant 0 : i32
        scf.yield %scan3A_212 : i32
      }
      %scan3A_147 = arith.constant 125 : i32
      %dma_start3A_148 = arith.constant 0 : i32
      %dma_start3A_149 = tpu.memref_slice %arg6[%dma_start3A_148] : memref<2560000xf32, #tpu.memory_space<hbm>> -> memref<2560000xf32, #tpu.memory_space<hbm>>
      tpu.enqueue_indirect_dma source(%dma_start3A_149 : memref<2560000xf32, #tpu.memory_space<hbm>>) target(%arg22 : memref<6000xf32, #tpu.memory_space<vmem>>) offsets(%arg21 : memref<6000xi32, #tpu.memory_space<vmem>>) semaphore(%arg25 : memref<!tpu.dma_semaphore, #tpu.memory_space<semaphore_mem>>)
      %dma_wait3A_150 = arith.constant 0 : i32
      %dma_wait3A_151 = tpu.memref_slice %arg6[%dma_wait3A_150] : memref<2560000xf32, #tpu.memory_space<hbm>> -> memref<2560000xf32, #tpu.memory_space<hbm>>
      tpu.wait_indirect_dma semaphore(%arg25 : memref<!tpu.dma_semaphore, #tpu.memory_space<semaphore_mem>>) src(%dma_wait3A_151 : memref<2560000xf32, #tpu.memory_space<hbm>>) dst(%arg22 : memref<6000xf32, #tpu.memory_space<vmem>>)
      "tpu.region"() ({
        %run_scoped3A = tpu.sem_alloc : memref<!tpu.dma_semaphore, #tpu.memory_space<semaphore_mem>>
        %dma_start3A_153 = arith.constant 0 : i32
        %dma_start3A_154 = tpu.memref_slice %arg24[%dma_start3A_153] : memref<30000xf32, #tpu.memory_space<vmem_shared>> -> memref<30000xf32, #tpu.memory_space<vmem_shared>>
        tpu.enqueue_indirect_dma source(%arg22 : memref<6000xf32, #tpu.memory_space<vmem>>) target(%dma_start3A_154 : memref<30000xf32, #tpu.memory_space<vmem_shared>>) offsets(%arg23 : memref<6000xi32, #tpu.memory_space<vmem>>) semaphore(%run_scoped3A : memref<!tpu.dma_semaphore, #tpu.memory_space<semaphore_mem>>) {add = true}
        %dma_wait3A_155 = arith.constant 0 : i32
        %dma_wait3A_156 = tpu.memref_slice %arg24[%dma_wait3A_155] : memref<30000xf32, #tpu.memory_space<vmem_shared>> -> memref<30000xf32, #tpu.memory_space<vmem_shared>>
        tpu.wait_indirect_dma semaphore(%run_scoped3A : memref<!tpu.dma_semaphore, #tpu.memory_space<semaphore_mem>>) src(%arg22 : memref<6000xf32, #tpu.memory_space<vmem>>) dst(%dma_wait3A_156 : memref<30000xf32, #tpu.memory_space<vmem_shared>>)
        tpu.yield
      }) : () -> ()
      %scan3A_152 = arith.constant 0 : i32
      scf.yield %scan3A_152 : i32
    }
    %scan3A_11 = arith.constant 5 : i32
    %barrier3A_12 = arith.constant 0 : index
    tpu.barrier barrier_id(%barrier3A_12)
    %eq3A_13 = arith.constant 0 : i32
    %eq3A_14 = arith.cmpi eq, %arg1, %eq3A_13 : i32
    %convert_element_type3A_15 = arith.extui %eq3A_14 : i1 to i32
    %cond3A_16 = arith.constant 0 : i32
    %cond3A_17 = arith.cmpi ne, %convert_element_type3A_15, %cond3A_16 : i32
    scf.if %cond3A_17 {
      %mul3A_18 = arith.constant 30000 : i32
      %mul3A_19 = arith.muli %arg0, %mul3A_18 : i32
      "tpu.region"() ({
        %run_scoped3A = tpu.sem_alloc : memref<!tpu.dma_semaphore, #tpu.memory_space<semaphore_mem>>
        %dma_start3A = tpu.memref_slice %arg9[%mul3A_19] : memref<60000xf32, #tpu.memory_space<hbm>> -> memref<30000xf32, #tpu.memory_space<hbm>>
        tpu.enqueue_dma source(%arg24 : memref<30000xf32, #tpu.memory_space<vmem_shared>>) target(%dma_start3A : memref<30000xf32, #tpu.memory_space<hbm>>) target_semaphore(%run_scoped3A : memref<!tpu.dma_semaphore, #tpu.memory_space<semaphore_mem>>)
        %dma_wait3A = tpu.memref_slice %arg9[%mul3A_19] : memref<60000xf32, #tpu.memory_space<hbm>> -> memref<30000xf32, #tpu.memory_space<hbm>>
        tpu.wait_dma2 semaphore(%run_scoped3A : memref<!tpu.dma_semaphore, #tpu.memory_space<semaphore_mem>>) src(%arg24 : memref<30000xf32, #tpu.memory_space<vmem_shared>>) dst(%dma_wait3A : memref<30000xf32, #tpu.memory_space<hbm>>)
        tpu.yield
      }) : () -> ()
    } else {
    }
    return
  }
}

module attributes {stable_mosaic.version = 14 : i64} {
  func.func @_edge_mlp_body(%arg0: i32, %arg1: memref<6400x4xf32, #tpu.memory_space<vmem>>, %arg2: memref<4x64xf32, #tpu.memory_space<vmem>>, %arg3: memref<1x64xf32, #tpu.memory_space<vmem>>, %arg4: memref<64x64xf32, #tpu.memory_space<vmem>>, %arg5: memref<1x64xf32, #tpu.memory_space<vmem>>, %arg6: memref<64x42xf32, #tpu.memory_space<vmem>>, %arg7: memref<1x42xf32, #tpu.memory_space<vmem>>, %arg8: memref<4x42xf32, #tpu.memory_space<vmem>>, %arg9: memref<4x42xf32, #tpu.memory_space<vmem>>, %arg10: memref<1x42xf32, #tpu.memory_space<vmem>>, %arg11: memref<42x8xf32, #tpu.memory_space<vmem>>, %arg12: memref<8x6400xf32, #tpu.memory_space<vmem>>) attributes {dimension_semantics = [#tpu.dimension_semantics<arbitrary>], iteration_bounds = array<i64: 50>, scalar_prefetch = 0 : i64, scratch_operands = 0 : i64, tpu.core_type = #tpu.core_type<tc>, window_params = [{transform_indices = @transform_0, window_bounds = array<i64: 6400, 4>}, {pipeline_mode = #tpu.pipeline_mode<synchronous>, transform_indices = @transform_1, window_bounds = array<i64: 4, 64>}, {pipeline_mode = #tpu.pipeline_mode<synchronous>, transform_indices = @transform_2, window_bounds = array<i64: 1, 64>}, {pipeline_mode = #tpu.pipeline_mode<synchronous>, transform_indices = @transform_3, window_bounds = array<i64: 64, 64>}, {pipeline_mode = #tpu.pipeline_mode<synchronous>, transform_indices = @transform_4, window_bounds = array<i64: 1, 64>}, {pipeline_mode = #tpu.pipeline_mode<synchronous>, transform_indices = @transform_5, window_bounds = array<i64: 64, 42>}, {pipeline_mode = #tpu.pipeline_mode<synchronous>, transform_indices = @transform_6, window_bounds = array<i64: 1, 42>}, {pipeline_mode = #tpu.pipeline_mode<synchronous>, transform_indices = @transform_7, window_bounds = array<i64: 4, 42>}, {pipeline_mode = #tpu.pipeline_mode<synchronous>, transform_indices = @transform_8, window_bounds = array<i64: 4, 42>}, {pipeline_mode = #tpu.pipeline_mode<synchronous>, transform_indices = @transform_9, window_bounds = array<i64: 1, 42>}, {pipeline_mode = #tpu.pipeline_mode<synchronous>, transform_indices = @transform_10, window_bounds = array<i64: 42, 8>}, {transform_indices = @transform_11, window_bounds = array<i64: 8, 6400>}]} {
    %get3A = arith.constant 0 : index
    %get3A_0 = arith.constant 0 : index
    %get3A_1 = vector.load %arg1[%get3A, %get3A_0] : memref<6400x4xf32, #tpu.memory_space<vmem>>, vector<6400x4xf32>
    %get3A_2 = arith.constant 0 : index
    %get3A_3 = arith.constant 0 : index
    %get3A_4 = vector.load %arg2[%get3A_2, %get3A_3] : memref<4x64xf32, #tpu.memory_space<vmem>>, vector<4x64xf32>
    %dot_general3A = arith.constant dense<0.000000e+00> : vector<6400x64xf32>
    %dot_general3A_5 = tpu.matmul %get3A_1, %get3A_4, %dot_general3A {dimension_numbers = #tpu.dot_dimension_numbers<[1], [0], [0], [1], [0, 0, 1, 1], [], []>, transpose_lhs_hint = false} : vector<6400x4xf32>, vector<4x64xf32>, vector<6400x64xf32> -> vector<6400x64xf32>
    %get3A_6 = arith.constant 0 : index
    %get3A_7 = arith.constant 0 : index
    %get3A_8 = vector.load %arg3[%get3A_6, %get3A_7] : memref<1x64xf32, #tpu.memory_space<vmem>>, vector<1x64xf32>
    %add3A = vector.broadcast %get3A_8 : vector<1x64xf32> to vector<6400x64xf32>
    %add3A_9 = arith.addf %dot_general3A_5, %add3A : vector<6400x64xf32>
    %ge3A = arith.constant 0.000000e+00 : f32
    %ge3A_10 = vector.broadcast %ge3A : f32 to vector<6400x64xf32>
    %ge3A_11 = arith.cmpf oge, %add3A_9, %ge3A_10 : vector<6400x64xf32>
    %mul3A = arith.constant 0.00999999977 : f32
    %mul3A_12 = vector.broadcast %mul3A : f32 to vector<6400x64xf32>
    %mul3A_13 = arith.mulf %mul3A_12, %add3A_9 : vector<6400x64xf32>
    %select_n3A = arith.select %ge3A_11, %add3A_9, %mul3A_13 : vector<6400x64xi1>, vector<6400x64xf32>
    %get3A_14 = arith.constant 0 : index
    %get3A_15 = arith.constant 0 : index
    %get3A_16 = vector.load %arg4[%get3A_14, %get3A_15] : memref<64x64xf32, #tpu.memory_space<vmem>>, vector<64x64xf32>
    %dot_general3A_17 = arith.constant dense<0.000000e+00> : vector<6400x64xf32>
    %dot_general3A_18 = tpu.matmul %select_n3A, %get3A_16, %dot_general3A_17 {dimension_numbers = #tpu.dot_dimension_numbers<[1], [0], [0], [1], [0, 0, 1, 1], [], []>, transpose_lhs_hint = false} : vector<6400x64xf32>, vector<64x64xf32>, vector<6400x64xf32> -> vector<6400x64xf32>
    %get3A_19 = arith.constant 0 : index
    %get3A_20 = arith.constant 0 : index
    %get3A_21 = vector.load %arg5[%get3A_19, %get3A_20] : memref<1x64xf32, #tpu.memory_space<vmem>>, vector<1x64xf32>
    %add3A_22 = vector.broadcast %get3A_21 : vector<1x64xf32> to vector<6400x64xf32>
    %add3A_23 = arith.addf %dot_general3A_18, %add3A_22 : vector<6400x64xf32>
    %ge3A_24 = arith.constant 0.000000e+00 : f32
    %ge3A_25 = vector.broadcast %ge3A_24 : f32 to vector<6400x64xf32>
    %ge3A_26 = arith.cmpf oge, %add3A_23, %ge3A_25 : vector<6400x64xf32>
    %mul3A_27 = arith.constant 0.00999999977 : f32
    %mul3A_28 = vector.broadcast %mul3A_27 : f32 to vector<6400x64xf32>
    %mul3A_29 = arith.mulf %mul3A_28, %add3A_23 : vector<6400x64xf32>
    %select_n3A_30 = arith.select %ge3A_26, %add3A_23, %mul3A_29 : vector<6400x64xi1>, vector<6400x64xf32>
    %get3A_31 = arith.constant 0 : index
    %get3A_32 = arith.constant 0 : index
    %get3A_33 = vector.load %arg6[%get3A_31, %get3A_32] : memref<64x42xf32, #tpu.memory_space<vmem>>, vector<64x42xf32>
    %dot_general3A_34 = arith.constant dense<0.000000e+00> : vector<6400x42xf32>
    %dot_general3A_35 = tpu.matmul %select_n3A_30, %get3A_33, %dot_general3A_34 {dimension_numbers = #tpu.dot_dimension_numbers<[1], [0], [0], [1], [0, 0, 1, 1], [], []>, transpose_lhs_hint = false} : vector<6400x64xf32>, vector<64x42xf32>, vector<6400x42xf32> -> vector<6400x42xf32>
    %get3A_36 = arith.constant 0 : index
    %get3A_37 = arith.constant 0 : index
    %get3A_38 = vector.load %arg7[%get3A_36, %get3A_37] : memref<1x42xf32, #tpu.memory_space<vmem>>, vector<1x42xf32>
    %add3A_39 = vector.broadcast %get3A_38 : vector<1x42xf32> to vector<6400x42xf32>
    %add3A_40 = arith.addf %dot_general3A_35, %add3A_39 : vector<6400x42xf32>
    %get3A_41 = arith.constant 0 : index
    %get3A_42 = arith.constant 0 : index
    %get3A_43 = vector.load %arg8[%get3A_41, %get3A_42] : memref<4x42xf32, #tpu.memory_space<vmem>>, vector<4x42xf32>
    %dot_general3A_44 = arith.constant dense<0.000000e+00> : vector<6400x42xf32>
    %dot_general3A_45 = tpu.matmul %get3A_1, %get3A_43, %dot_general3A_44 {dimension_numbers = #tpu.dot_dimension_numbers<[1], [0], [0], [1], [0, 0, 1, 1], [], []>, precision = #tpu.contract_precision<fp32>, transpose_lhs_hint = false} : vector<6400x4xf32>, vector<4x42xf32>, vector<6400x42xf32> -> vector<6400x42xf32>
    %get3A_46 = arith.constant 0 : index
    %get3A_47 = arith.constant 0 : index
    %get3A_48 = vector.load %arg9[%get3A_46, %get3A_47] : memref<4x42xf32, #tpu.memory_space<vmem>>, vector<4x42xf32>
    %dot_general3A_49 = arith.constant dense<0.000000e+00> : vector<6400x42xf32>
    %dot_general3A_50 = tpu.matmul %get3A_1, %get3A_48, %dot_general3A_49 {dimension_numbers = #tpu.dot_dimension_numbers<[1], [0], [0], [1], [0, 0, 1, 1], [], []>, precision = #tpu.contract_precision<fp32>, transpose_lhs_hint = false} : vector<6400x4xf32>, vector<4x42xf32>, vector<6400x42xf32> -> vector<6400x42xf32>
    %get3A_51 = arith.constant 0 : index
    %get3A_52 = arith.constant 0 : index
    %get3A_53 = vector.load %arg10[%get3A_51, %get3A_52] : memref<1x42xf32, #tpu.memory_space<vmem>>, vector<1x42xf32>
    %add3A_54 = vector.broadcast %get3A_53 : vector<1x42xf32> to vector<6400x42xf32>
    %add3A_55 = arith.addf %dot_general3A_50, %add3A_54 : vector<6400x42xf32>
    %mul3A_56 = arith.mulf %dot_general3A_45, %add3A_55 : vector<6400x42xf32>
    %mul3A_57 = arith.mulf %add3A_40, %mul3A_56 : vector<6400x42xf32>
    %get3A_58 = arith.constant 0 : index
    %get3A_59 = arith.constant 0 : index
    %get3A_60 = vector.load %arg11[%get3A_58, %get3A_59] : memref<42x8xf32, #tpu.memory_space<vmem>>, vector<42x8xf32>
    %dot_general3A_61 = arith.constant dense<0.000000e+00> : vector<6400x8xf32>
    %dot_general3A_62 = tpu.matmul %mul3A_57, %get3A_60, %dot_general3A_61 {dimension_numbers = #tpu.dot_dimension_numbers<[1], [0], [0], [1], [0, 0, 1, 1], [], []>, transpose_lhs_hint = false} : vector<6400x42xf32>, vector<42x8xf32>, vector<6400x8xf32> -> vector<6400x8xf32>
    %transpose3A = tpu.transpose %dot_general3A_62, [1, 0] : vector<6400x8xf32> -> vector<8x6400xf32>
    %swap3A = arith.constant 0 : index
    %swap3A_63 = arith.constant 0 : index
    %swap3A_64 = vector.load %arg12[%swap3A, %swap3A_63] : memref<8x6400xf32, #tpu.memory_space<vmem>>, vector<8x6400xf32>
    tpu.vector_store %arg12[%swap3A, %swap3A_63], %transpose3A {strides = array<i32>} : memref<8x6400xf32, #tpu.memory_space<vmem>>, vector<8x6400xf32>,
    return
  }
  func.func @transform_0(%arg0: i32) -> (i32, i32) {
    %c0_i32 = arith.constant 0 : i32
    %c0_i32_0 = arith.constant 0 : i32
    return %arg0, %c0_i32 : i32, i32
  }
  func.func @transform_1(%arg0: i32) -> (i32, i32) {
    %c0_i32 = arith.constant 0 : i32
    %c0_i32_0 = arith.constant 0 : i32
    %c0_i32_1 = arith.constant 0 : i32
    return %c0_i32, %c0_i32_0 : i32, i32
  }
  func.func @transform_2(%arg0: i32) -> (i32, i32) {
    %c0_i32 = arith.constant 0 : i32
    %c0_i32_0 = arith.constant 0 : i32
    %c0_i32_1 = arith.constant 0 : i32
    return %c0_i32, %c0_i32_0 : i32, i32
  }
  func.func @transform_3(%arg0: i32) -> (i32, i32) {
    %c0_i32 = arith.constant 0 : i32
    %c0_i32_0 = arith.constant 0 : i32
    %c0_i32_1 = arith.constant 0 : i32
    return %c0_i32, %c0_i32_0 : i32, i32
  }
  func.func @transform_4(%arg0: i32) -> (i32, i32) {
    %c0_i32 = arith.constant 0 : i32
    %c0_i32_0 = arith.constant 0 : i32
    %c0_i32_1 = arith.constant 0 : i32
    return %c0_i32, %c0_i32_0 : i32, i32
  }
  func.func @transform_5(%arg0: i32) -> (i32, i32) {
    %c0_i32 = arith.constant 0 : i32
    %c0_i32_0 = arith.constant 0 : i32
    %c0_i32_1 = arith.constant 0 : i32
    return %c0_i32, %c0_i32_0 : i32, i32
  }
  func.func @transform_6(%arg0: i32) -> (i32, i32) {
    %c0_i32 = arith.constant 0 : i32
    %c0_i32_0 = arith.constant 0 : i32
    %c0_i32_1 = arith.constant 0 : i32
    return %c0_i32, %c0_i32_0 : i32, i32
  }
  func.func @transform_7(%arg0: i32) -> (i32, i32) {
    %c0_i32 = arith.constant 0 : i32
    %c0_i32_0 = arith.constant 0 : i32
    %c0_i32_1 = arith.constant 0 : i32
    return %c0_i32, %c0_i32_0 : i32, i32
  }
  func.func @transform_8(%arg0: i32) -> (i32, i32) {
    %c0_i32 = arith.constant 0 : i32
    %c0_i32_0 = arith.constant 0 : i32
    %c0_i32_1 = arith.constant 0 : i32
    return %c0_i32, %c0_i32_0 : i32, i32
  }
  func.func @transform_9(%arg0: i32) -> (i32, i32) {
    %c0_i32 = arith.constant 0 : i32
    %c0_i32_0 = arith.constant 0 : i32
    %c0_i32_1 = arith.constant 0 : i32
    return %c0_i32, %c0_i32_0 : i32, i32
  }
  func.func @transform_10(%arg0: i32) -> (i32, i32) {
    %c0_i32 = arith.constant 0 : i32
    %c0_i32_0 = arith.constant 0 : i32
    %c0_i32_1 = arith.constant 0 : i32
    return %c0_i32, %c0_i32_0 : i32, i32
  }
  func.func @transform_11(%arg0: i32) -> (i32, i32) {
    %c0_i32 = arith.constant 0 : i32
    %c0_i32_0 = arith.constant 0 : i32
    return %c0_i32, %arg0 : i32, i32
  }
}

module attributes {stable_mosaic.version = 14 : i64} {
  func.func @_update_body(%arg0: i32, %arg1: memref<2000x128xf32, #tpu.memory_space<vmem>>, %arg2: memref<2x2000x3xf32, #tpu.memory_space<vmem>>, %arg3: memref<1x131xf32, #tpu.memory_space<vmem>>, %arg4: memref<1x131xf32, #tpu.memory_space<vmem>>, %arg5: memref<131x130xf32, #tpu.memory_space<vmem>>, %arg6: memref<1x130xf32, #tpu.memory_space<vmem>>, %arg7: memref<130x129xf32, #tpu.memory_space<vmem>>, %arg8: memref<1x129xf32, #tpu.memory_space<vmem>>, %arg9: memref<129x128xf32, #tpu.memory_space<vmem>>, %arg10: memref<1x128xf32, #tpu.memory_space<vmem>>, %arg11: memref<2000x128xf32, #tpu.memory_space<vmem>>) attributes {dimension_semantics = [#tpu.dimension_semantics<arbitrary>], iteration_bounds = array<i64: 5>, scalar_prefetch = 0 : i64, scratch_operands = 0 : i64, tpu.core_type = #tpu.core_type<tc>, window_params = [{transform_indices = @transform_0, window_bounds = array<i64: 2000, 128>}, {transform_indices = @transform_1, window_bounds = array<i64: 2, 2000, 3>}, {pipeline_mode = #tpu.pipeline_mode<synchronous>, transform_indices = @transform_2, window_bounds = array<i64: 1, 131>}, {pipeline_mode = #tpu.pipeline_mode<synchronous>, transform_indices = @transform_3, window_bounds = array<i64: 1, 131>}, {pipeline_mode = #tpu.pipeline_mode<synchronous>, transform_indices = @transform_4, window_bounds = array<i64: 131, 130>}, {pipeline_mode = #tpu.pipeline_mode<synchronous>, transform_indices = @transform_5, window_bounds = array<i64: 1, 130>}, {pipeline_mode = #tpu.pipeline_mode<synchronous>, transform_indices = @transform_6, window_bounds = array<i64: 130, 129>}, {pipeline_mode = #tpu.pipeline_mode<synchronous>, transform_indices = @transform_7, window_bounds = array<i64: 1, 129>}, {pipeline_mode = #tpu.pipeline_mode<synchronous>, transform_indices = @transform_8, window_bounds = array<i64: 129, 128>}, {pipeline_mode = #tpu.pipeline_mode<synchronous>, transform_indices = @transform_9, window_bounds = array<i64: 1, 128>}, {transform_indices = @transform_10, window_bounds = array<i64: 2000, 128>}]} {
    %get3A = arith.constant 0 : index
    %get3A_0 = arith.constant 0 : index
    %get3A_1 = arith.constant 0 : index
    %get3A_2 = vector.load %arg2[%get3A, %get3A_0, %get3A_1] : memref<2x2000x3xf32, #tpu.memory_space<vmem>>, vector<1x2000x3xf32>
    %get3A_3 = vector.shape_cast %get3A_2 : vector<1x2000x3xf32> to vector<2000x3xf32>
    %get3A_4 = arith.constant 1 : index
    %get3A_5 = arith.constant 0 : index
    %get3A_6 = arith.constant 0 : index
    %get3A_7 = vector.load %arg2[%get3A_4, %get3A_5, %get3A_6] : memref<2x2000x3xf32, #tpu.memory_space<vmem>>, vector<1x2000x3xf32>
    %get3A_8 = vector.shape_cast %get3A_7 : vector<1x2000x3xf32> to vector<2000x3xf32>
    %add3A = arith.addf %get3A_3, %get3A_8 : vector<2000x3xf32>
    %get3A_9 = arith.constant 0 : index
    %get3A_10 = arith.constant 0 : index
    %get3A_11 = vector.load %arg1[%get3A_9, %get3A_10] : memref<2000x128xf32, #tpu.memory_space<vmem>>, vector<2000x128xf32>
    %concatenate3A = tpu.concatenate %get3A_11, %add3A in 1 : vector<2000x128xf32>, vector<2000x3xf32> -> vector<2000x131xf32>
    %reduce_sum3A = arith.constant dense<0.000000e+00> : vector<2000xf32>
    %reduce_sum3A_12 = vector.multi_reduction <add>, %concatenate3A, %reduce_sum3A [1] : vector<2000x131xf32> to vector<2000xf32>
    %broadcast_in_dim3A = vector.shape_cast %reduce_sum3A_12 : vector<2000xf32> to vector<2000x1xf32>
    %div3A = arith.constant 1.310000e+02 : f32
    %div3A_13 = vector.broadcast %div3A : f32 to vector<2000x1xf32>
    %div3A_14 = arith.divf %broadcast_in_dim3A, %div3A_13 : vector<2000x1xf32>
    %sub3A = vector.broadcast %div3A_14 : vector<2000x1xf32> to vector<2000x131xf32>
    %sub3A_15 = arith.subf %concatenate3A, %sub3A : vector<2000x131xf32>
    %integer_pow3A = arith.mulf %sub3A_15, %sub3A_15 : vector<2000x131xf32>
    %reduce_sum3A_16 = arith.constant dense<0.000000e+00> : vector<2000xf32>
    %reduce_sum3A_17 = vector.multi_reduction <add>, %integer_pow3A, %reduce_sum3A_16 [1] : vector<2000x131xf32> to vector<2000xf32>
    %broadcast_in_dim3A_18 = vector.shape_cast %reduce_sum3A_17 : vector<2000xf32> to vector<2000x1xf32>
    %div3A_19 = arith.constant 1.310000e+02 : f32
    %div3A_20 = vector.broadcast %div3A_19 : f32 to vector<2000x1xf32>
    %div3A_21 = arith.divf %broadcast_in_dim3A_18, %div3A_20 : vector<2000x1xf32>
    %sub3A_22 = vector.broadcast %div3A_14 : vector<2000x1xf32> to vector<2000x131xf32>
    %sub3A_23 = arith.subf %concatenate3A, %sub3A_22 : vector<2000x131xf32>
    %add3A_24 = arith.constant 9.99999974E-6 : f32
    %add3A_25 = vector.broadcast %add3A_24 : f32 to vector<2000x1xf32>
    %add3A_26 = arith.addf %div3A_21, %add3A_25 : vector<2000x1xf32>
    %sqrt3A = math.sqrt %add3A_26 : vector<2000x1xf32>
    %div3A_27 = vector.broadcast %sqrt3A : vector<2000x1xf32> to vector<2000x131xf32>
    %div3A_28 = arith.divf %sub3A_23, %div3A_27 : vector<2000x131xf32>
    %get3A_29 = arith.constant 0 : index
    %get3A_30 = arith.constant 0 : index
    %get3A_31 = vector.load %arg3[%get3A_29, %get3A_30] : memref<1x131xf32, #tpu.memory_space<vmem>>, vector<1x131xf32>
    %mul3A = vector.broadcast %get3A_31 : vector<1x131xf32> to vector<2000x131xf32>
    %mul3A_32 = arith.mulf %div3A_28, %mul3A : vector<2000x131xf32>
    %get3A_33 = arith.constant 0 : index
    %get3A_34 = arith.constant 0 : index
    %get3A_35 = vector.load %arg4[%get3A_33, %get3A_34] : memref<1x131xf32, #tpu.memory_space<vmem>>, vector<1x131xf32>
    %add3A_36 = vector.broadcast %get3A_35 : vector<1x131xf32> to vector<2000x131xf32>
    %add3A_37 = arith.addf %mul3A_32, %add3A_36 : vector<2000x131xf32>
    %get3A_38 = arith.constant 0 : index
    %get3A_39 = arith.constant 0 : index
    %get3A_40 = vector.load %arg5[%get3A_38, %get3A_39] : memref<131x130xf32, #tpu.memory_space<vmem>>, vector<131x130xf32>
    %dot_general3A = arith.constant dense<0.000000e+00> : vector<2000x130xf32>
    %dot_general3A_41 = tpu.matmul %add3A_37, %get3A_40, %dot_general3A {dimension_numbers = #tpu.dot_dimension_numbers<[1], [0], [0], [1], [0, 0, 1, 1], [], []>, transpose_lhs_hint = false} : vector<2000x131xf32>, vector<131x130xf32>, vector<2000x130xf32> -> vector<2000x130xf32>
    %get3A_42 = arith.constant 0 : index
    %get3A_43 = arith.constant 0 : index
    %get3A_44 = vector.load %arg6[%get3A_42, %get3A_43] : memref<1x130xf32, #tpu.memory_space<vmem>>, vector<1x130xf32>
    %add3A_45 = vector.broadcast %get3A_44 : vector<1x130xf32> to vector<2000x130xf32>
    %add3A_46 = arith.addf %dot_general3A_41, %add3A_45 : vector<2000x130xf32>
    %ge3A = arith.constant 0.000000e+00 : f32
    %ge3A_47 = vector.broadcast %ge3A : f32 to vector<2000x130xf32>
    %ge3A_48 = arith.cmpf oge, %add3A_46, %ge3A_47 : vector<2000x130xf32>
    %mul3A_49 = arith.constant 0.00999999977 : f32
    %mul3A_50 = vector.broadcast %mul3A_49 : f32 to vector<2000x130xf32>
    %mul3A_51 = arith.mulf %mul3A_50, %add3A_46 : vector<2000x130xf32>
    %select_n3A = arith.select %ge3A_48, %add3A_46, %mul3A_51 : vector<2000x130xi1>, vector<2000x130xf32>
    %get3A_52 = arith.constant 0 : index
    %get3A_53 = arith.constant 0 : index
    %get3A_54 = vector.load %arg7[%get3A_52, %get3A_53] : memref<130x129xf32, #tpu.memory_space<vmem>>, vector<130x129xf32>
    %dot_general3A_55 = arith.constant dense<0.000000e+00> : vector<2000x129xf32>
    %dot_general3A_56 = tpu.matmul %select_n3A, %get3A_54, %dot_general3A_55 {dimension_numbers = #tpu.dot_dimension_numbers<[1], [0], [0], [1], [0, 0, 1, 1], [], []>, transpose_lhs_hint = false} : vector<2000x130xf32>, vector<130x129xf32>, vector<2000x129xf32> -> vector<2000x129xf32>
    %get3A_57 = arith.constant 0 : index
    %get3A_58 = arith.constant 0 : index
    %get3A_59 = vector.load %arg8[%get3A_57, %get3A_58] : memref<1x129xf32, #tpu.memory_space<vmem>>, vector<1x129xf32>
    %add3A_60 = vector.broadcast %get3A_59 : vector<1x129xf32> to vector<2000x129xf32>
    %add3A_61 = arith.addf %dot_general3A_56, %add3A_60 : vector<2000x129xf32>
    %ge3A_62 = arith.constant 0.000000e+00 : f32
    %ge3A_63 = vector.broadcast %ge3A_62 : f32 to vector<2000x129xf32>
    %ge3A_64 = arith.cmpf oge, %add3A_61, %ge3A_63 : vector<2000x129xf32>
    %mul3A_65 = arith.constant 0.00999999977 : f32
    %mul3A_66 = vector.broadcast %mul3A_65 : f32 to vector<2000x129xf32>
    %mul3A_67 = arith.mulf %mul3A_66, %add3A_61 : vector<2000x129xf32>
    %select_n3A_68 = arith.select %ge3A_64, %add3A_61, %mul3A_67 : vector<2000x129xi1>, vector<2000x129xf32>
    %get3A_69 = arith.constant 0 : index
    %get3A_70 = arith.constant 0 : index
    %get3A_71 = vector.load %arg9[%get3A_69, %get3A_70] : memref<129x128xf32, #tpu.memory_space<vmem>>, vector<129x128xf32>
    %dot_general3A_72 = arith.constant dense<0.000000e+00> : vector<2000x128xf32>
    %dot_general3A_73 = tpu.matmul %select_n3A_68, %get3A_71, %dot_general3A_72 {dimension_numbers = #tpu.dot_dimension_numbers<[1], [0], [0], [1], [0, 0, 1, 1], [], []>, transpose_lhs_hint = false} : vector<2000x129xf32>, vector<129x128xf32>, vector<2000x128xf32> -> vector<2000x128xf32>
    %get3A_74 = arith.constant 0 : index
    %get3A_75 = arith.constant 0 : index
    %get3A_76 = vector.load %arg10[%get3A_74, %get3A_75] : memref<1x128xf32, #tpu.memory_space<vmem>>, vector<1x128xf32>
    %add3A_77 = vector.broadcast %get3A_76 : vector<1x128xf32> to vector<2000x128xf32>
    %add3A_78 = arith.addf %dot_general3A_73, %add3A_77 : vector<2000x128xf32>
    %swap3A = arith.constant 0 : index
    %swap3A_79 = arith.constant 0 : index
    %swap3A_80 = vector.load %arg11[%swap3A, %swap3A_79] : memref<2000x128xf32, #tpu.memory_space<vmem>>, vector<2000x128xf32>
    tpu.vector_store %arg11[%swap3A, %swap3A_79], %add3A_78 {strides = array<i32>} : memref<2000x128xf32, #tpu.memory_space<vmem>>, vector<2000x128xf32>,
    return
  }
  func.func @transform_0(%arg0: i32) -> (i32, i32) {
    %c0_i32 = arith.constant 0 : i32
    %c0_i32_0 = arith.constant 0 : i32
    return %arg0, %c0_i32 : i32, i32
  }
  func.func @transform_1(%arg0: i32) -> (i32, i32, i32) {
    %c0_i32 = arith.constant 0 : i32
    %c0_i32_0 = arith.constant 0 : i32
    %c0_i32_1 = arith.constant 0 : i32
    return %c0_i32, %arg0, %c0_i32_0 : i32, i32, i32
  }
  func.func @transform_2(%arg0: i32) -> (i32, i32) {
    %c0_i32 = arith.constant 0 : i32
    %c0_i32_0 = arith.constant 0 : i32
    %c0_i32_1 = arith.constant 0 : i32
    return %c0_i32, %c0_i32_0 : i32, i32
  }
  func.func @transform_3(%arg0: i32) -> (i32, i32) {
    %c0_i32 = arith.constant 0 : i32
    %c0_i32_0 = arith.constant 0 : i32
    %c0_i32_1 = arith.constant 0 : i32
    return %c0_i32, %c0_i32_0 : i32, i32
  }
  func.func @transform_4(%arg0: i32) -> (i32, i32) {
    %c0_i32 = arith.constant 0 : i32
    %c0_i32_0 = arith.constant 0 : i32
    %c0_i32_1 = arith.constant 0 : i32
    return %c0_i32, %c0_i32_0 : i32, i32
  }
  func.func @transform_5(%arg0: i32) -> (i32, i32) {
    %c0_i32 = arith.constant 0 : i32
    %c0_i32_0 = arith.constant 0 : i32
    %c0_i32_1 = arith.constant 0 : i32
    return %c0_i32, %c0_i32_0 : i32, i32
  }
  func.func @transform_6(%arg0: i32) -> (i32, i32) {
    %c0_i32 = arith.constant 0 : i32
    %c0_i32_0 = arith.constant 0 : i32
    %c0_i32_1 = arith.constant 0 : i32
    return %c0_i32, %c0_i32_0 : i32, i32
  }
  func.func @transform_7(%arg0: i32) -> (i32, i32) {
    %c0_i32 = arith.constant 0 : i32
    %c0_i32_0 = arith.constant 0 : i32
    %c0_i32_1 = arith.constant 0 : i32
    return %c0_i32, %c0_i32_0 : i32, i32
  }
  func.func @transform_8(%arg0: i32) -> (i32, i32) {
    %c0_i32 = arith.constant 0 : i32
    %c0_i32_0 = arith.constant 0 : i32
    %c0_i32_1 = arith.constant 0 : i32
    return %c0_i32, %c0_i32_0 : i32, i32
  }
  func.func @transform_9(%arg0: i32) -> (i32, i32) {
    %c0_i32 = arith.constant 0 : i32
    %c0_i32_0 = arith.constant 0 : i32
    %c0_i32_1 = arith.constant 0 : i32
    return %c0_i32, %c0_i32_0 : i32, i32
  }
  func.func @transform_10(%arg0: i32) -> (i32, i32) {
    %c0_i32 = arith.constant 0 : i32
    %c0_i32_0 = arith.constant 0 : i32
    return %arg0, %c0_i32 : i32, i32
  }
}

</mosaic_0001>

<sc_bundles>
// kernel: kernel.5.cloned.1.call-start
scs
__scs_entry_jumppad:
0x0: {  	(pc) =	sbr.rel $0x88, $3  }
0x1: {  	(tag) =	ssettag $0x0;
	lr =	simm.s32 $0x1  }
0x2: {  	[smem:$0x3F90] =	sst lr;
	_ =	strace $0xD0000000  }
0x3: {  	_ = 	snop  }
0x4: {  	_ = 	snop  }
0x5: {  	_ = 	snop  }
0x6: {  	_ = 	snop  }
0x7: {  	_ = 	snop  }
__scs_overlays_trampoline_lowered:
0x8: {  	[smem:$0x3F9F] =	sst s0  }
0x9: {  	[smem:$0x3FA0] =	sst s1  }
0xa: {  	[smem:$0x3FA1] =	sst s2  }
0xb: {  	[smem:$0x3FA2] =	sst s3  }
0xc: {  	[smem:$0x3FA3] =	sst s4  }
0xd: {  	[smem:$0x3FA4] =	sst s5  }
0xe: {  	[smem:$0x3FA5] =	sst s6  }
0xf: {  	[smem:$0x3FA6] =	sst s7  }
0x10: {  	[smem:$0x3FA7] =	sst s8  }
0x11: {  	[smem:$0x3FA8] =	sst s9;
	s0 =	simm.s32 @!p0 $0x0  }
0x12: {  	s1 =	sld [smem:$0x3F8E];
	s0 =	simm.s32 @p0 $0x1  }
0x13: {  	[smem:$0x3FA9] =	sst s0;
	s0 =	simm.s32 @!p1 $0x0  }
0x14: {  	s2 =	sld [smem:$0x3F8D];
	s0 =	simm.s32 @p1 $0x1  }
0x15: {  	[smem:$0x3FAA] =	sst s0;
	s0 =	simm.s32 @!p2 $0x0  }
0x16: {  	s3 =	sld [smem:$0x3FDB];
	s0 =	simm.s32 @p2 $0x1  }
0x17: {  	s4 =	simm.s32 $0x1BF5;
	[smem:$0x3FAC] =	sst s0  }
0x18: {  	s0 =	sld [smem:$0x3F8F];
	_ =	swait.ge [sflag:s4], $0x0  }
0x19: {  	s7 =	sld [smem:$0x3F90]  }
0x1a: {  	s8 =	sadd.s32 $0xFFFFE003, lr  }
0x1b: {  	s9 =	sadd.s32 $0xFFFFFEF7, lr;
	s5 =	simm.s32 $0xFFFFFFFF;
	p2 =	slt.u32 s8, $0xFFFFF086  }
0x1c: {  	p1 =	slt.u32 s9, $0xF7A;
	s5 =	simm.s32 @!p2 $0x0  }
0x1d: {  	s5 =	simm.s32 @p1 $0x1;
	p0 =	seq.s32 s7, s2  }
0x1e: {  	s7 =	smul.u32 @!p0 $0xF7A, s2;
	p2 =	seq.s32 @!p0 s5, $0x0  }
0x1f: {  	s9 =	smul.u32 $0xF7A, s1;
	s8 =	simm.s32 @!p0 $0x1BF5;
	p2 =	por !p2, p0  }
0x20: {  	[sflag:s8] =	ssyncset.s32 @!p0 $0xFFFFF086;
	s6 =	sadd.s32 @!p0 s3, s7;
	s7 =	simm.s32 @!p0 $0x108  }
0x21: {  	s3 =	sadd.s32 s3, s9;
	s6 =	sadd.s32 @!p0 $0x88, s6;
	s7 =	simm.s32 @p2 $0x1082  }
0x22: {  	[simem:s7], [sflag:s8] =	dma.local @!p0 [hbm:s6], $0xF7A  }
0x23: {  	s9 =	sor.u32 $0xD0000000, s2;
	s6 =	simm.s32 $0x108;
	_ =	swait.ge @!p0 [sflag:s8], $0x0  }
0x24: {  	s3 =	sadd.s32 $0x88, s3;
	s6 =	simm.s32 @!p1 $0x1082;
	[sflag:s4] =	ssyncset.s32 $0xFFFFF086  }
0x25: {  	[simem:s6], [sflag:s4] =	dma.local [hbm:s3], $0xF7A  }
0x26: {  	[smem:$0x3F90] =	sst s1;
	(tag) =	ssettag s2;
	_ =	strace s9  }
0x27: {  	s1 =	sld [smem:$0x3FA0]  }
0x28: {  	s2 =	sld [smem:$0x3FA1]  }
0x29: {  	s4 =	sld [smem:$0x3FA3]  }
0x2a: {  	p0 =	seq.s32 s5, $0x0;
	s5 =	sld [smem:$0x3FA4]  }
0x2b: {  	s6 =	sld [smem:$0x3FA5]  }
0x2c: {  	s7 =	sld [smem:$0x3FA6]  }
0x2d: {  	s3 =	simm.s32 $0x108;
	s8 =	sld [smem:$0x3FA7]  }
0x2e: {  	s3 =	simm.s32 @!p0 $0x1082;
	s9 =	sld [smem:$0x3FA8]  }
0x2f: {  	lr =	sadd.s32 s0, s3;
	s0 =	sld [smem:$0x3F9F]  }
0x30: {  	s3 =	sld [smem:$0x3FA2]  }
0x31: {  	[smem:$0x3FAB] =	sst s10  }
0x32: {  	s10 =	sld [smem:$0x3FA9];
	_ =	sdelay $0x3  }
0x33: {  	p0 =	seq.s32 s10, $0x1;
	s10 =	sld [smem:$0x3FAB];
	_ =	sdelay $0x3  }
0x34: {  	[smem:$0x3FAB] =	sst s10  }
0x35: {  	s10 =	sld [smem:$0x3FAA];
	_ =	sdelay $0x3  }
0x36: {  	p1 =	seq.s32 s10, $0x1;
	s10 =	sld [smem:$0x3FAB];
	_ =	sdelay $0x3  }
0x37: {  	[smem:$0x3FAB] =	sst s10  }
0x38: {  	s10 =	sld [smem:$0x3FAC]  }
0x39: {  	_ = 	snop;
	(pc) =	sbr.ind lr, $3  }
0x3a: {  	_ = 	snop  }
0x3b: {  	_ = 	snop  }
0x3c: {  	p2 =	seq.s32 s10, $0x1;
	s10 =	sld [smem:$0x3FAB]  }
0x3d: {  	_ =	shalt  }
0x3e: {  	_ =	shalt  }
0x3f: {  	_ =	shalt  }
0x40: {  	_ =	shalt  }
0x41: {  	_ =	shalt  }
0x42: {  	_ =	shalt  }
0x43: {  	_ =	shalt  }
0x44: {  	_ =	shalt  }
0x45: {  	_ =	shalt  }
0x46: {  	_ =	shalt  }
0x47: {  	_ =	shalt  }
0x48: {  	_ =	shalt  }
0x49: {  	_ =	shalt  }
0x4a: {  	_ =	shalt  }
0x4b: {  	_ =	shalt  }
0x4c: {  	_ =	shalt  }
0x4d: {  	_ =	shalt  }
0x4e: {  	_ =	shalt  }
0x4f: {  	_ =	shalt  }
0x50: {  	_ =	shalt  }
0x51: {  	_ =	shalt  }
0x52: {  	_ =	shalt  }
0x53: {  	_ =	shalt  }
0x54: {  	_ =	shalt  }
0x55: {  	_ =	shalt  }
0x56: {  	_ =	shalt  }
0x57: {  	_ =	shalt  }
0x58: {  	_ =	shalt  }
0x59: {  	_ =	shalt  }
0x5a: {  	_ =	shalt  }
0x5b: {  	_ =	shalt  }
0x5c: {  	_ =	shalt  }
0x5d: {  	_ =	shalt  }
0x5e: {  	_ =	shalt  }
0x5f: {  	_ =	shalt  }
0x60: {  	_ =	shalt  }
0x61: {  	_ =	shalt  }
0x62: {  	_ =	shalt  }
0x63: {  	_ =	shalt  }
0x64: {  	_ =	shalt  }
0x65: {  	_ =	shalt  }
0x66: {  	_ =	shalt  }
0x67: {  	_ =	shalt  }
0x68: {  	_ =	shalt  }
0x69: {  	_ =	shalt  }
0x6a: {  	_ =	shalt  }
0x6b: {  	_ =	shalt  }
0x6c: {  	_ =	shalt  }
0x6d: {  	_ =	shalt  }
0x6e: {  	_ =	shalt  }
0x6f: {  	_ =	shalt  }
0x70: {  	_ =	shalt  }
0x71: {  	_ =	shalt  }
0x72: {  	_ =	shalt  }
0x73: {  	_ =	shalt  }
0x74: {  	_ =	shalt  }
0x75: {  	_ =	shalt  }
0x76: {  	_ =	shalt  }
0x77: {  	_ =	shalt  }
0x78: {  	_ =	shalt  }
0x79: {  	_ =	shalt  }
0x7a: {  	_ =	shalt  }
0x7b: {  	_ =	shalt  }
0x7c: {  	_ =	shalt  }
0x7d: {  	_ =	shalt  }
0x7e: {  	_ =	shalt  }
0x7f: {  	_ =	shalt  }
0x80: {  	_ =	shalt  }
0x81: {  	_ =	shalt  }
0x82: {  	_ =	shalt  }
0x83: {  	_ =	shalt  }
0x84: {  	_ =	shalt  }
0x85: {  	_ =	shalt  }
0x86: {  	_ =	shalt  }
0x87: {  	_ =	shalt  }
.Lfunc_end0:
.L_simem_size_0:
called_computation_lowered:
.L_overlay_start_0:
0x88: {  	s2 =	sld [smem:$0x3FD9]  }
0x89: {  	s3 =	sld [smem:$0x3FFE];
	_ =	sdelay $0x1  }
0x8a: {  	s1 =	srdreg.scid  }
0x8b: {  	s0 =	sand.u32 $0x1, s1  }
0x8c: {  	s17 =	sshll.u32 s0, $0xA;
	s2 =	sadd.s32 s3, s2  }
0x8d: {  	s2 =	sadd.s32 s2, s17  }
0x8e: {  	[smem:$0x3FB7] =	sst s2  }
0x8f: {  	_ = 	snop  }
0x90: {  	s2 =	sld [smem:$0x3FD0];
	(tm) =	ssettm $0x1  }
0x91: {  	s18 =	sld [smem:$0x3FFB];
	_ =	sdelay $0x3  }
0x92: {  	_ =	strace s18  }
0x93: {  	s3 =	sld [smem:$0x3FFC];
	_ =	sdelay $0x3  }
0x94: {  	_ =	strace s3  }
0x95: {  	s3 =	sld [smem:$0x3FFD];
	_ =	sdelay $0x3  }
0x96: {  	_ =	strace s3  }
0x97: {  	_ =	strace $0x8FFFFFFF  }
0x98: {  	s19 =	sld [smem:$0x3FDB];
	_ =	sdelay $0x1  }
0x99: {  	s4 =	simm.s32 $_scs_section_size  }
0x9a: {  	s5 =	simm.s32 $_size__tile_overlayer_lowered;
	s6 =	simm.s32 $_tile_overlayer_lowered  }
0x9b: {  	s22 =	simm.s32 $0x1BFF;
	s21 =	sshll.u32 s6, $0x1;
	s3 =	sadd.s32 s4, s19  }
0x9c: {  	s7 =	simm.s32 $0x0;
	s20 =	sshll.u32 s5, $0x1;
	s5 =	sadd.s32 s21, s3  }
0x9d: {  	[timem:s7], [sflag:s22] =	dma.local [hbm:s5], s20  }
0x9e: {  	_ =	swait.ge [sflag:s22], s20  }
0x9f: {  	s4 =	ssub.s32 $0x0, s20;
	[sflag:s22] =	ssyncset.done $0x0  }
0xa0: {  	[sflag:s22] =	ssyncadd.s32 s4;
	_ =	sdelay $0x1  }
0xa1: {  	s23 =	simm.s32 $0x1B8B  }
0xa2: {  	_ =	swait.ge [sflag:s23], $0x1  }
0xa3: {  	[sflag:s23] =	ssyncset.done $0x0  }
0xa4: {  	s25 =	simm.s32 $0x1B8E;
	s24 =	sld [smem:$0x3FFE];
	[sflag:s23] =	ssyncadd.s32 $0xFFFFFFFF  }
0xa5: {  	s26 =	simm.s32 $execute0_lowered;
	[smem:$0x3FD2] =	sst s25  }
0xa6: {  	s5 =	sshll.u32 s26, $0x1;
	_ =	strace $0x80000046;
	[dreg:$0x1] =	wrdreg $0xFFFFFFFF  }
0xa7: {  	s28 =	simm.s32 $_size_execute0_lowered;
	s3 =	sadd.s32 s3, s5;
	[dreg:$0x0] =	wrdreg $0x0  }
0xa8: {  	s5 =	sshll.u32 s28, $0x1;
	[dreg:$0x2] =	wrdreg s3  }
0xa9: {  	[dreg:$0x3] =	wrdreg s5  }
0xaa: {  	[dreg:$0x4] =	wrdreg $0xC0  }
0xab: {  	_ =	task [dreg:s7], $0x5FFFF  }
0xac: {  	[dreg:$0x1] =	wrdreg $0xFFFFFFFF  }
0xad: {  	[dreg:$0x0] =	wrdreg $0x60  }
0xae: {  	[dreg:$0x2] =	wrdreg s2  }
0xaf: {  	[dreg:$0x3] =	wrdreg s24  }
0xb0: {  	[dreg:$0x4] =	wrdreg $0x130B00  }
0xb1: {  	[dreg:$0x5] =	wrdreg $0x9  }
0xb2: {  	_ =	task.clear_ibuf [dreg:s7], $0x6FFFF;
	_ =	strace $0x90000046  }
0xb3: {  	s29 =	simm.s32 $0x9;
	_ =	strace $0x80000048  }
0xb4: {  	_ =	swait.ge [sflag:s29], $0x1  }
0xb5: {  	[sflag:s29] =	ssyncadd.s32 $0xFFFFFFFF  }
0xb6: {  	_ =	strace $0x90000048  }
0xb7: {  	_ =	sfence  }
0xb8: {  	s30 =	sld [smem:$0x0];
	_ =	sdelay $0x2  }
0xb9: {  	s31 =	sshll.u32 s1, $0xD;
	s1 =	sshrl.u32 s1, $0x2  }
0xba: {  	s3 =	sand.u32 $0x4000, s31;
	s1 =	sadd.s32 s1, s30  }
0xbb: {  	s0 =	sor.u32 s3, s0;
	s1 =	sshll.u32 s1, $0x11  }
0xbc: {  	s0 =	sor.u32 s1, s0  }
0xbd: {  	s0 =	sadd.s32 $0x8F2B, s0  }
0xbe: {  	[sflag:s0] =	ssyncadd.remote.s32 $0x1  }
0xbf: {  	_ =	sfence.sel $0xFFFF  }
0xc0: {  	[dreg:$0x0] =	wrdreg $0xFFFFFFFF;
	(pc) =	sbr.abs _section_cstart, $3  }
0xc1: {  	[dreg:$0x1] =	wrdreg $0xFFFFFFFF  }
0xc2: {  	_ =	task.clear_ibuf [dreg:s7], $0x2FFFF;
	_ =	strace $0x9FFFFFFF  }
0xc3: {  	(tm) =	ssettm $0x7FFFFFFF  }
tec
execute0_lowered:
.L_overlay_start_1:
0x0: {  	(tag) =	ssettag $0x1  }
0x1: {  	s1 =	rddreg [dreg:$0x0]  }
0x2: {  	s2 =	rddreg [dreg:$0x1]  }
0x3: {  	s3 =	rddreg [dreg:$0x2]  }
0x4: {  	s4 =	simm.s32 $0x0;
	s26 =	srdreg.scid;
	s8 =	stileid.u32  }
0x5: {  	s14 =	simm.s32 $0x9C40;
	s15 =	simm.s32 $0xA410;
	s17 =	simm.s32 $0x2  }
0x6: {  	s19 =	simm.s32 $0x7D0;
	s20 =	simm.s32 $0xC350;
	s21 =	simm.s32 $0xCB20  }
0x7: {  	s22 =	simm.s32 $0x1;
	s23 =	simm.s32 $0xEA60;
	s24 =	simm.s32 $0x11940  }
0x8: {  	s25 =	simm.s32 $0x1770;
	s28 =	simm.s32 $0x0;
	[smem:$0x7FF] =	sst s4  }
0x9: {  	s5 =	sadd.s32 $0x4E200, s2;
	s0 =	sadd.s32 $0x61E00, s2;
	s7 =	sadd.s32 $0x58000, s2  }
0xa: {  	s6 =	sadd.s32 $0x63200, s2;
	_ =	strace $0x80000047;
	[dreg:$0x4] =	wrdreg s0  }
0xb: {  	s10 =	sadd.s32 $0x64200, s2;
	s31 =	smul.u32 $0x2710, s8;
	[dreg:$0x5] =	wrdreg s6  }
0xc: {  	p0 =	sne.s32 s8, $0x0;
	s0 =	sand.u32 $0x1, s26;
	[dreg:$0x6] =	wrdreg s10  }
0xd: {  	v0 =	vimm.s32 $0x8000;
	v1 =	vimm.s32 $0x4000;
	v3 =	vimm.s32 $0x52741630;
	s18 =	sshrl.u32 @!p0 s3, $0x3;
	s26 =	simm.s32 $0x101D0;
	s29 =	smul.u32 $0xEA6, s0  }
0xe: {  	v2 =	vimm.s32 $0x1;
	v4 =	vimm.s32 $0x63052741;
	v5 =	vimm.s32 $0x74163052;
	s9 =	sshll.u32 s0, $0x4;
	s11 =	ssub.s32 $0x2, s0;
	s0 =	smul.u32 $0x27100, s0  }
0xf: {  	v6 =	vunpack.c.l.s4.s8 v3;
	v7 =	vunpack.c.l.s4.s8 v4;
	v8 =	vunpack.c.l.s4.s8 v5;
	s9 =	sor.u32 s8, s9;
	s12 =	sshrl.u32 s11, $0x1;
	s6 =	sadd.s32 s29, s2  }
0x10: {  	v3 =	vimm.s32 $0x4;
	v4 =	vimm.s32 $0x2;
	v5 =	vlaneseq.u32;
	s10 =	smul.u32 $0x2710, s9;
	s30 =	ssub.s32 s11, s12;
	s6 =	sadd.s32 $0x64400, s6  }
0x11: {  	v6 =	vunpack.c.0.s8.s32 v6;
	v7 =	vunpack.c.0.s8.s32 v7;
	v8 =	vunpack.c.0.s8.s32 v8;
	s8 =	sadd.s32 s31, s0;
	s12 =	smax.u32 s30, $0x1;
	[dreg:$0x7] =	wrdreg s6  }
.LBB2_1:
0x12: {  	s0 =	rddreg [dreg:$0x6];
	s6 =	simm.s32 $0x13808  }
0x13: {  	[tilespmem:s6], [sflag:$0x2] =	stream.linear.gather [hbm4b:s0+s4], $0x1, $0x38;
	[tilespmem:$0x13818] =	vst v63  }
0x14: {  	_ =	swait.ge [sflag:s17], $0x1  }
0x15: {  	[sflag:s17] =	ssyncset.done $0x0  }
0x16: {  	[sflag:s17] =	ssyncadd.s32 $0xFFFFFFFF  }
0x17: {  	v9 =	vld [tilespmem:$0x13808];
	_ =	sdelay $0x4  }
0x18: {  	(v2sf) =	vpush v9, $0x0;
	_ =	sdelay $0xc  }
0x19: {  	s29 =	rddreg [dreg:$0x4]  }
0x1a: {  	[tilespmem:s4], [sflag:$0x2] =	stream.linear.gather [hbm4b:s29+s4], $0x9C40, $0x38;
	[tilespmem:$0x13818] =	vst v63  }
0x1b: {  	s16 =	spop (v2sf)  }
0x1c: {  	_ =	swait.ge [sflag:s17], $0x9C40  }
0x1d: {  	[sflag:s17] =	ssyncset.done $0x0  }
0x1e: {  	s6 =	simm.s32 @!p0 $0x1C02;
	s9 =	rddreg [dreg:$0x5];
	[sflag:s17] =	ssyncadd.s32 $0xFFFF63C0  }
0x1f: {  	[spmem:s18], [sflag:s6] =	dma.local @!p0 [hbm:s9], $0xEA6  }
0x20: {  	s6 =	simm.s32 @!p0 $0x2  }
0x21: {  	_ =	swait.ge @!p0 [sflag:s6], $0xEA6  }
0x22: {  	[sflag:s6] =	ssyncset.done @!p0 $0x0  }
0x23: {  	v9 =	vbroadcast v9, $0x0;
	s31 =	sshll.u32 s16, $0x2;
	s0 =	sshll.u32 s16, $0x1;
	[sflag:s6] =	ssyncadd.s32 @!p0 $0xFFFFF15A  }
0x24: {  	s30 =	simm.s32 $0x0;
	s16 =	smov.u32 s8;
	v10 =	vmov s31;
	v11 =	vmov s0;
	[bflag:$0x0] =	sbarrier.arrive $0xFFFF  }
.LBB2_2:
0x25: {  	s0 =	smul.u32 $0x7D0, s30;
	_ =	sdelay $0x1  }
0x26: {  	s0 =	sadd.s32 s10, s0  }
0x27: {  	s0 =	sshrl.u32 s0, $0x3  }
0x28: {  	s31 =	simm.s32 $0x0;
	s6 =	sadd.s32 s1, s0  }
0x29: {  	[tilespmem:s14], [sflag:$0x2] =	stream.linear.gather [hbm4b:s6+s31], $0x7D0, $0x38;
	[tilespmem:$0x13818] =	vst v63  }
0x2a: {  	_ =	swait.ge [sflag:s17], $0x7D0  }
0x2b: {  	[sflag:s17] =	ssyncset.done $0x0  }
0x2c: {  	s0 =	sadd.s32 s5, s0;
	[sflag:s17] =	ssyncadd.s32 $0xFFFFF830  }
0x2d: {  	[tilespmem:s15], [sflag:$0x2] =	stream.linear.gather [hbm4b:s0+s31], $0x7D0, $0x38;
	[tilespmem:$0x13818] =	vst v63  }
0x2e: {  	_ =	swait.ge [sflag:s17], $0x7D0  }
0x2f: {  	[sflag:s17] =	ssyncset.done $0x0  }
0x30: {  	[sflag:s17] =	ssyncadd.s32 $0xFFFFF830  }
.LBB2_3:
0x31: {  	s0 =	sshra.s32 s31, $0x2  }
0x32: {  	v12 =	vld [tilespmem:s0+$0x9C40];
	_ =	sdelay $0x1  }
0x33: {  	v13 =	vld [tilespmem:s0+$0xA410]  }
0x34: {  	v14 =	vld.idx.msk [tilespmem:v0+s4+$0x0], $0xffff;
	_ =	sdelay $0x1  }
0x35: {  	v12 =	vmul.u32 v9, v12;
	_ =	sdelay $0x1  }
0x36: {  	v12 =	vadd.s32 v13, v12  }
0x37: {  	vm0 =	vlt.s32 v14, v12  }
0x38: {  	v18 =	vsel vm0, $0xC000, v1  }
0x39: {  	v19 =	vmin.u32 v18, $0x9C3F;
	_ =	sdelay $0x4  }
0x3a: {  	v14 =	vld.idx.msk [tilespmem:v19+s4+$0x0], $0xffff;
	_ =	sdelay $0x4  }
0x3b: {  	vm1 =	vlt.s32 v14, v12  }
0x3c: {  	v13 =	vor.u32 $0x1, v18;
	v14 =	vsel vm1, $0x8000, v1  }
0x3d: {  	v13 =	vnsel vm1, $0x0, v13;
	v14 =	vsel vm0, $0xC000, v14  }
0x3e: {  	v13 =	vsel vm0, $0x8001, v13;
	v15 =	vadd.s32 $0xFFFFFFFF, v14  }
0x3f: {  	v16 =	vxor.u32 v15, v13  }
0x40: {  	v15 =	vor.u32 v15, v13;
	v16 =	vshrl.u32 v16, $0x1  }
0x41: {  	v15 =	vsub.s32 v15, v16  }
0x42: {  	v16 =	vmin.u32 v15, $0x9C3F;
	_ =	sdelay $0x4  }
0x43: {  	v16 =	vld.idx.msk [tilespmem:v16+s4+$0x0], $0xffff;
	_ =	sdelay $0x3  }
0x44: {  	v17 =	vadd.s32 v14, v13  }
0x45: {  	vm11 =	vlt.u32 v17, $0x13880;
	vm10 =	vlt.s32 v16, v12  }
0x46: {  	v20 =	vor.u32 $0x1, v15;
	vm0 =	vmand vm10, vm11  }
0x47: {  	v13 =	vsel vm0, v20, v13;
	v14 =	vsel vm0, v14, v15  }
0x48: {  	v15 =	vadd.s32 v14, v13  }
0x49: {  	v21 =	vshrl.u32 v15, $0x1  }
0x4a: {  	v22 =	vmin.u32 v21, $0x9C3F;
	_ =	sdelay $0x4  }
0x4b: {  	v17 =	vld.idx.msk [tilespmem:v22+s4+$0x0], $0xffff;
	_ =	sdelay $0x4  }
0x4c: {  	vm13 =	vlt.u32 v15, $0x13880;
	vm12 =	vlt.s32 v17, v12  }
0x4d: {  	v23 =	vadd.s32 $0x1, v21;
	vm0 =	vmand vm12, vm13  }
0x4e: {  	v13 =	vsel vm0, v23, v13;
	v14 =	vsel vm0, v14, v21  }
0x4f: {  	v15 =	vadd.s32 v14, v13  }
0x50: {  	v24 =	vshrl.u32 v15, $0x1  }
0x51: {  	v25 =	vmin.u32 v24, $0x9C3F;
	_ =	sdelay $0x4  }
0x52: {  	v17 =	vld.idx.msk [tilespmem:v25+s4+$0x0], $0xffff;
	_ =	sdelay $0x4  }
0x53: {  	vm15 =	vlt.u32 v15, $0x13880;
	vm14 =	vlt.s32 v17, v12  }
0x54: {  	v26 =	vadd.s32 $0x1, v24;
	vm0 =	vmand vm14, vm15  }
0x55: {  	v13 =	vsel vm0, v26, v13;
	v14 =	vsel vm0, v14, v24  }
0x56: {  	v15 =	vadd.s32 v14, v13  }
0x57: {  	v27 =	vshrl.u32 v15, $0x1  }
0x58: {  	v28 =	vmin.u32 v27, $0x9C3F;
	_ =	sdelay $0x4  }
0x59: {  	v17 =	vld.idx.msk [tilespmem:v28+s4+$0x0], $0xffff;
	_ =	sdelay $0x4  }
0x5a: {  	vm5 =	vlt.u32 v15, $0x13880;
	vm4 =	vlt.s32 v17, v12  }
0x5b: {  	v29 =	vadd.s32 $0x1, v27;
	vm0 =	vmand vm4, vm5  }
0x5c: {  	v13 =	vsel vm0, v29, v13;
	v14 =	vsel vm0, v14, v27  }
0x5d: {  	v15 =	vadd.s32 v14, v13  }
0x5e: {  	v30 =	vshrl.u32 v15, $0x1  }
0x5f: {  	v31 =	vmin.u32 v30, $0x9C3F;
	_ =	sdelay $0x4  }
0x60: {  	v17 =	vld.idx.msk [tilespmem:v31+s4+$0x0], $0xffff;
	_ =	sdelay $0x4  }
0x61: {  	vm7 =	vlt.u32 v15, $0x13880;
	vm6 =	vlt.s32 v17, v12  }
0x62: {  	v32 =	vadd.s32 $0x1, v30;
	vm0 =	vmand vm6, vm7  }
0x63: {  	v13 =	vsel vm0, v32, v13;
	v14 =	vsel vm0, v14, v30  }
0x64: {  	v15 =	vadd.s32 v14, v13  }
0x65: {  	v33 =	vshrl.u32 v15, $0x1  }
0x66: {  	v34 =	vmin.u32 v33, $0x9C3F;
	_ =	sdelay $0x4  }
0x67: {  	v17 =	vld.idx.msk [tilespmem:v34+s4+$0x0], $0xffff;
	_ =	sdelay $0x4  }
0x68: {  	vm9 =	vlt.u32 v15, $0x13880;
	vm8 =	vlt.s32 v17, v12  }
0x69: {  	v35 =	vadd.s32 $0x1, v33;
	vm0 =	vmand vm8, vm9  }
0x6a: {  	v13 =	vsel vm0, v35, v13;
	v14 =	vsel vm0, v14, v33  }
0x6b: {  	v15 =	vadd.s32 v14, v13  }
0x6c: {  	v36 =	vshrl.u32 v15, $0x1  }
0x6d: {  	v37 =	vmin.u32 v36, $0x9C3F;
	_ =	sdelay $0x4  }
0x6e: {  	v17 =	vld.idx.msk [tilespmem:v37+s4+$0x0], $0xffff;
	_ =	sdelay $0x4  }
0x6f: {  	vm11 =	vlt.u32 v15, $0x13880;
	vm10 =	vlt.s32 v17, v12  }
0x70: {  	v38 =	vadd.s32 $0x1, v36;
	vm0 =	vmand vm10, vm11  }
0x71: {  	v13 =	vsel vm0, v38, v13;
	v14 =	vsel vm0, v14, v36  }
0x72: {  	v15 =	vadd.s32 v14, v13  }
0x73: {  	v39 =	vshrl.u32 v15, $0x1  }
0x74: {  	v40 =	vmin.u32 v39, $0x9C3F;
	_ =	sdelay $0x4  }
0x75: {  	v17 =	vld.idx.msk [tilespmem:v40+s4+$0x0], $0xffff;
	_ =	sdelay $0x4  }
0x76: {  	vm13 =	vlt.u32 v15, $0x13880;
	vm12 =	vlt.s32 v17, v12  }
0x77: {  	v41 =	vadd.s32 $0x1, v39;
	vm0 =	vmand vm12, vm13  }
0x78: {  	v13 =	vsel vm0, v41, v13;
	v14 =	vsel vm0, v14, v39  }
0x79: {  	v15 =	vadd.s32 v14, v13  }
0x7a: {  	v42 =	vshrl.u32 v15, $0x1  }
0x7b: {  	v43 =	vmin.u32 v42, $0x9C3F;
	_ =	sdelay $0x4  }
0x7c: {  	v17 =	vld.idx.msk [tilespmem:v43+s4+$0x0], $0xffff;
	_ =	sdelay $0x4  }
0x7d: {  	vm15 =	vlt.u32 v15, $0x13880;
	vm14 =	vlt.s32 v17, v12  }
0x7e: {  	v44 =	vadd.s32 $0x1, v42;
	vm0 =	vmand vm14, vm15  }
0x7f: {  	v13 =	vsel vm0, v44, v13;
	v14 =	vsel vm0, v14, v42  }
0x80: {  	v15 =	vadd.s32 v14, v13  }
0x81: {  	v45 =	vshrl.u32 v15, $0x1  }
0x82: {  	v46 =	vmin.u32 v45, $0x9C3F;
	_ =	sdelay $0x4  }
0x83: {  	v17 =	vld.idx.msk [tilespmem:v46+s4+$0x0], $0xffff;
	_ =	sdelay $0x4  }
0x84: {  	vm5 =	vlt.u32 v15, $0x13880;
	vm4 =	vlt.s32 v17, v12  }
0x85: {  	v47 =	vadd.s32 $0x1, v45;
	vm0 =	vmand vm4, vm5  }
0x86: {  	v13 =	vsel vm0, v47, v13;
	v14 =	vsel vm0, v14, v45  }
0x87: {  	v15 =	vadd.s32 v14, v13  }
0x88: {  	v48 =	vshrl.u32 v15, $0x1  }
0x89: {  	v49 =	vmin.u32 v48, $0x9C3F;
	_ =	sdelay $0x4  }
0x8a: {  	v17 =	vld.idx.msk [tilespmem:v49+s4+$0x0], $0xffff;
	_ =	sdelay $0x4  }
0x8b: {  	vm7 =	vlt.u32 v15, $0x13880;
	vm6 =	vlt.s32 v17, v12  }
0x8c: {  	v50 =	vadd.s32 $0x1, v48;
	vm0 =	vmand vm6, vm7  }
0x8d: {  	v13 =	vsel vm0, v50, v13;
	v14 =	vsel vm0, v14, v48  }
0x8e: {  	v15 =	vadd.s32 v14, v13  }
0x8f: {  	v51 =	vshrl.u32 v15, $0x1  }
0x90: {  	v52 =	vmin.u32 v51, $0x9C3F;
	_ =	sdelay $0x4  }
0x91: {  	v17 =	vld.idx.msk [tilespmem:v52+s4+$0x0], $0xffff;
	_ =	sdelay $0x4  }
0x92: {  	vm9 =	vlt.u32 v15, $0x13880;
	vm8 =	vlt.s32 v17, v12  }
0x93: {  	v53 =	vadd.s32 $0x1, v51;
	vm0 =	vmand vm8, vm9  }
0x94: {  	v13 =	vsel vm0, v53, v13;
	v14 =	vsel vm0, v14, v51  }
0x95: {  	v15 =	vadd.s32 v14, v13  }
0x96: {  	v54 =	vshrl.u32 v15, $0x1  }
0x97: {  	v55 =	vmin.u32 v54, $0x9C3F;
	_ =	sdelay $0x4  }
0x98: {  	v17 =	vld.idx.msk [tilespmem:v55+s4+$0x0], $0xffff;
	_ =	sdelay $0x4  }
0x99: {  	vm11 =	vlt.u32 v15, $0x13880;
	vm10 =	vlt.s32 v17, v12  }
0x9a: {  	v56 =	vadd.s32 $0x1, v54;
	vm0 =	vmand vm10, vm11  }
0x9b: {  	v13 =	vsel vm0, v56, v13;
	v14 =	vsel vm0, v14, v54  }
0x9c: {  	v15 =	vadd.s32 v14, v13  }
0x9d: {  	v57 =	vshrl.u32 v15, $0x1  }
0x9e: {  	v58 =	vmin.u32 v57, $0x9C3F;
	_ =	sdelay $0x4  }
0x9f: {  	v17 =	vld.idx.msk [tilespmem:v58+s4+$0x0], $0xffff;
	_ =	sdelay $0x4  }
0xa0: {  	vm13 =	vlt.u32 v15, $0x13880;
	vm12 =	vlt.s32 v17, v12  }
0xa1: {  	v59 =	vadd.s32 $0x1, v57;
	vm0 =	vmand vm12, vm13  }
0xa2: {  	v13 =	vsel vm0, v59, v13;
	v14 =	vsel vm0, v14, v57  }
0xa3: {  	v14 =	vadd.s32 v14, v13  }
0xa4: {  	v60 =	vshrl.u32 v14, $0x1  }
0xa5: {  	v61 =	vmin.u32 v60, $0x9C3F;
	_ =	sdelay $0x4  }
0xa6: {  	v16 =	vld.idx.msk [tilespmem:v61+s4+$0x0], $0xffff;
	_ =	sdelay $0x4  }
0xa7: {  	vm15 =	vlt.u32 v14, $0x13880;
	vm14 =	vlt.s32 v16, v12  }
0xa8: {  	p1 =	sne.s32 s31, $0x1F00;
	v62 =	vadd.s32 $0x1, v60;
	vm0 =	vmand vm14, vm15  }
.Ltmp0:
0xa9: {  	v12 =	vsel vm0, v62, v13;
	(pc) =	sbr.rel @p1 .LBB2_3-.Ltmp0, $4  }
0xaa: {  	v13 =	vmax.u32 v12, $0x1  }
0xab: {  	v13 =	vshll.u32 v13, $0x3  }
0xac: {  	[tilespmem:s0+$0xABE0] =	vst v12;
	v63 =	vadd.s32 $0xFFFFFFFC, v13  }
0xad: {  	s31 =	sadd.s32 $0x40, s31;
	[tilespmem:s0+$0xC350] =	vst v63  }
0xae: {  	[tilespmem:s21], [sflag:$0x1] =	stream.indirect.gather [hbm4b:s7+s19], $0x1, s20, s19, $0xb8;
	[tilespmem:$0x13818] =	vst v63  }
0xaf: {  	_ =	swait.ge [sflag:s22], $0x7D0  }
0xb0: {  	[sflag:s22] =	ssyncset.done $0x0  }
0xb1: {  	s6 =	simm.s32 $0x0;
	[sflag:s22] =	ssyncadd.s32 $0xFFFFF830  }
0xb2: {  	v12 =	vld [tilespmem:s6+$0x9C40]  }
0xb3: {  	v13 =	vld [tilespmem:s6+$0xABE0]  }
0xb4: {  	v15 =	vld [tilespmem:s6+$0xA410]  }
0xb5: {  	v16 =	vld [tilespmem:s6+$0xCB20];
	_ =	sdelay $0x1  }
0xb6: {  	s0 =	simm.s32 $0x10;
	v17 =	vmul.u32 v9, v12  }
0xb7: {  	v12 =	vld [tilespmem:s0+$0x9C40];
	v13 =	vadd.s32 $0xFFFFFFFF, v13  }
0xb8: {  	v14 =	vld [tilespmem:s0+$0xABE0];
	vm0 =	vgt.s32 v13, $0x0;
	v17 =	vadd.s32 v15, v17  }
0xb9: {  	v15 =	vld [tilespmem:s0+$0xA410];
	v18 =	vnsel vm0, $0x0, v13;
	vm15 =	vlt.s32 v16, v17  }
0xba: {  	v13 =	vld [tilespmem:s0+$0xCB20];
	v17 =	vshll.u32 v18, $0x3;
	v18 =	vsel vm15, $0x5, v2;
	v19 =	vsel vm15, $0x6, v4  }
0xbb: {  	s9 =	simm.s32 $0x80;
	v16 =	vsel vm15, $0x8, v3;
	[tilespmem:s6+$0xB3B0] =	vst v18;
	v17 =	vor.u32 v19, v17  }
.LBB2_5:
0xbc: {  	s13 =	sshra.s32 s9, $0x2;
	p1 =	sne.s32 s9, $0x1F00;
	s9 =	sadd.s32 $0x40, s9;
	v18 =	vmul.u32 v9, v12;
	[tilespmem:s6+$0xC350] =	vst v17  }
.Ltmp1:
0xbd: {  	v12 =	vld [tilespmem:s13+$0x9C40];
	v17 =	vadd.s32 $0xFFFFFFFF, v14;
	[tilespmem:s6+$0xBB80] =	vst v16;
	s6 =	smov.u32 s0;
	s0 =	smov.u32 s13;
	(pc) =	sbr.rel @p1 .LBB2_5-.Ltmp1, $4  }
0xbe: {  	v14 =	vld [tilespmem:s0+$0xABE0];
	v16 =	vadd.s32 v15, v18;
	vm0 =	vgt.s32 v17, $0x0  }
0xbf: {  	v15 =	vld [tilespmem:s0+$0xA410];
	v17 =	vnsel vm0, $0x0, v17;
	vm0 =	vlt.s32 v13, v16  }
0xc0: {  	v13 =	vld [tilespmem:s0+$0xCB20];
	v17 =	vshll.u32 v17, $0x3;
	v18 =	vsel vm0, $0x5, v2;
	v19 =	vsel vm0, $0x6, v4  }
0xc1: {  	v16 =	vsel vm0, $0x8, v3;
	[tilespmem:s6+$0xB3B0] =	vst v18;
	v17 =	vor.u32 v19, v17  }
0xc2: {  	v12 =	vmul.u32 v9, v12  }
0xc3: {  	v14 =	vadd.s32 $0xFFFFFFFF, v14  }
0xc4: {  	v12 =	vadd.s32 v15, v12;
	vm0 =	vgt.s32 v14, $0x0  }
0xc5: {  	[tilespmem:s6+$0xC350] =	vst v17;
	v14 =	vnsel vm0, $0x0, v14;
	vm15 =	vlt.s32 v13, v12  }
0xc6: {  	[tilespmem:s6+$0xBB80] =	vst v16;
	v12 =	vshll.u32 v14, $0x3;
	v13 =	vsel vm15, $0x5, v2;
	v14 =	vsel vm15, $0x6, v4  }
0xc7: {  	[tilespmem:s0+$0xB3B0] =	vst v13;
	v12 =	vor.u32 v14, v12  }
0xc8: {  	v13 =	vsel vm15, $0x8, v3;
	[tilespmem:s0+$0xC350] =	vst v12  }
0xc9: {  	[tilespmem:s0+$0xBB80] =	vst v13  }
0xca: {  	[tilespmem:s21], [sflag:$0x1] =	stream.indirect.gather [hbm4b:s7+s19], $0x1, s20, s19, $0xb8;
	[tilespmem:$0x13818] =	vst v63  }
0xcb: {  	_ =	swait.ge [sflag:s22], $0x7D0  }
0xcc: {  	[sflag:s22] =	ssyncset.done $0x0  }
0xcd: {  	s0 =	simm.s32 $0x0;
	[sflag:s22] =	ssyncadd.s32 $0xFFFFF830  }
0xce: {  	v14 =	vld [tilespmem:s0+$0x9C40]  }
0xcf: {  	v16 =	vld [tilespmem:s0+$0xA410]  }
0xd0: {  	v13 =	vld [tilespmem:s0+$0xBB80]  }
0xd1: {  	v12 =	vld [tilespmem:s0+$0xB3B0]  }
0xd2: {  	v15 =	vld [tilespmem:s0+$0xCB20]  }
0xd3: {  	v17 =	vmul.u32 v9, v14;
	v14 =	vld [tilespmem:s0+$0xABE0];
	_ =	sdelay $0x2  }
0xd4: {  	s6 =	simm.s32 $0x40;
	s9 =	simm.s32 $0x80;
	v16 =	vadd.s32 v16, v17;
	v17 =	vadd.s32 v12, v13  }
.LBB2_7:
0xd5: {  	p1 =	sne.s32 s9, $0x1F00;
	s13 =	sshra.s32 s6, $0x2;
	v17 =	vshra.s32 v17, $0x1;
	vm0 =	vlt.s32 v15, v16;
	s6 =	smov.u32 s9  }
0xd6: {  	v16 =	vld [tilespmem:s13+$0xA410];
	v14 =	vadd.s32 $0xFFFFFFFF, v14;
	v15 =	vadd.s32 $0x1, v17;
	v17 =	vsel vm0, v13, v17  }
0xd7: {  	v18 =	vld [tilespmem:s13+$0x9C40];
	vm1 =	vgt.s32 v14, $0x0;
	v12 =	vsel vm0, v15, v12;
	[tilespmem:s0+$0xBB80] =	vst v17  }
0xd8: {  	v13 =	vld [tilespmem:s13+$0xBB80];
	v14 =	vnsel vm1, $0x0, v14;
	[tilespmem:s0+$0xB3B0] =	vst v12;
	v15 =	vadd.s32 v17, v12  }
0xd9: {  	v12 =	vld [tilespmem:s13+$0xB3B0];
	v14 =	vshll.u32 v14, $0x3;
	v17 =	vshra.s32 v15, $0x1  }
.Ltmp2:
0xda: {  	v15 =	vld [tilespmem:s13+$0xCB20];
	v17 =	vadd.s32 v14, v17;
	(pc) =	sbr.rel @p1 .LBB2_7-.Ltmp2, $3  }
0xdb: {  	v14 =	vld [tilespmem:s13+$0xABE0];
	[tilespmem:s0+$0xC350] =	vst v17;
	s0 =	smov.u32 s13  }
0xdc: {  	v17 =	vmul.u32 v9, v18;
	_ =	sdelay $0x1  }
0xdd: {  	s9 =	sadd.s32 $0x40, s9;
	v16 =	vadd.s32 v16, v17;
	v17 =	vadd.s32 v12, v13  }
0xde: {  	s6 =	sshra.s32 s6, $0x2;
	v17 =	vshra.s32 v17, $0x1;
	vm0 =	vlt.s32 v15, v16  }
0xdf: {  	v15 =	vld [tilespmem:s6+$0xA410];
	v13 =	vsel vm0, v13, v17;
	v17 =	vadd.s32 $0x1, v17  }
0xe0: {  	v16 =	vld [tilespmem:s6+$0x9C40];
	[tilespmem:s0+$0xBB80] =	vst v13;
	v12 =	vsel vm0, v17, v12  }
0xe1: {  	v17 =	vld [tilespmem:s6+$0xBB80];
	[tilespmem:s0+$0xB3B0] =	vst v12  }
0xe2: {  	v18 =	vld [tilespmem:s6+$0xB3B0]  }
0xe3: {  	v19 =	vld [tilespmem:s6+$0xCB20]  }
0xe4: {  	v14 =	vadd.s32 $0xFFFFFFFF, v14;
	v20 =	vld [tilespmem:s6+$0xABE0]  }
0xe5: {  	vm10 =	vgt.s32 v14, $0x0  }
0xe6: {  	v14 =	vnsel vm10, $0x0, v14;
	v12 =	vadd.s32 v13, v12;
	v13 =	vmul.u32 v9, v16  }
0xe7: {  	v14 =	vshll.u32 v14, $0x3;
	v12 =	vshra.s32 v12, $0x1;
	v16 =	vadd.s32 v18, v17  }
0xe8: {  	v12 =	vadd.s32 v14, v12;
	v13 =	vadd.s32 v15, v13;
	v14 =	vshra.s32 v16, $0x1  }
0xe9: {  	vm11 =	vlt.s32 v19, v13;
	v13 =	vadd.s32 $0xFFFFFFFF, v20;
	v15 =	vadd.s32 $0x1, v14  }
0xea: {  	vm1 =	vgt.s32 v13, $0x0;
	v14 =	vsel vm11, v17, v14;
	v15 =	vsel vm11, v15, v18  }
0xeb: {  	[tilespmem:s0+$0xC350] =	vst v12;
	v12 =	vnsel vm1, $0x0, v13;
	v13 =	vadd.s32 v14, v15  }
0xec: {  	[tilespmem:s6+$0xBB80] =	vst v14;
	v12 =	vshll.u32 v12, $0x3;
	v13 =	vshra.s32 v13, $0x1  }
0xed: {  	[tilespmem:s6+$0xB3B0] =	vst v15;
	v12 =	vadd.s32 v12, v13  }
0xee: {  	[tilespmem:s6+$0xC350] =	vst v12  }
0xef: {  	[tilespmem:s21], [sflag:$0x1] =	stream.indirect.gather [hbm4b:s7+s19], $0x1, s20, s19, $0xb8;
	[tilespmem:$0x13818] =	vst v63  }
0xf0: {  	_ =	swait.ge [sflag:s22], $0x7D0  }
0xf1: {  	[sflag:s22] =	ssyncset.done $0x0  }
0xf2: {  	s0 =	simm.s32 $0x0;
	[sflag:s22] =	ssyncadd.s32 $0xFFFFF830  }
0xf3: {  	v16 =	vld [tilespmem:s0+$0xABE0]  }
0xf4: {  	v15 =	vld [tilespmem:s0+$0xB3B0]  }
0xf5: {  	v13 =	vld [tilespmem:s0+$0xBB80]  }
0xf6: {  	v17 =	vld [tilespmem:s0+$0x9C40]  }
0xf7: {  	v18 =	vld [tilespmem:s0+$0xCB20]  }
0xf8: {  	s13 =	simm.s32 $0x10;
	v20 =	vld [tilespmem:s0+$0xA410]  }
0xf9: {  	v12 =	vld [tilespmem:s13+$0xABE0]  }
0xfa: {  	v14 =	vld [tilespmem:s13+$0xB3B0]  }
0xfb: {  	v23 =	vld [tilespmem:s13+$0x9C40];
	v17 =	vmul.u32 v9, v17  }
0xfc: {  	v21 =	vld [tilespmem:s13+$0xBB80];
	v22 =	vadd.s32 $0xFFFFFFFF, v16;
	v13 =	vadd.s32 v15, v13  }
0xfd: {  	v19 =	vld [tilespmem:s13+$0xCB20];
	vm12 =	vgt.s32 v22, $0x0;
	v13 =	vshra.s32 v13, $0x1;
	v17 =	vadd.s32 v20, v17  }
0xfe: {  	s6 =	simm.s32 $0x20;
	v20 =	vnsel vm12, $0x0, v22;
	v22 =	vld [tilespmem:s13+$0xA410];
	vm13 =	vlt.s32 v18, v17;
	v17 =	vadd.s32 $0x1, v13  }
0xff: {  	v13 =	vld [tilespmem:s6+$0xABE0];
	v18 =	vshll.u32 v20, $0x3;
	v17 =	vsel vm13, v17, v15  }
0x100: {  	vm14 =	veq.s32 v16, $0x0;
	v23 =	vmul.u32 v9, v23;
	v15 =	vld [tilespmem:s6+$0xB3B0];
	v17 =	vadd.s32 v17, v18  }
0x101: {  	v16 =	vld [tilespmem:s6+$0xBB80];
	v21 =	vadd.s32 v14, v21;
	v20 =	vadd.s32 $0xFFFFFFFF, v12;
	v17 =	vsub.s32 $0x0, v17  }
0x102: {  	v21 =	vshra.s32 v21, $0x1;
	vm15 =	vgt.s32 v20, $0x0;
	v18 =	vld [tilespmem:s6+$0x9C40];
	v24 =	vsel vm14, $0x0, v17  }
0x103: {  	s31 =	simm.s32 $0x0;
	s9 =	simm.s32 $0xC0;
	s29 =	smov.u32 s16;
	v17 =	vld [tilespmem:s6+$0xCB20];
	v23 =	vadd.s32 v22, v23;
	v22 =	vnsel vm15, $0x0, v20;
	v20 =	vadd.s32 s16, v24  }
.LBB2_9:
0x104: {  	s11 =	sshra.s32 s9, $0x2;
	v24 =	vld [tilespmem:s6+$0xA410];
	vm0 =	vlt.s32 v19, v23;
	v19 =	vadd.s32 $0x1, v21;
	v20 =	vadd.s32 v5, v20;
	v21 =	vmovc v13;
	p1 =	sne.s32 s9, $0x1F00  }
.Ltmp3:
0x105: {  	v22 =	vshll.u32 v22, $0x3;
	v13 =	vld [tilespmem:s11+$0xABE0];
	v19 =	vsel vm0, v19, v14;
	[tilespmem:s0+$0xD2F0] =	vst v20;
	v14 =	vmov v15;
	s0 =	smov.u32 s13;
	s13 =	smov.u32 s6;
	(pc) =	sbr.rel @p1 .LBB2_9-.Ltmp3, $4  }
0x106: {  	v20 =	vadd.s32 $0xFFFFFFFF, v21;
	vm0 =	veq.s32 v12, $0x0;
	v12 =	vmovc v21;
	s6 =	smov.u32 s11;
	v15 =	vld [tilespmem:s11+$0xB3B0];
	v26 =	vadd.s32 v19, v22  }
0x107: {  	s9 =	sadd.s32 $0x40, s9;
	v21 =	vadd.s32 v14, v16;
	v22 =	vmul.u32 v9, v18;
	v16 =	vld [tilespmem:s6+$0xBB80];
	v23 =	vsub.s32 $0x0, v26  }
0x108: {  	s29 =	sadd.s32 $0x10, s29;
	vm1 =	vgt.s32 v20, $0x0;
	v21 =	vshra.s32 v21, $0x1;
	v18 =	vld [tilespmem:s6+$0x9C40];
	v25 =	vsel vm0, $0x0, v23;
	v19 =	vmovc v17  }
0x109: {  	v17 =	vld [tilespmem:s6+$0xCB20];
	v23 =	vadd.s32 v24, v22;
	v22 =	vnsel vm1, $0x0, v20;
	v20 =	vadd.s32 s29, v25  }
0x10a: {  	v24 =	vld [tilespmem:s6+$0xA410];
	_ =	sdelay $0x1  }
0x10b: {  	vm0 =	vlt.s32 v19, v23  }
0x10c: {  	v54 =	vadd.s32 $0x1, v21;
	v55 =	vshll.u32 v22, $0x3;
	v18 =	vmul.u32 v9, v18  }
0x10d: {  	v56 =	vadd.s32 $0xFFFFFFFF, v13;
	v14 =	vsel vm0, v54, v14;
	v16 =	vadd.s32 v15, v16  }
0x10e: {  	vm12 =	vgt.s32 v56, $0x0;
	v16 =	vshra.s32 v16, $0x1;
	v18 =	vadd.s32 v24, v18  }
0x10f: {  	v19 =	vnsel vm12, $0x0, v56;
	v16 =	vadd.s32 $0x1, v16;
	vm13 =	vlt.s32 v17, v18  }
0x110: {  	v14 =	vadd.s32 v14, v55;
	v57 =	vshll.u32 v19, $0x3;
	v58 =	vsel vm13, v16, v15  }
0x111: {  	vm14 =	veq.s32 v12, $0x0;
	v59 =	vsub.s32 $0x0, v14;
	v60 =	vadd.s32 v58, v57  }
0x112: {  	s9 =	sadd.s32 $0x10, s29;
	vm15 =	veq.s32 v13, $0x0;
	v12 =	vsel vm14, $0x0, v59;
	v61 =	vsub.s32 $0x0, v60  }
0x113: {  	v62 =	vadd.s32 v5, v20;
	v12 =	vadd.s32 s9, v12;
	s9 =	sadd.s32 $0x10, s9;
	v13 =	vsel vm15, $0x0, v61  }
0x114: {  	[tilespmem:s0+$0xD2F0] =	vst v62;
	v12 =	vadd.s32 v5, v12;
	v13 =	vadd.s32 s9, v13  }
0x115: {  	[tilespmem:s13+$0xD2F0] =	vst v12;
	v63 =	vadd.s32 v5, v13  }
0x116: {  	[tilespmem:s6+$0xD2F0] =	vst v63  }
.LBB2_11:
0x117: {  	s0 =	sshra.s32 s31, $0x2  }
0x118: {  	v12 =	vld [tilespmem:s0+$0x9C40];
	_ =	sdelay $0x1  }
0x119: {  	v13 =	vld [tilespmem:s0+$0xA410];
	_ =	sdelay $0x1  }
0x11a: {  	v14 =	vld.idx.msk [tilespmem:v0+s4+$0x0], $0xffff  }
0x11b: {  	v12 =	vmul.u32 v9, v12;
	_ =	sdelay $0x1  }
0x11c: {  	v12 =	vadd.s32 v12, v13  }
0x11d: {  	v12 =	vadd.s32 $0x1, v12  }
0x11e: {  	vm0 =	vlt.s32 v14, v12  }
0x11f: {  	v18 =	vsel vm0, $0xC000, v1  }
0x120: {  	v19 =	vmin.u32 v18, $0x9C3F;
	_ =	sdelay $0x4  }
0x121: {  	v14 =	vld.idx.msk [tilespmem:v19+s4+$0x0], $0xffff;
	_ =	sdelay $0x4  }
0x122: {  	vm1 =	vlt.s32 v14, v12  }
0x123: {  	v13 =	vor.u32 $0x1, v18;
	v14 =	vsel vm1, $0x8000, v1  }
0x124: {  	v13 =	vnsel vm1, $0x0, v13;
	v14 =	vsel vm0, $0xC000, v14  }
0x125: {  	v13 =	vsel vm0, $0x8001, v13;
	v15 =	vadd.s32 $0xFFFFFFFF, v14  }
0x126: {  	v16 =	vxor.u32 v15, v13  }
0x127: {  	v15 =	vor.u32 v15, v13;
	v16 =	vshrl.u32 v16, $0x1  }
0x128: {  	v15 =	vsub.s32 v15, v16  }
0x129: {  	v16 =	vmin.u32 v15, $0x9C3F;
	_ =	sdelay $0x4  }
0x12a: {  	v16 =	vld.idx.msk [tilespmem:v16+s4+$0x0], $0xffff;
	_ =	sdelay $0x3  }
0x12b: {  	v17 =	vadd.s32 v14, v13  }
0x12c: {  	vm11 =	vlt.u32 v17, $0x13880;
	vm10 =	vlt.s32 v16, v12  }
0x12d: {  	v20 =	vor.u32 $0x1, v15;
	vm0 =	vmand vm10, vm11  }
0x12e: {  	v13 =	vsel vm0, v20, v13;
	v14 =	vsel vm0, v14, v15  }
0x12f: {  	v15 =	vadd.s32 v14, v13  }
0x130: {  	v21 =	vshrl.u32 v15, $0x1  }
0x131: {  	v22 =	vmin.u32 v21, $0x9C3F;
	_ =	sdelay $0x4  }
0x132: {  	v17 =	vld.idx.msk [tilespmem:v22+s4+$0x0], $0xffff;
	_ =	sdelay $0x4  }
0x133: {  	vm13 =	vlt.u32 v15, $0x13880;
	vm12 =	vlt.s32 v17, v12  }
0x134: {  	v23 =	vadd.s32 $0x1, v21;
	vm0 =	vmand vm12, vm13  }
0x135: {  	v13 =	vsel vm0, v23, v13;
	v14 =	vsel vm0, v14, v21  }
0x136: {  	v15 =	vadd.s32 v14, v13  }
0x137: {  	v24 =	vshrl.u32 v15, $0x1  }
0x138: {  	v25 =	vmin.u32 v24, $0x9C3F;
	_ =	sdelay $0x4  }
0x139: {  	v17 =	vld.idx.msk [tilespmem:v25+s4+$0x0], $0xffff;
	_ =	sdelay $0x4  }
0x13a: {  	vm15 =	vlt.u32 v15, $0x13880;
	vm14 =	vlt.s32 v17, v12  }
0x13b: {  	v26 =	vadd.s32 $0x1, v24;
	vm0 =	vmand vm14, vm15  }
0x13c: {  	v13 =	vsel vm0, v26, v13;
	v14 =	vsel vm0, v14, v24  }
0x13d: {  	v15 =	vadd.s32 v14, v13  }
0x13e: {  	v27 =	vshrl.u32 v15, $0x1  }
0x13f: {  	v28 =	vmin.u32 v27, $0x9C3F;
	_ =	sdelay $0x4  }
0x140: {  	v17 =	vld.idx.msk [tilespmem:v28+s4+$0x0], $0xffff;
	_ =	sdelay $0x4  }
0x141: {  	vm5 =	vlt.u32 v15, $0x13880;
	vm4 =	vlt.s32 v17, v12  }
0x142: {  	v29 =	vadd.s32 $0x1, v27;
	vm0 =	vmand vm4, vm5  }
0x143: {  	v13 =	vsel vm0, v29, v13;
	v14 =	vsel vm0, v14, v27  }
0x144: {  	v15 =	vadd.s32 v14, v13  }
0x145: {  	v30 =	vshrl.u32 v15, $0x1  }
0x146: {  	v31 =	vmin.u32 v30, $0x9C3F;
	_ =	sdelay $0x4  }
0x147: {  	v17 =	vld.idx.msk [tilespmem:v31+s4+$0x0], $0xffff;
	_ =	sdelay $0x4  }
0x148: {  	vm7 =	vlt.u32 v15, $0x13880;
	vm6 =	vlt.s32 v17, v12  }
0x149: {  	v32 =	vadd.s32 $0x1, v30;
	vm0 =	vmand vm6, vm7  }
0x14a: {  	v13 =	vsel vm0, v32, v13;
	v14 =	vsel vm0, v14, v30  }
0x14b: {  	v15 =	vadd.s32 v14, v13  }
0x14c: {  	v33 =	vshrl.u32 v15, $0x1  }
0x14d: {  	v34 =	vmin.u32 v33, $0x9C3F;
	_ =	sdelay $0x4  }
0x14e: {  	v17 =	vld.idx.msk [tilespmem:v34+s4+$0x0], $0xffff;
	_ =	sdelay $0x4  }
0x14f: {  	vm9 =	vlt.u32 v15, $0x13880;
	vm8 =	vlt.s32 v17, v12  }
0x150: {  	v35 =	vadd.s32 $0x1, v33;
	vm0 =	vmand vm8, vm9  }
0x151: {  	v13 =	vsel vm0, v35, v13;
	v14 =	vsel vm0, v14, v33  }
0x152: {  	v15 =	vadd.s32 v14, v13  }
0x153: {  	v36 =	vshrl.u32 v15, $0x1  }
0x154: {  	v37 =	vmin.u32 v36, $0x9C3F;
	_ =	sdelay $0x4  }
0x155: {  	v17 =	vld.idx.msk [tilespmem:v37+s4+$0x0], $0xffff;
	_ =	sdelay $0x4  }
0x156: {  	vm11 =	vlt.u32 v15, $0x13880;
	vm10 =	vlt.s32 v17, v12  }
0x157: {  	v38 =	vadd.s32 $0x1, v36;
	vm0 =	vmand vm10, vm11  }
0x158: {  	v13 =	vsel vm0, v38, v13;
	v14 =	vsel vm0, v14, v36  }
0x159: {  	v15 =	vadd.s32 v14, v13  }
0x15a: {  	v39 =	vshrl.u32 v15, $0x1  }
0x15b: {  	v40 =	vmin.u32 v39, $0x9C3F;
	_ =	sdelay $0x4  }
0x15c: {  	v17 =	vld.idx.msk [tilespmem:v40+s4+$0x0], $0xffff;
	_ =	sdelay $0x4  }
0x15d: {  	vm13 =	vlt.u32 v15, $0x13880;
	vm12 =	vlt.s32 v17, v12  }
0x15e: {  	v41 =	vadd.s32 $0x1, v39;
	vm0 =	vmand vm12, vm13  }
0x15f: {  	v13 =	vsel vm0, v41, v13;
	v14 =	vsel vm0, v14, v39  }
0x160: {  	v15 =	vadd.s32 v14, v13  }
0x161: {  	v42 =	vshrl.u32 v15, $0x1  }
0x162: {  	v43 =	vmin.u32 v42, $0x9C3F;
	_ =	sdelay $0x4  }
0x163: {  	v17 =	vld.idx.msk [tilespmem:v43+s4+$0x0], $0xffff;
	_ =	sdelay $0x4  }
0x164: {  	vm15 =	vlt.u32 v15, $0x13880;
	vm14 =	vlt.s32 v17, v12  }
0x165: {  	v44 =	vadd.s32 $0x1, v42;
	vm0 =	vmand vm14, vm15  }
0x166: {  	v13 =	vsel vm0, v44, v13;
	v14 =	vsel vm0, v14, v42  }
0x167: {  	v15 =	vadd.s32 v14, v13  }
0x168: {  	v45 =	vshrl.u32 v15, $0x1  }
0x169: {  	v46 =	vmin.u32 v45, $0x9C3F;
	_ =	sdelay $0x4  }
0x16a: {  	v17 =	vld.idx.msk [tilespmem:v46+s4+$0x0], $0xffff;
	_ =	sdelay $0x4  }
0x16b: {  	vm5 =	vlt.u32 v15, $0x13880;
	vm4 =	vlt.s32 v17, v12  }
0x16c: {  	v47 =	vadd.s32 $0x1, v45;
	vm0 =	vmand vm4, vm5  }
0x16d: {  	v13 =	vsel vm0, v47, v13;
	v14 =	vsel vm0, v14, v45  }
0x16e: {  	v15 =	vadd.s32 v14, v13  }
0x16f: {  	v48 =	vshrl.u32 v15, $0x1  }
0x170: {  	v49 =	vmin.u32 v48, $0x9C3F;
	_ =	sdelay $0x4  }
0x171: {  	v17 =	vld.idx.msk [tilespmem:v49+s4+$0x0], $0xffff;
	_ =	sdelay $0x4  }
0x172: {  	vm7 =	vlt.u32 v15, $0x13880;
	vm6 =	vlt.s32 v17, v12  }
0x173: {  	v50 =	vadd.s32 $0x1, v48;
	vm0 =	vmand vm6, vm7  }
0x174: {  	v13 =	vsel vm0, v50, v13;
	v14 =	vsel vm0, v14, v48  }
0x175: {  	v15 =	vadd.s32 v14, v13  }
0x176: {  	v51 =	vshrl.u32 v15, $0x1  }
0x177: {  	v52 =	vmin.u32 v51, $0x9C3F;
	_ =	sdelay $0x4  }
0x178: {  	v17 =	vld.idx.msk [tilespmem:v52+s4+$0x0], $0xffff;
	_ =	sdelay $0x4  }
0x179: {  	vm9 =	vlt.u32 v15, $0x13880;
	vm8 =	vlt.s32 v17, v12  }
0x17a: {  	v53 =	vadd.s32 $0x1, v51;
	vm0 =	vmand vm8, vm9  }
0x17b: {  	v13 =	vsel vm0, v53, v13;
	v14 =	vsel vm0, v14, v51  }
0x17c: {  	v15 =	vadd.s32 v14, v13  }
0x17d: {  	v54 =	vshrl.u32 v15, $0x1  }
0x17e: {  	v55 =	vmin.u32 v54, $0x9C3F;
	_ =	sdelay $0x4  }
0x17f: {  	v17 =	vld.idx.msk [tilespmem:v55+s4+$0x0], $0xffff;
	_ =	sdelay $0x4  }
0x180: {  	vm11 =	vlt.u32 v15, $0x13880;
	vm10 =	vlt.s32 v17, v12  }
0x181: {  	v56 =	vadd.s32 $0x1, v54;
	vm0 =	vmand vm10, vm11  }
0x182: {  	v13 =	vsel vm0, v56, v13;
	v14 =	vsel vm0, v14, v54  }
0x183: {  	v15 =	vadd.s32 v14, v13  }
0x184: {  	v57 =	vshrl.u32 v15, $0x1  }
0x185: {  	v58 =	vmin.u32 v57, $0x9C3F;
	_ =	sdelay $0x4  }
0x186: {  	v17 =	vld.idx.msk [tilespmem:v58+s4+$0x0], $0xffff;
	_ =	sdelay $0x4  }
0x187: {  	vm13 =	vlt.u32 v15, $0x13880;
	vm12 =	vlt.s32 v17, v12  }
0x188: {  	v59 =	vadd.s32 $0x1, v57;
	vm0 =	vmand vm12, vm13  }
0x189: {  	v13 =	vsel vm0, v59, v13;
	v14 =	vsel vm0, v14, v57  }
0x18a: {  	v14 =	vadd.s32 v14, v13  }
0x18b: {  	v60 =	vshrl.u32 v14, $0x1  }
0x18c: {  	v61 =	vmin.u32 v60, $0x9C3F;
	_ =	sdelay $0x4  }
0x18d: {  	v16 =	vld.idx.msk [tilespmem:v61+s4+$0x0], $0xffff;
	_ =	sdelay $0x4  }
0x18e: {  	vm15 =	vlt.u32 v14, $0x13880;
	vm14 =	vlt.s32 v16, v12  }
0x18f: {  	p1 =	sne.s32 s31, $0x1F00;
	v62 =	vadd.s32 $0x1, v60;
	vm0 =	vmand vm14, vm15  }
.Ltmp4:
0x190: {  	v12 =	vsel vm0, v62, v13;
	(pc) =	sbr.rel @p1 .LBB2_11-.Ltmp4, $4  }
0x191: {  	v13 =	vmax.u32 v12, $0x1  }
0x192: {  	v13 =	vshll.u32 v13, $0x3  }
0x193: {  	[tilespmem:s0+$0xABE0] =	vst v12;
	v63 =	vadd.s32 $0xFFFFFFFC, v13  }
0x194: {  	s31 =	sadd.s32 $0x40, s31;
	[tilespmem:s0+$0xC350] =	vst v63  }
0x195: {  	[tilespmem:s21], [sflag:$0x1] =	stream.indirect.gather [hbm4b:s7+s19], $0x1, s20, s19, $0xb8;
	[tilespmem:$0x13818] =	vst v63  }
0x196: {  	_ =	swait.ge [sflag:s22], $0x7D0  }
0x197: {  	[sflag:s22] =	ssyncset.done $0x0  }
0x198: {  	s6 =	simm.s32 $0x0;
	[sflag:s22] =	ssyncadd.s32 $0xFFFFF830  }
0x199: {  	v12 =	vld [tilespmem:s6+$0x9C40]  }
0x19a: {  	v13 =	vld [tilespmem:s6+$0xA410]  }
0x19b: {  	v15 =	vld [tilespmem:s6+$0xABE0];
	_ =	sdelay $0x1  }
0x19c: {  	v16 =	vld [tilespmem:s6+$0xCB20]  }
0x19d: {  	s0 =	simm.s32 $0x10;
	v12 =	vmul.u32 v9, v12  }
0x19e: {  	v14 =	vld [tilespmem:s0+$0x9C40]  }
0x19f: {  	v17 =	vadd.s32 $0xFFFFFFFF, v15;
	v15 =	vld [tilespmem:s0+$0xABE0];
	v12 =	vadd.s32 v12, v13  }
0x1a0: {  	vm0 =	vgt.s32 v17, $0x0;
	v13 =	vld [tilespmem:s0+$0xA410];
	v12 =	vadd.s32 $0x1, v12  }
0x1a1: {  	v17 =	vnsel vm0, $0x0, v17;
	vm0 =	vlt.s32 v16, v12  }
0x1a2: {  	s9 =	simm.s32 $0x80;
	v12 =	vld [tilespmem:s0+$0xCB20];
	v16 =	vshll.u32 v17, $0x3;
	v17 =	vsel vm0, $0x5, v2;
	v18 =	vsel vm0, $0x6, v4  }
.LBB2_13:
0x1a3: {  	s11 =	sshra.s32 s9, $0x2;
	p1 =	sne.s32 s9, $0x1F00;
	s9 =	sadd.s32 $0x40, s9;
	v19 =	vmul.u32 v9, v14;
	v20 =	vsel vm0, $0x8, v3;
	[tilespmem:s6+$0xB3B0] =	vst v17;
	v16 =	vor.u32 v18, v16  }
.Ltmp5:
0x1a4: {  	v14 =	vld [tilespmem:s11+$0x9C40];
	[tilespmem:s6+$0xC350] =	vst v16;
	(pc) =	sbr.rel @p1 .LBB2_13-.Ltmp5, $4  }
0x1a5: {  	v16 =	vadd.s32 v19, v13;
	v13 =	vld [tilespmem:s11+$0xA410];
	v17 =	vadd.s32 $0xFFFFFFFF, v15;
	[tilespmem:s6+$0xBB80] =	vst v20;
	s6 =	smov.u32 s0;
	s0 =	smov.u32 s11  }
0x1a6: {  	v15 =	vld [tilespmem:s0+$0xABE0];
	v16 =	vadd.s32 $0x1, v16;
	vm0 =	vgt.s32 v17, $0x0  }
0x1a7: {  	v17 =	vnsel vm0, $0x0, v17;
	vm0 =	vlt.s32 v12, v16  }
0x1a8: {  	v12 =	vld [tilespmem:s0+$0xCB20];
	v16 =	vshll.u32 v17, $0x3;
	v17 =	vsel vm0, $0x5, v2;
	v18 =	vsel vm0, $0x6, v4  }
0x1a9: {  	v14 =	vmul.u32 v9, v14;
	_ =	sdelay $0x1  }
0x1aa: {  	v13 =	vadd.s32 v14, v13;
	v14 =	vadd.s32 $0xFFFFFFFF, v15  }
0x1ab: {  	[tilespmem:s6+$0xB3B0] =	vst v17;
	v15 =	vor.u32 v18, v16;
	v13 =	vadd.s32 $0x1, v13;
	vm1 =	vgt.s32 v14, $0x0  }
0x1ac: {  	v16 =	vsel vm0, $0x8, v3;
	[tilespmem:s6+$0xC350] =	vst v15;
	v14 =	vnsel vm1, $0x0, v14;
	vm15 =	vlt.s32 v12, v13  }
0x1ad: {  	[tilespmem:s6+$0xBB80] =	vst v16;
	v12 =	vshll.u32 v14, $0x3;
	v13 =	vsel vm15, $0x5, v2;
	v14 =	vsel vm15, $0x6, v4  }
0x1ae: {  	[tilespmem:s0+$0xB3B0] =	vst v13;
	v12 =	vor.u32 v14, v12  }
0x1af: {  	v13 =	vsel vm15, $0x8, v3;
	[tilespmem:s0+$0xC350] =	vst v12  }
0x1b0: {  	[tilespmem:s0+$0xBB80] =	vst v13  }
0x1b1: {  	[tilespmem:s21], [sflag:$0x1] =	stream.indirect.gather [hbm4b:s7+s19], $0x1, s20, s19, $0xb8;
	[tilespmem:$0x13818] =	vst v63  }
0x1b2: {  	_ =	swait.ge [sflag:s22], $0x7D0  }
0x1b3: {  	[sflag:s22] =	ssyncset.done $0x0  }
0x1b4: {  	s0 =	simm.s32 $0x0;
	[sflag:s22] =	ssyncadd.s32 $0xFFFFF830  }
0x1b5: {  	v14 =	vld [tilespmem:s0+$0x9C40]  }
0x1b6: {  	v16 =	vld [tilespmem:s0+$0xA410]  }
0x1b7: {  	v13 =	vld [tilespmem:s0+$0xBB80]  }
0x1b8: {  	v12 =	vld [tilespmem:s0+$0xB3B0]  }
0x1b9: {  	v15 =	vld [tilespmem:s0+$0xCB20]  }
0x1ba: {  	v17 =	vmul.u32 v9, v14;
	v14 =	vld [tilespmem:s0+$0xABE0];
	_ =	sdelay $0x1  }
0x1bb: {  	s9 =	simm.s32 $0x80;
	s6 =	simm.s32 $0x40;
	v16 =	vadd.s32 v17, v16  }
.LBB2_15:
0x1bc: {  	p1 =	sne.s32 s9, $0x1F00;
	v16 =	vadd.s32 $0x1, v16;
	v17 =	vadd.s32 v12, v13  }
0x1bd: {  	s11 =	sshra.s32 s6, $0x2;
	s6 =	smov.u32 s9;
	v17 =	vshra.s32 v17, $0x1;
	vm0 =	vlt.s32 v15, v16  }
0x1be: {  	v16 =	vld [tilespmem:s11+$0x9C40];
	v14 =	vadd.s32 $0xFFFFFFFF, v14;
	v15 =	vadd.s32 $0x1, v17;
	v17 =	vsel vm0, v13, v17  }
0x1bf: {  	v18 =	vld [tilespmem:s11+$0xA410];
	vm1 =	vgt.s32 v14, $0x0;
	v12 =	vsel vm0, v15, v12;
	[tilespmem:s0+$0xBB80] =	vst v17  }
0x1c0: {  	v13 =	vld [tilespmem:s11+$0xBB80];
	v14 =	vnsel vm1, $0x0, v14;
	[tilespmem:s0+$0xB3B0] =	vst v12;
	v15 =	vadd.s32 v17, v12  }
.Ltmp6:
0x1c1: {  	v12 =	vld [tilespmem:s11+$0xB3B0];
	v14 =	vshll.u32 v14, $0x3;
	v17 =	vshra.s32 v15, $0x1;
	(pc) =	sbr.rel @p1 .LBB2_15-.Ltmp6, $3  }
0x1c2: {  	v15 =	vld [tilespmem:s11+$0xCB20];
	v17 =	vadd.s32 v14, v17  }
0x1c3: {  	v16 =	vmul.u32 v9, v16;
	v14 =	vld [tilespmem:s11+$0xABE0];
	[tilespmem:s0+$0xC350] =	vst v17;
	s0 =	smov.u32 s11;
	_ =	sdelay $0x1  }
0x1c4: {  	s9 =	sadd.s32 $0x40, s9;
	v16 =	vadd.s32 v16, v18  }
0x1c5: {  	v16 =	vadd.s32 $0x1, v16;
	v17 =	vadd.s32 v12, v13  }
0x1c6: {  	s6 =	sshra.s32 s6, $0x2;
	v17 =	vshra.s32 v17, $0x1;
	vm0 =	vlt.s32 v15, v16  }
0x1c7: {  	v15 =	vld [tilespmem:s6+$0x9C40];
	v13 =	vsel vm0, v13, v17;
	v17 =	vadd.s32 $0x1, v17  }
0x1c8: {  	v16 =	vld [tilespmem:s6+$0xA410];
	[tilespmem:s0+$0xBB80] =	vst v13;
	v12 =	vsel vm0, v17, v12  }
0x1c9: {  	v17 =	vld [tilespmem:s6+$0xBB80];
	[tilespmem:s0+$0xB3B0] =	vst v12  }
0x1ca: {  	v18 =	vld [tilespmem:s6+$0xB3B0]  }
0x1cb: {  	v14 =	vadd.s32 $0xFFFFFFFF, v14;
	v19 =	vld [tilespmem:s6+$0xCB20]  }
0x1cc: {  	vm0 =	vgt.s32 v14, $0x0;
	v20 =	vld [tilespmem:s6+$0xABE0]  }
0x1cd: {  	v14 =	vnsel vm0, $0x0, v14;
	v15 =	vmul.u32 v9, v15  }
0x1ce: {  	v12 =	vadd.s32 v13, v12;
	v13 =	vshll.u32 v14, $0x3  }
0x1cf: {  	v12 =	vshra.s32 v12, $0x1;
	v14 =	vadd.s32 v15, v16;
	v15 =	vadd.s32 v18, v17  }
0x1d0: {  	v12 =	vadd.s32 v13, v12;
	v13 =	vadd.s32 $0x1, v14;
	v14 =	vshra.s32 v15, $0x1  }
0x1d1: {  	vm0 =	vlt.s32 v19, v13;
	v13 =	vadd.s32 $0xFFFFFFFF, v20;
	v15 =	vadd.s32 $0x1, v14  }
0x1d2: {  	vm1 =	vgt.s32 v13, $0x0;
	v14 =	vsel vm0, v17, v14;
	v15 =	vsel vm0, v15, v18  }
0x1d3: {  	[tilespmem:s0+$0xC350] =	vst v12;
	v12 =	vnsel vm1, $0x0, v13;
	v13 =	vadd.s32 v14, v15  }
0x1d4: {  	[tilespmem:s6+$0xBB80] =	vst v14;
	v12 =	vshll.u32 v12, $0x3;
	v13 =	vshra.s32 v13, $0x1  }
0x1d5: {  	[tilespmem:s6+$0xB3B0] =	vst v15;
	v12 =	vadd.s32 v12, v13  }
0x1d6: {  	[tilespmem:s6+$0xC350] =	vst v12  }
0x1d7: {  	[tilespmem:s21], [sflag:$0x1] =	stream.indirect.gather [hbm4b:s7+s19], $0x1, s20, s19, $0xb8;
	[tilespmem:$0x13818] =	vst v63  }
0x1d8: {  	_ =	swait.ge [sflag:s22], $0x7D0  }
0x1d9: {  	[sflag:s22] =	ssyncset.done $0x0  }
0x1da: {  	s0 =	simm.s32 $0x0;
	[sflag:s22] =	ssyncadd.s32 $0xFFFFF830  }
0x1db: {  	v19 =	vld [tilespmem:s0+$0xA410]  }
0x1dc: {  	v12 =	vld [tilespmem:s0+$0xABE0]  }
0x1dd: {  	v14 =	vld [tilespmem:s0+$0x9C40]  }
0x1de: {  	v18 =	vld [tilespmem:s0+$0xB3B0]  }
0x1df: {  	v21 =	vld [tilespmem:s0+$0xBB80]  }
0x1e0: {  	s6 =	simm.s32 $0x10;
	v16 =	vld [tilespmem:s0+$0xCB20]  }
0x1e1: {  	v15 =	vld [tilespmem:s6+$0xA410]  }
0x1e2: {  	v13 =	vld [tilespmem:s6+$0xABE0];
	v22 =	vmul.u32 v9, v14  }
0x1e3: {  	v17 =	vld [tilespmem:s6+$0x9C40]  }
0x1e4: {  	v20 =	vadd.s32 $0xFFFFFFFF, v12;
	v14 =	vld [tilespmem:s6+$0xB3B0];
	v23 =	vadd.s32 v18, v21;
	v22 =	vadd.s32 v22, v19  }
0x1e5: {  	s31 =	simm.s32 $0x0;
	s9 =	simm.s32 $0x80;
	vm0 =	vgt.s32 v20, $0x0;
	v19 =	vld [tilespmem:s6+$0xBB80];
	v21 =	vadd.s32 $0x1, v22;
	v22 =	vshra.s32 v23, $0x1  }
.LBB2_17:
0x1e6: {  	s11 =	sshra.s32 s9, $0x2;
	v20 =	vnsel vm0, $0x0, v20;
	vm0 =	vlt.s32 v16, v21;
	v16 =	vld [tilespmem:s6+$0xCB20];
	v23 =	vadd.s32 $0x1, v22;
	v22 =	vmovc v15;
	p1 =	sne.s32 s9, $0x1F00  }
.Ltmp7:
0x1e7: {  	v15 =	vld [tilespmem:s11+$0xA410];
	v20 =	vshll.u32 v20, $0x3;
	v26 =	vsel vm0, v23, v18;
	v21 =	vmov v13;
	(pc) =	sbr.rel @p1 .LBB2_17-.Ltmp7, $4  }
0x1e8: {  	s9 =	sadd.s32 $0x40, s9;
	v13 =	vld [tilespmem:s11+$0xABE0];
	v23 =	vmul.u32 v9, v17;
	v25 =	vadd.s32 v26, v20  }
0x1e9: {  	vm0 =	veq.s32 v12, $0x0;
	v20 =	vadd.s32 $0xFFFFFFFF, v21;
	v12 =	vmovc v21;
	v17 =	vld [tilespmem:s11+$0x9C40];
	v24 =	vadd.s32 $0xFFFFFFFF, v25;
	v18 =	vmovc v14  }
0x1ea: {  	v14 =	vld [tilespmem:s11+$0xB3B0];
	v21 =	vadd.s32 v23, v22;
	v22 =	vadd.s32 v18, v19;
	v23 =	vsel vm0, $0xFFFFFFFF, v24  }
0x1eb: {  	vm0 =	vgt.s32 v20, $0x0;
	v19 =	vld [tilespmem:s11+$0xBB80];
	v21 =	vadd.s32 $0x1, v21;
	v22 =	vshra.s32 v22, $0x1;
	[tilespmem:s0+$0xDAC0] =	vst v23;
	s0 =	smov.u32 s6;
	s6 =	smov.u32 s11  }
0x1ec: {  	_ = 	snop  }
0x1ed: {  	v23 =	vld [tilespmem:s6+$0xCB20];
	v20 =	vnsel vm0, $0x0, v20  }
0x1ee: {  	vm11 =	vlt.s32 v16, v21;
	v55 =	vadd.s32 $0x1, v22;
	v17 =	vmul.u32 v9, v17  }
0x1ef: {  	v20 =	vshll.u32 v20, $0x3;
	v16 =	vsel vm11, v55, v18  }
0x1f0: {  	v56 =	vadd.s32 $0xFFFFFFFF, v13;
	v15 =	vadd.s32 v17, v15;
	v57 =	vadd.s32 v14, v19  }
0x1f1: {  	vm12 =	vgt.s32 v56, $0x0;
	v15 =	vadd.s32 $0x1, v15;
	v17 =	vshra.s32 v57, $0x1  }
0x1f2: {  	v18 =	vnsel vm12, $0x0, v56;
	vm13 =	vlt.s32 v23, v15;
	v58 =	vadd.s32 $0x1, v17  }
0x1f3: {  	v16 =	vadd.s32 v16, v20;
	v59 =	vshll.u32 v18, $0x3;
	v60 =	vsel vm13, v58, v14  }
0x1f4: {  	vm14 =	veq.s32 v12, $0x0;
	v61 =	vadd.s32 $0xFFFFFFFF, v16;
	v14 =	vadd.s32 v60, v59  }
0x1f5: {  	vm15 =	veq.s32 v13, $0x0;
	v12 =	vsel vm14, $0xFFFFFFFF, v61;
	v62 =	vadd.s32 $0xFFFFFFFF, v14  }
0x1f6: {  	[tilespmem:s0+$0xDAC0] =	vst v12;
	v63 =	vsel vm15, $0xFFFFFFFF, v62  }
0x1f7: {  	[tilespmem:s6+$0xDAC0] =	vst v63  }
.LBB2_19:
0x1f8: {  	s0 =	sshra.s32 s31, $0x2  }
0x1f9: {  	v12 =	vld [tilespmem:s0+$0xA410];
	_ =	sdelay $0x1  }
0x1fa: {  	v13 =	vld [tilespmem:s0+$0x9C40]  }
0x1fb: {  	v14 =	vld.idx.msk [tilespmem:v0+s4+$0x0], $0xffff;
	_ =	sdelay $0x1  }
0x1fc: {  	v12 =	vmul.u32 v9, v12;
	_ =	sdelay $0x1  }
0x1fd: {  	v12 =	vadd.s32 v13, v12  }
0x1fe: {  	vm0 =	vlt.s32 v14, v12  }
0x1ff: {  	v18 =	vsel vm0, $0xC000, v1  }
0x200: {  	v19 =	vmin.u32 v18, $0x9C3F;
	_ =	sdelay $0x4  }
0x201: {  	v14 =	vld.idx.msk [tilespmem:v19+s4+$0x0], $0xffff;
	_ =	sdelay $0x4  }
0x202: {  	vm1 =	vlt.s32 v14, v12  }
0x203: {  	v13 =	vor.u32 $0x1, v18;
	v14 =	vsel vm1, $0x8000, v1  }
0x204: {  	v13 =	vnsel vm1, $0x0, v13;
	v14 =	vsel vm0, $0xC000, v14  }
0x205: {  	v13 =	vsel vm0, $0x8001, v13;
	v15 =	vadd.s32 $0xFFFFFFFF, v14  }
0x206: {  	v16 =	vxor.u32 v15, v13  }
0x207: {  	v15 =	vor.u32 v15, v13;
	v16 =	vshrl.u32 v16, $0x1  }
0x208: {  	v15 =	vsub.s32 v15, v16  }
0x209: {  	v16 =	vmin.u32 v15, $0x9C3F;
	_ =	sdelay $0x4  }
0x20a: {  	v16 =	vld.idx.msk [tilespmem:v16+s4+$0x0], $0xffff;
	_ =	sdelay $0x3  }
0x20b: {  	v17 =	vadd.s32 v14, v13  }
0x20c: {  	vm11 =	vlt.u32 v17, $0x13880;
	vm10 =	vlt.s32 v16, v12  }
0x20d: {  	v20 =	vor.u32 $0x1, v15;
	vm0 =	vmand vm10, vm11  }
0x20e: {  	v13 =	vsel vm0, v20, v13;
	v14 =	vsel vm0, v14, v15  }
0x20f: {  	v15 =	vadd.s32 v14, v13  }
0x210: {  	v21 =	vshrl.u32 v15, $0x1  }
0x211: {  	v22 =	vmin.u32 v21, $0x9C3F;
	_ =	sdelay $0x4  }
0x212: {  	v17 =	vld.idx.msk [tilespmem:v22+s4+$0x0], $0xffff;
	_ =	sdelay $0x4  }
0x213: {  	vm13 =	vlt.u32 v15, $0x13880;
	vm12 =	vlt.s32 v17, v12  }
0x214: {  	v23 =	vadd.s32 $0x1, v21;
	vm0 =	vmand vm12, vm13  }
0x215: {  	v13 =	vsel vm0, v23, v13;
	v14 =	vsel vm0, v14, v21  }
0x216: {  	v15 =	vadd.s32 v14, v13  }
0x217: {  	v24 =	vshrl.u32 v15, $0x1  }
0x218: {  	v25 =	vmin.u32 v24, $0x9C3F;
	_ =	sdelay $0x4  }
0x219: {  	v17 =	vld.idx.msk [tilespmem:v25+s4+$0x0], $0xffff;
	_ =	sdelay $0x4  }
0x21a: {  	vm15 =	vlt.u32 v15, $0x13880;
	vm14 =	vlt.s32 v17, v12  }
0x21b: {  	v26 =	vadd.s32 $0x1, v24;
	vm0 =	vmand vm14, vm15  }
0x21c: {  	v13 =	vsel vm0, v26, v13;
	v14 =	vsel vm0, v14, v24  }
0x21d: {  	v15 =	vadd.s32 v14, v13  }
0x21e: {  	v27 =	vshrl.u32 v15, $0x1  }
0x21f: {  	v28 =	vmin.u32 v27, $0x9C3F;
	_ =	sdelay $0x4  }
0x220: {  	v17 =	vld.idx.msk [tilespmem:v28+s4+$0x0], $0xffff;
	_ =	sdelay $0x4  }
0x221: {  	vm5 =	vlt.u32 v15, $0x13880;
	vm4 =	vlt.s32 v17, v12  }
0x222: {  	v29 =	vadd.s32 $0x1, v27;
	vm0 =	vmand vm4, vm5  }
0x223: {  	v13 =	vsel vm0, v29, v13;
	v14 =	vsel vm0, v14, v27  }
0x224: {  	v15 =	vadd.s32 v14, v13  }
0x225: {  	v30 =	vshrl.u32 v15, $0x1  }
0x226: {  	v31 =	vmin.u32 v30, $0x9C3F;
	_ =	sdelay $0x4  }
0x227: {  	v17 =	vld.idx.msk [tilespmem:v31+s4+$0x0], $0xffff;
	_ =	sdelay $0x4  }
0x228: {  	vm7 =	vlt.u32 v15, $0x13880;
	vm6 =	vlt.s32 v17, v12  }
0x229: {  	v32 =	vadd.s32 $0x1, v30;
	vm0 =	vmand vm6, vm7  }
0x22a: {  	v13 =	vsel vm0, v32, v13;
	v14 =	vsel vm0, v14, v30  }
0x22b: {  	v15 =	vadd.s32 v14, v13  }
0x22c: {  	v33 =	vshrl.u32 v15, $0x1  }
0x22d: {  	v34 =	vmin.u32 v33, $0x9C3F;
	_ =	sdelay $0x4  }
0x22e: {  	v17 =	vld.idx.msk [tilespmem:v34+s4+$0x0], $0xffff;
	_ =	sdelay $0x4  }
0x22f: {  	vm9 =	vlt.u32 v15, $0x13880;
	vm8 =	vlt.s32 v17, v12  }
0x230: {  	v35 =	vadd.s32 $0x1, v33;
	vm0 =	vmand vm8, vm9  }
0x231: {  	v13 =	vsel vm0, v35, v13;
	v14 =	vsel vm0, v14, v33  }
0x232: {  	v15 =	vadd.s32 v14, v13  }
0x233: {  	v36 =	vshrl.u32 v15, $0x1  }
0x234: {  	v37 =	vmin.u32 v36, $0x9C3F;
	_ =	sdelay $0x4  }
0x235: {  	v17 =	vld.idx.msk [tilespmem:v37+s4+$0x0], $0xffff;
	_ =	sdelay $0x4  }
0x236: {  	vm11 =	vlt.u32 v15, $0x13880;
	vm10 =	vlt.s32 v17, v12  }
0x237: {  	v38 =	vadd.s32 $0x1, v36;
	vm0 =	vmand vm10, vm11  }
0x238: {  	v13 =	vsel vm0, v38, v13;
	v14 =	vsel vm0, v14, v36  }
0x239: {  	v15 =	vadd.s32 v14, v13  }
0x23a: {  	v39 =	vshrl.u32 v15, $0x1  }
0x23b: {  	v40 =	vmin.u32 v39, $0x9C3F;
	_ =	sdelay $0x4  }
0x23c: {  	v17 =	vld.idx.msk [tilespmem:v40+s4+$0x0], $0xffff;
	_ =	sdelay $0x4  }
0x23d: {  	vm13 =	vlt.u32 v15, $0x13880;
	vm12 =	vlt.s32 v17, v12  }
0x23e: {  	v41 =	vadd.s32 $0x1, v39;
	vm0 =	vmand vm12, vm13  }
0x23f: {  	v13 =	vsel vm0, v41, v13;
	v14 =	vsel vm0, v14, v39  }
0x240: {  	v15 =	vadd.s32 v14, v13  }
0x241: {  	v42 =	vshrl.u32 v15, $0x1  }
0x242: {  	v43 =	vmin.u32 v42, $0x9C3F;
	_ =	sdelay $0x4  }
0x243: {  	v17 =	vld.idx.msk [tilespmem:v43+s4+$0x0], $0xffff;
	_ =	sdelay $0x4  }
0x244: {  	vm15 =	vlt.u32 v15, $0x13880;
	vm14 =	vlt.s32 v17, v12  }
0x245: {  	v44 =	vadd.s32 $0x1, v42;
	vm0 =	vmand vm14, vm15  }
0x246: {  	v13 =	vsel vm0, v44, v13;
	v14 =	vsel vm0, v14, v42  }
0x247: {  	v15 =	vadd.s32 v14, v13  }
0x248: {  	v45 =	vshrl.u32 v15, $0x1  }
0x249: {  	v46 =	vmin.u32 v45, $0x9C3F;
	_ =	sdelay $0x4  }
0x24a: {  	v17 =	vld.idx.msk [tilespmem:v46+s4+$0x0], $0xffff;
	_ =	sdelay $0x4  }
0x24b: {  	vm5 =	vlt.u32 v15, $0x13880;
	vm4 =	vlt.s32 v17, v12  }
0x24c: {  	v47 =	vadd.s32 $0x1, v45;
	vm0 =	vmand vm4, vm5  }
0x24d: {  	v13 =	vsel vm0, v47, v13;
	v14 =	vsel vm0, v14, v45  }
0x24e: {  	v15 =	vadd.s32 v14, v13  }
0x24f: {  	v48 =	vshrl.u32 v15, $0x1  }
0x250: {  	v49 =	vmin.u32 v48, $0x9C3F;
	_ =	sdelay $0x4  }
0x251: {  	v17 =	vld.idx.msk [tilespmem:v49+s4+$0x0], $0xffff;
	_ =	sdelay $0x4  }
0x252: {  	vm7 =	vlt.u32 v15, $0x13880;
	vm6 =	vlt.s32 v17, v12  }
0x253: {  	v50 =	vadd.s32 $0x1, v48;
	vm0 =	vmand vm6, vm7  }
0x254: {  	v13 =	vsel vm0, v50, v13;
	v14 =	vsel vm0, v14, v48  }
0x255: {  	v15 =	vadd.s32 v14, v13  }
0x256: {  	v51 =	vshrl.u32 v15, $0x1  }
0x257: {  	v52 =	vmin.u32 v51, $0x9C3F;
	_ =	sdelay $0x4  }
0x258: {  	v17 =	vld.idx.msk [tilespmem:v52+s4+$0x0], $0xffff;
	_ =	sdelay $0x4  }
0x259: {  	vm9 =	vlt.u32 v15, $0x13880;
	vm8 =	vlt.s32 v17, v12  }
0x25a: {  	v53 =	vadd.s32 $0x1, v51;
	vm0 =	vmand vm8, vm9  }
0x25b: {  	v13 =	vsel vm0, v53, v13;
	v14 =	vsel vm0, v14, v51  }
0x25c: {  	v15 =	vadd.s32 v14, v13  }
0x25d: {  	v54 =	vshrl.u32 v15, $0x1  }
0x25e: {  	v55 =	vmin.u32 v54, $0x9C3F;
	_ =	sdelay $0x4  }
0x25f: {  	v17 =	vld.idx.msk [tilespmem:v55+s4+$0x0], $0xffff;
	_ =	sdelay $0x4  }
0x260: {  	vm11 =	vlt.u32 v15, $0x13880;
	vm10 =	vlt.s32 v17, v12  }
0x261: {  	v56 =	vadd.s32 $0x1, v54;
	vm0 =	vmand vm10, vm11  }
0x262: {  	v13 =	vsel vm0, v56, v13;
	v14 =	vsel vm0, v14, v54  }
0x263: {  	v15 =	vadd.s32 v14, v13  }
0x264: {  	v57 =	vshrl.u32 v15, $0x1  }
0x265: {  	v58 =	vmin.u32 v57, $0x9C3F;
	_ =	sdelay $0x4  }
0x266: {  	v17 =	vld.idx.msk [tilespmem:v58+s4+$0x0], $0xffff;
	_ =	sdelay $0x4  }
0x267: {  	vm13 =	vlt.u32 v15, $0x13880;
	vm12 =	vlt.s32 v17, v12  }
0x268: {  	v59 =	vadd.s32 $0x1, v57;
	vm0 =	vmand vm12, vm13  }
0x269: {  	v13 =	vsel vm0, v59, v13;
	v14 =	vsel vm0, v14, v57  }
0x26a: {  	v14 =	vadd.s32 v14, v13  }
0x26b: {  	v60 =	vshrl.u32 v14, $0x1  }
0x26c: {  	v61 =	vmin.u32 v60, $0x9C3F;
	_ =	sdelay $0x4  }
0x26d: {  	v16 =	vld.idx.msk [tilespmem:v61+s4+$0x0], $0xffff;
	_ =	sdelay $0x4  }
0x26e: {  	vm15 =	vlt.u32 v14, $0x13880;
	vm14 =	vlt.s32 v16, v12  }
0x26f: {  	p1 =	sne.s32 s31, $0x1F00;
	v62 =	vadd.s32 $0x1, v60;
	vm0 =	vmand vm14, vm15  }
.Ltmp8:
0x270: {  	v12 =	vsel vm0, v62, v13;
	(pc) =	sbr.rel @p1 .LBB2_19-.Ltmp8, $4  }
0x271: {  	v13 =	vmax.u32 v12, $0x1  }
0x272: {  	v13 =	vshll.u32 v13, $0x3  }
0x273: {  	[tilespmem:s0+$0xABE0] =	vst v12;
	v63 =	vadd.s32 $0xFFFFFFFC, v13  }
0x274: {  	s31 =	sadd.s32 $0x40, s31;
	[tilespmem:s0+$0xC350] =	vst v63  }
0x275: {  	[tilespmem:s21], [sflag:$0x1] =	stream.indirect.gather [hbm4b:s7+s19], $0x1, s20, s19, $0xb8;
	[tilespmem:$0x13818] =	vst v63  }
0x276: {  	_ =	swait.ge [sflag:s22], $0x7D0  }
0x277: {  	[sflag:s22] =	ssyncset.done $0x0  }
0x278: {  	s6 =	simm.s32 $0x0;
	[sflag:s22] =	ssyncadd.s32 $0xFFFFF830  }
0x279: {  	v12 =	vld [tilespmem:s6+$0xA410]  }
0x27a: {  	v13 =	vld [tilespmem:s6+$0xABE0]  }
0x27b: {  	v15 =	vld [tilespmem:s6+$0x9C40]  }
0x27c: {  	v16 =	vld [tilespmem:s6+$0xCB20];
	_ =	sdelay $0x1  }
0x27d: {  	s0 =	simm.s32 $0x10;
	v17 =	vmul.u32 v9, v12  }
0x27e: {  	v12 =	vld [tilespmem:s0+$0xA410];
	v13 =	vadd.s32 $0xFFFFFFFF, v13  }
0x27f: {  	v14 =	vld [tilespmem:s0+$0xABE0];
	vm0 =	vgt.s32 v13, $0x0;
	v17 =	vadd.s32 v15, v17  }
0x280: {  	v15 =	vld [tilespmem:s0+$0x9C40];
	v18 =	vnsel vm0, $0x0, v13;
	vm15 =	vlt.s32 v16, v17  }
0x281: {  	v13 =	vld [tilespmem:s0+$0xCB20];
	v17 =	vshll.u32 v18, $0x3;
	v18 =	vsel vm15, $0x5, v2;
	v19 =	vsel vm15, $0x6, v4  }
0x282: {  	s9 =	simm.s32 $0x80;
	v16 =	vsel vm15, $0x8, v3;
	[tilespmem:s6+$0xB3B0] =	vst v18;
	v17 =	vor.u32 v19, v17  }
.LBB2_21:
0x283: {  	s11 =	sshra.s32 s9, $0x2;
	p1 =	sne.s32 s9, $0x1F00;
	s9 =	sadd.s32 $0x40, s9;
	v18 =	vmul.u32 v9, v12;
	[tilespmem:s6+$0xC350] =	vst v17  }
.Ltmp9:
0x284: {  	v12 =	vld [tilespmem:s11+$0xA410];
	v17 =	vadd.s32 $0xFFFFFFFF, v14;
	[tilespmem:s6+$0xBB80] =	vst v16;
	s6 =	smov.u32 s0;
	s0 =	smov.u32 s11;
	(pc) =	sbr.rel @p1 .LBB2_21-.Ltmp9, $4  }
0x285: {  	v14 =	vld [tilespmem:s0+$0xABE0];
	v16 =	vadd.s32 v15, v18;
	vm0 =	vgt.s32 v17, $0x0  }
0x286: {  	v15 =	vld [tilespmem:s0+$0x9C40];
	v17 =	vnsel vm0, $0x0, v17;
	vm0 =	vlt.s32 v13, v16  }
0x287: {  	v13 =	vld [tilespmem:s0+$0xCB20];
	v17 =	vshll.u32 v17, $0x3;
	v18 =	vsel vm0, $0x5, v2;
	v19 =	vsel vm0, $0x6, v4  }
0x288: {  	v16 =	vsel vm0, $0x8, v3;
	[tilespmem:s6+$0xB3B0] =	vst v18;
	v17 =	vor.u32 v19, v17  }
0x289: {  	v12 =	vmul.u32 v9, v12  }
0x28a: {  	v14 =	vadd.s32 $0xFFFFFFFF, v14  }
0x28b: {  	v12 =	vadd.s32 v15, v12;
	vm0 =	vgt.s32 v14, $0x0  }
0x28c: {  	[tilespmem:s6+$0xC350] =	vst v17;
	v14 =	vnsel vm0, $0x0, v14;
	vm15 =	vlt.s32 v13, v12  }
0x28d: {  	[tilespmem:s6+$0xBB80] =	vst v16;
	v12 =	vshll.u32 v14, $0x3;
	v13 =	vsel vm15, $0x5, v2;
	v14 =	vsel vm15, $0x6, v4  }
0x28e: {  	[tilespmem:s0+$0xB3B0] =	vst v13;
	v12 =	vor.u32 v14, v12  }
0x28f: {  	v13 =	vsel vm15, $0x8, v3;
	[tilespmem:s0+$0xC350] =	vst v12  }
0x290: {  	[tilespmem:s0+$0xBB80] =	vst v13  }
0x291: {  	[tilespmem:s21], [sflag:$0x1] =	stream.indirect.gather [hbm4b:s7+s19], $0x1, s20, s19, $0xb8;
	[tilespmem:$0x13818] =	vst v63  }
0x292: {  	_ =	swait.ge [sflag:s22], $0x7D0  }
0x293: {  	[sflag:s22] =	ssyncset.done $0x0  }
0x294: {  	s0 =	simm.s32 $0x0;
	[sflag:s22] =	ssyncadd.s32 $0xFFFFF830  }
0x295: {  	v14 =	vld [tilespmem:s0+$0xA410]  }
0x296: {  	v16 =	vld [tilespmem:s0+$0x9C40]  }
0x297: {  	v13 =	vld [tilespmem:s0+$0xBB80]  }
0x298: {  	v12 =	vld [tilespmem:s0+$0xB3B0]  }
0x299: {  	v15 =	vld [tilespmem:s0+$0xCB20]  }
0x29a: {  	v17 =	vmul.u32 v9, v14;
	v14 =	vld [tilespmem:s0+$0xABE0];
	_ =	sdelay $0x2  }
0x29b: {  	s6 =	simm.s32 $0x40;
	s9 =	simm.s32 $0x80;
	v16 =	vadd.s32 v16, v17;
	v17 =	vadd.s32 v12, v13  }
.LBB2_23:
0x29c: {  	p1 =	sne.s32 s9, $0x1F00;
	s11 =	sshra.s32 s6, $0x2;
	v17 =	vshra.s32 v17, $0x1;
	vm0 =	vlt.s32 v15, v16;
	s6 =	smov.u32 s9  }
0x29d: {  	v16 =	vld [tilespmem:s11+$0x9C40];
	v14 =	vadd.s32 $0xFFFFFFFF, v14;
	v15 =	vadd.s32 $0x1, v17;
	v17 =	vsel vm0, v13, v17  }
0x29e: {  	v18 =	vld [tilespmem:s11+$0xA410];
	vm1 =	vgt.s32 v14, $0x0;
	v12 =	vsel vm0, v15, v12;
	[tilespmem:s0+$0xBB80] =	vst v17  }
0x29f: {  	v13 =	vld [tilespmem:s11+$0xBB80];
	v14 =	vnsel vm1, $0x0, v14;
	[tilespmem:s0+$0xB3B0] =	vst v12;
	v15 =	vadd.s32 v17, v12  }
0x2a0: {  	v12 =	vld [tilespmem:s11+$0xB3B0];
	v14 =	vshll.u32 v14, $0x3;
	v17 =	vshra.s32 v15, $0x1  }
.Ltmp10:
0x2a1: {  	v15 =	vld [tilespmem:s11+$0xCB20];
	v17 =	vadd.s32 v14, v17;
	(pc) =	sbr.rel @p1 .LBB2_23-.Ltmp10, $3  }
0x2a2: {  	v14 =	vld [tilespmem:s11+$0xABE0];
	[tilespmem:s0+$0xC350] =	vst v17;
	s0 =	smov.u32 s11  }
0x2a3: {  	v17 =	vmul.u32 v9, v18;
	_ =	sdelay $0x1  }
0x2a4: {  	s9 =	sadd.s32 $0x40, s9;
	v16 =	vadd.s32 v16, v17;
	v17 =	vadd.s32 v12, v13  }
0x2a5: {  	s6 =	sshra.s32 s6, $0x2;
	v17 =	vshra.s32 v17, $0x1;
	vm0 =	vlt.s32 v15, v16  }
0x2a6: {  	v15 =	vld [tilespmem:s6+$0x9C40];
	v13 =	vsel vm0, v13, v17;
	v17 =	vadd.s32 $0x1, v17  }
0x2a7: {  	v16 =	vld [tilespmem:s6+$0xA410];
	[tilespmem:s0+$0xBB80] =	vst v13;
	v12 =	vsel vm0, v17, v12  }
0x2a8: {  	v17 =	vld [tilespmem:s6+$0xBB80];
	[tilespmem:s0+$0xB3B0] =	vst v12  }
0x2a9: {  	v18 =	vld [tilespmem:s6+$0xB3B0]  }
0x2aa: {  	v19 =	vld [tilespmem:s6+$0xCB20]  }
0x2ab: {  	v14 =	vadd.s32 $0xFFFFFFFF, v14;
	v20 =	vld [tilespmem:s6+$0xABE0]  }
0x2ac: {  	vm8 =	vgt.s32 v14, $0x0  }
0x2ad: {  	v14 =	vnsel vm8, $0x0, v14;
	v12 =	vadd.s32 v13, v12;
	v13 =	vmul.u32 v9, v16  }
0x2ae: {  	v14 =	vshll.u32 v14, $0x3;
	v12 =	vshra.s32 v12, $0x1;
	v16 =	vadd.s32 v18, v17  }
0x2af: {  	v12 =	vadd.s32 v14, v12;
	v13 =	vadd.s32 v15, v13;
	v14 =	vshra.s32 v16, $0x1  }
0x2b0: {  	vm9 =	vlt.s32 v19, v13;
	v13 =	vadd.s32 $0xFFFFFFFF, v20;
	v15 =	vadd.s32 $0x1, v14  }
0x2b1: {  	vm1 =	vgt.s32 v13, $0x0;
	v14 =	vsel vm9, v17, v14;
	v15 =	vsel vm9, v15, v18  }
0x2b2: {  	[tilespmem:s0+$0xC350] =	vst v12;
	v12 =	vnsel vm1, $0x0, v13;
	v13 =	vadd.s32 v14, v15  }
0x2b3: {  	[tilespmem:s6+$0xBB80] =	vst v14;
	v12 =	vshll.u32 v12, $0x3;
	v13 =	vshra.s32 v13, $0x1  }
0x2b4: {  	[tilespmem:s6+$0xB3B0] =	vst v15;
	v12 =	vadd.s32 v12, v13  }
0x2b5: {  	[tilespmem:s6+$0xC350] =	vst v12  }
0x2b6: {  	[tilespmem:s21], [sflag:$0x1] =	stream.indirect.gather [hbm4b:s7+s19], $0x1, s20, s19, $0xb8;
	[tilespmem:$0x13818] =	vst v63  }
0x2b7: {  	_ =	swait.ge [sflag:s22], $0x7D0  }
0x2b8: {  	[sflag:s22] =	ssyncset.done $0x0  }
0x2b9: {  	s6 =	simm.s32 $0x0;
	[sflag:s22] =	ssyncadd.s32 $0xFFFFF830  }
0x2ba: {  	v14 =	vld [tilespmem:s6+$0xABE0]  }
0x2bb: {  	v15 =	vld [tilespmem:s6+$0xB3B0]  }
0x2bc: {  	v12 =	vld [tilespmem:s6+$0xBB80]  }
0x2bd: {  	v17 =	vld [tilespmem:s6+$0xA410]  }
0x2be: {  	v18 =	vld [tilespmem:s6+$0xDAC0]  }
0x2bf: {  	v20 =	vld [tilespmem:s6+$0x9C40]  }
0x2c0: {  	v21 =	vld [tilespmem:s6+$0xCB20]  }
0x2c1: {  	s0 =	simm.s32 $0x10;
	v22 =	vld [tilespmem:s6+$0xD2F0]  }
0x2c2: {  	v13 =	vld [tilespmem:s0+$0xABE0];
	v19 =	vmul.u32 v9, v17  }
0x2c3: {  	v16 =	vld [tilespmem:s0+$0xB3B0];
	v23 =	vadd.s32 $0xFFFFFFFF, v14;
	v12 =	vadd.s32 v15, v12  }
0x2c4: {  	v24 =	vld [tilespmem:s0+$0xBB80];
	vm10 =	vgt.s32 v23, $0x0;
	v12 =	vshra.s32 v12, $0x1;
	v25 =	vadd.s32 v20, v19  }
0x2c5: {  	v23 =	vnsel vm10, $0x0, v23;
	v19 =	vld [tilespmem:s0+$0xA410];
	vm11 =	vlt.s32 v21, v25;
	v21 =	vadd.s32 $0x1, v12  }
0x2c6: {  	vm13 =	vlt.s32 v20, v17;
	v20 =	vld [tilespmem:s0+$0xCB20];
	v23 =	vshll.u32 v23, $0x3;
	v21 =	vsel vm11, v21, v15  }
0x2c7: {  	vm12 =	veq.s32 v14, $0x0;
	v15 =	vld [tilespmem:s0+$0x9C40];
	v14 =	vadd.s32 v23, v21  }
0x2c8: {  	v26 =	vadd.s32 $0xFFFFFFFF, v13;
	vm14 =	veq.s32 v22, $0x0;
	v12 =	vld [tilespmem:s0+$0xDAC0];
	v17 =	vsel vm12, $0x0, v14  }
0x2c9: {  	s13 =	simm.s32 $0x20;
	vm0 =	vmand vm13, vm14;
	vm15 =	vgt.s32 v26, $0x0;
	v14 =	vld [tilespmem:s0+$0xD2F0];
	v22 =	vadd.s32 v22, v17  }
0x2ca: {  	v21 =	vadd.s32 v16, v24;
	v17 =	vld [tilespmem:s13+$0xABE0];
	v24 =	vmul.u32 v9, v19;
	v27 =	vsel vm0, v18, v22  }
0x2cb: {  	v23 =	vnsel vm0, $0x0, v10;
	v18 =	vld [tilespmem:s13+$0xB3B0];
	v22 =	vshra.s32 v21, $0x1;
	vm2 =	vgt.s32 v27, $0x0  }
0x2cc: {  	s31 =	simm.s32 $0x0;
	s29 =	simm.s32 $0xC0;
	v21 =	vld [tilespmem:s13+$0xBB80];
	v25 =	vadd.s32 v15, v24;
	v24 =	vnsel vm15, $0x0, v26;
	v26 =	vnsel vm2, $0x0, v27  }
.LBB2_25:
0x2cd: {  	p1 =	sne.s32 s29, $0x1F00;
	v27 =	vld [tilespmem:s13+$0xA410];
	vm0 =	vlt.s32 v20, v25;
	v20 =	vadd.s32 $0x1, v22;
	v22 =	vmin.u32 v26, $0x4E1FF  }
0x2ce: {  	v24 =	vshll.u32 v24, $0x3;
	v25 =	vld [tilespmem:s13+$0xDAC0];
	v26 =	vsel vm0, v20, v16;
	v20 =	vadd.s32 v23, v22  }
0x2cf: {  	vm1 =	vlt.s32 v15, v19;
	vm0 =	veq.s32 v13, $0x0;
	v22 =	vadd.s32 v24, v26;
	v15 =	vld [tilespmem:s13+$0x9C40];
	[tilespmem:s6+$0xE290] =	vst v20;
	v13 =	vmovc v17;
	s6 =	smov.u32 s0;
	s0 =	smov.u32 s13  }
.Ltmp11:
0x2d0: {  	v24 =	vadd.s32 $0xFFFFFFFF, v13;
	v20 =	vld [tilespmem:s0+$0xCB20];
	v17 =	vsel vm0, $0x0, v22;
	vm0 =	veq.s32 v14, $0x0;
	v16 =	vmovc v18;
	(pc) =	sbr.rel @p1 .LBB2_25-.Ltmp11, $4  }
0x2d1: {  	s13 =	sshra.s32 s29, $0x2;
	v21 =	vadd.s32 v16, v21;
	vm0 =	vmand vm1, vm0;
	v18 =	vadd.s32 v14, v17;
	v14 =	vld [tilespmem:s0+$0xD2F0]  }
0x2d2: {  	vm1 =	vgt.s32 v24, $0x0;
	v17 =	vld [tilespmem:s13+$0xABE0];
	v26 =	vmul.u32 v9, v27;
	v28 =	vsel vm0, v12, v18;
	v19 =	vmovc v27  }
0x2d3: {  	v22 =	vshra.s32 v21, $0x1;
	v23 =	vnsel vm0, $0x0, v10;
	v18 =	vld [tilespmem:s13+$0xB3B0];
	vm2 =	vgt.s32 v28, $0x0;
	v12 =	vmovc v25  }
0x2d4: {  	s29 =	sadd.s32 $0x40, s29;
	v24 =	vnsel vm1, $0x0, v24;
	v21 =	vld [tilespmem:s13+$0xBB80];
	v25 =	vadd.s32 v15, v26;
	v26 =	vnsel vm2, $0x0, v28  }
0x2d5: {  	v27 =	vld [tilespmem:s13+$0xA410];
	v26 =	vmin.u32 v26, $0x4E1FF  }
0x2d6: {  	v28 =	vld [tilespmem:s13+$0xDAC0];
	v23 =	vadd.s32 v23, v26  }
0x2d7: {  	v58 =	vld [tilespmem:s13+$0x9C40];
	vm0 =	vlt.s32 v20, v25;
	[tilespmem:s6+$0xE290] =	vst v23  }
0x2d8: {  	v59 =	vadd.s32 $0x1, v22;
	v60 =	vshll.u32 v24, $0x3;
	vm7 =	veq.s32 v13, $0x0;
	v61 =	vld [tilespmem:s13+$0xCB20]  }
0x2d9: {  	vm1 =	vlt.s32 v15, v19;
	v16 =	vsel vm0, v59, v16;
	vm2 =	veq.s32 v14, $0x0  }
0x2da: {  	v13 =	vadd.s32 v60, v16;
	v15 =	vadd.s32 $0xFFFFFFFF, v17;
	v16 =	vmul.u32 v9, v27  }
0x2db: {  	vm8 =	vmand vm1, vm2;
	v13 =	vsel vm7, $0x0, v13;
	v62 =	vld [tilespmem:s13+$0xD2F0];
	v19 =	vadd.s32 v18, v21  }
0x2dc: {  	vm9 =	vgt.s32 v15, $0x0;
	v19 =	vshra.s32 v19, $0x1;
	v16 =	vadd.s32 v58, v16  }
0x2dd: {  	v15 =	vnsel vm9, $0x0, v15;
	vm10 =	vlt.s32 v61, v16;
	v16 =	vadd.s32 $0x1, v19  }
0x2de: {  	v13 =	vadd.s32 v14, v13;
	v14 =	vshll.u32 v15, $0x3;
	v15 =	vsel vm10, v16, v18  }
0x2df: {  	vm11 =	veq.s32 v17, $0x0;
	v12 =	vsel vm8, v12, v13;
	v13 =	vadd.s32 v14, v15  }
0x2e0: {  	vm12 =	vlt.s32 v58, v27;
	vm13 =	veq.s32 v62, $0x0;
	v13 =	vsel vm11, $0x0, v13  }
0x2e1: {  	vm14 =	vgt.s32 v12, $0x0;
	vm1 =	vmand vm12, vm13;
	v13 =	vadd.s32 v62, v13  }
0x2e2: {  	v12 =	vnsel vm14, $0x0, v12;
	v13 =	vsel vm1, v28, v13  }
0x2e3: {  	v12 =	vmin.u32 v12, $0x4E1FF;
	v14 =	vnsel vm8, $0x0, v10;
	vm15 =	vgt.s32 v13, $0x0  }
0x2e4: {  	v14 =	vadd.s32 v14, v12;
	v12 =	vnsel vm15, $0x0, v13  }
0x2e5: {  	v13 =	vnsel vm1, $0x0, v10;
	v15 =	vmin.u32 v12, $0x4E1FF;
	v12 =	vmul.u32 $0x3, v5  }
0x2e6: {  	[tilespmem:s0+$0xE290] =	vst v14;
	v13 =	vadd.s32 v13, v15  }
0x2e7: {  	s0 =	simm.s32 $0x9C40;
	[tilespmem:s13+$0xE290] =	vst v13;
	v13 =	vadd.s32 s31, v12  }
0x2e8: {  	s6 =	simm.s32 $0xE290;
	v15 =	vld [tilespmem:s0+$0x0];
	v14 =	vand.u32 $0x3FF8, v13;
	v13 =	vadd.s32 $0x1, v12  }
0x2e9: {  	v16 =	vld [tilespmem:s6+$0x0];
	v17 =	vor.u32 v6, v14;
	v14 =	vadd.s32 s31, v13  }
0x2ea: {  	v18 =	vand.u32 $0x3FF8, v14;
	v14 =	vadd.s32 $0x2, v12  }
0x2eb: {  	v18 =	vor.u32 v7, v18;
	v19 =	vadd.s32 s31, v14  }
0x2ec: {  	v19 =	vand.u32 $0x3FF8, v19  }
0x2ed: {  	v63 =	vmul.u32 $0x3, v15;
	v15 =	vor.u32 v8, v19  }
0x2ee: {  	[tilespmem:v17+s23+$0x0] =	vst.idx.msk $0xffff, v16  }
0x2ef: {  	[tilespmem:v17+s24+$0x0] =	vst.idx.msk $0xffff, v63;
	v17 =	vadd.s32 v9, v16  }
0x2f0: {  	[tilespmem:v18+s23+$0x0] =	vst.idx.msk $0xffff, v17;
	v17 =	vadd.s32 $0x1, v63  }
0x2f1: {  	v16 =	vadd.s32 v11, v16;
	[tilespmem:v18+s24+$0x0] =	vst.idx.msk $0xffff, v17  }
0x2f2: {  	s9 =	simm.s32 $0x60;
	s13 =	simm.s32 $0x30;
	[tilespmem:v15+s23+$0x0] =	vst.idx.msk $0xffff, v16;
	v16 =	vadd.s32 $0x2, v63  }
.LBB2_27:
0x2f3: {  	s6 =	sadd.s32 $0x10, s6  }
0x2f4: {  	v17 =	vadd.s32 s13, v12;
	[tilespmem:v15+s24+$0x0] =	vst.idx.msk $0xffff, v16;
	s0 =	sadd.s32 $0x10, s0;
	s11 =	smov.u32 s9;
	s29 =	sadd.s32 $0x30, s9  }
0x2f5: {  	p1 =	sne.s32 s9, $0x1740;
	v15 =	vld [tilespmem:s0+$0x0];
	v16 =	vand.u32 $0x3FF8, v17;
	v17 =	vadd.s32 $0x1, v12  }
0x2f6: {  	v18 =	vld [tilespmem:s6+$0x0];
	v16 =	vor.u32 v6, v16;
	v17 =	vadd.s32 s13, v17  }
0x2f7: {  	v19 =	vadd.s32 $0x2, v12;
	v17 =	vand.u32 $0x3FF8, v17  }
0x2f8: {  	v19 =	vadd.s32 s13, v19;
	s13 =	smov.u32 s11;
	v17 =	vor.u32 v7, v17  }
0x2f9: {  	v19 =	vand.u32 $0x3FF8, v19  }
0x2fa: {  	v20 =	vmul.u32 $0x3, v15;
	v15 =	vor.u32 v8, v19  }
.Ltmp12:
0x2fb: {  	[tilespmem:v16+s23+$0x0] =	vst.idx.msk $0xffff, v18;
	(pc) =	sbr.rel @p1 .LBB2_27-.Ltmp12, $4  }
0x2fc: {  	[tilespmem:v16+s24+$0x0] =	vst.idx.msk $0xffff, v20;
	v16 =	vadd.s32 v9, v18  }
0x2fd: {  	[tilespmem:v17+s23+$0x0] =	vst.idx.msk $0xffff, v16;
	v16 =	vadd.s32 $0x1, v20  }
0x2fe: {  	[tilespmem:v17+s24+$0x0] =	vst.idx.msk $0xffff, v16;
	v16 =	vadd.s32 v11, v18  }
0x2ff: {  	s9 =	smov.u32 s29;
	[tilespmem:v15+s23+$0x0] =	vst.idx.msk $0xffff, v16;
	v16 =	vadd.s32 $0x2, v20  }
0x300: {  	_ =	sdelay $0x3  }
0x301: {  	v12 =	vadd.s32 s13, v12;
	[tilespmem:v15+s24+$0x0] =	vst.idx.msk $0xffff, v16;
	s0 =	sadd.s32 $0x10, s0  }
0x302: {  	s6 =	sadd.s32 $0x10, s6;
	v15 =	vld [tilespmem:s0+$0x0];
	v12 =	vand.u32 $0x3FF8, v12  }
0x303: {  	v13 =	vadd.s32 s13, v13;
	v16 =	vld [tilespmem:s6+$0x0];
	v12 =	vor.u32 v6, v12  }
0x304: {  	v13 =	vand.u32 $0x3FF8, v13  }
0x305: {  	v14 =	vadd.s32 s13, v14;
	v13 =	vor.u32 v7, v13  }
0x306: {  	v14 =	vand.u32 $0x3FF8, v14  }
0x307: {  	v14 =	vor.u32 v8, v14;
	v15 =	vmul.u32 $0x3, v15  }
0x308: {  	[tilespmem:v12+s23+$0x0] =	vst.idx.msk $0xffff, v16  }
0x309: {  	v60 =	vadd.s32 v9, v16;
	[tilespmem:v12+s24+$0x0] =	vst.idx.msk $0xffff, v15  }
0x30a: {  	v61 =	vadd.s32 $0x1, v15;
	[tilespmem:v13+s23+$0x0] =	vst.idx.msk $0xffff, v60  }
0x30b: {  	v62 =	vadd.s32 v11, v16;
	[tilespmem:v13+s24+$0x0] =	vst.idx.msk $0xffff, v61  }
0x30c: {  	v63 =	vadd.s32 $0x2, v15;
	[tilespmem:v14+s23+$0x0] =	vst.idx.msk $0xffff, v62  }
0x30d: {  	[tilespmem:v14+s24+$0x0] =	vst.idx.msk $0xffff, v63  }
0x30e: {  	[tilespmem:s26], [sflag:$0x1] =	stream.indirect.gather [hbm4b:s2+s25], $0x1, s23, s25, $0xb8;
	[tilespmem:$0x13818] =	vst v63  }
0x30f: {  	s30 =	sadd.s32 $0x1, s30;
	_ =	swait.ge [sflag:s22], $0x1770  }
0x310: {  	p1 =	sne.s32 s30, $0x5;
	[sflag:s22] =	ssyncset.done $0x0  }
.Ltmp13:
0x311: {  	[sflag:s22] =	ssyncadd.s32 $0xFFFFE890;
	(pc) =	sbr.rel @p1 .LBB2_2-.Ltmp13, $4  }
0x312: {  	[spmem:s3] =	stream.indirect.scatter.add.f32 [tilespmem:s26], [sflag:$0x2], $0x1, s24, s25, $0xb8;
	[tilespmem:$0x13818] =	vst v63  }
0x313: {  	_ =	swait.ge [sflag:s17], $0x1770  }
0x314: {  	[sflag:s17] =	ssyncset.done $0x0  }
0x315: {  	s16 =	sadd.s32 $0x7D0, s16;
	[sflag:s17] =	ssyncadd.s32 $0xFFFFE890  }
0x316: {  	[bflag:$0x0] =	sbarrier.arrive $0xFFFF;
	s28 =	sadd.s32 $0x1, s28  }
0x317: {  	s0 =	simm.s32 @!p0 $0x1C02;
	s6 =	rddreg [dreg:$0x7];
	p1 =	sne.s32 s28, s12  }
0x318: {  	[hbm:s6], [sflag:s0] =	dma.local @!p0 [spmem:s18], $0xEA6  }
.Ltmp14:
0x319: {  	_ = 	snop;
	(pc) =	sbr.rel @p1 .LBB2_1-.Ltmp14, $4  }
0x31a: {  	s0 =	simm.s32 @!p0 $0x2  }
0x31b: {  	_ =	swait.ge @!p0 [sflag:s0], $0xEA6  }
0x31c: {  	[sflag:s0] =	ssyncset.done @!p0 $0x0  }
0x31d: {  	[sflag:s0] =	ssyncadd.s32 @!p0 $0xFFFFF15A  }
0x31e: {  	_ =	sfence.sel $0x180000  }
0x31f: {  	[bflag:$0x0] =	sbarrier.arrive $0xFFFF  }
0x320: {  	_ =	strace $0x90000047  }
0x321: {  	[bflag:$0x2] =	sbarrier.arrive $0xFFFF  }
0x322: {  	s0 =	rddreg [dreg:$0x3]  }
0x323: {  	s0 =	sadd.s32 @!p0 $0x100000, s0  }
0x324: {  	[sflag:s0] =	ssyncadd.tile.s32 @!p0 $0x1;
	_ =	shalt  }
.Lfunc_end2:
_tile_overlayer_lowered:
.L_overlay_start_2:
0x325: {  	(tag) =	ssettag $0x2  }
0x326: {  	s0 =	rddreg [dreg:$0x0];
	s2 =	stileid.u32  }
0x327: {  	s1 =	rddreg [dreg:$0x1];
	p0 =	sne.s32 s2, $0x0  }
0x328: {  	s3 =	rddreg [dreg:$0x2];
	[bflag:$0x3] =	sbarrier.arrive $0xFFFF;
	s2 =	simm.s32 @!p0 $0x1C02  }
0x329: {  	[timem:s3], [sflag:s2] =	dma.local @!p0 [hbm:s0], s1  }
0x32a: {  	s0 =	simm.s32 @!p0 $0x2  }
0x32b: {  	_ =	swait.ge @!p0 [sflag:s0], s1  }
0x32c: {  	s1 =	ssub.s32 @!p0 $0x0, s1;
	[sflag:s0] =	ssyncset.done @!p0 $0x0  }
0x32d: {  	[sflag:s0] =	ssyncadd.s32 @!p0 s1  }
0x32e: {  	[bflag:$0x3] =	sbarrier.arrive $0xFFFF  }
0x32f: {  	_ =	shalt  }

</sc_bundles>
